<compile_context>
chip_gen: v7x
topology: tpu7x:2x2x1
jax: 0.10.2.dev20260603
libtpu: 0.0.44.dev20260713+nightly
codegen_flags: <defaults>
</compile_context>

<pallas_src>
import functools

import jax
import jax.numpy as jnp
from jax import lax
from jax.experimental import pallas as pl
from jax.experimental.pallas import tpu as pltpu
from jax.experimental.pallas import tpu_sc as plsc

_N = 10000
_E = 320000
_D = 128
_H = 256
_NC = 2
_NS = 16
_CHUNK = 64
_NBUF = 4
_IBLK = 40
_E_PAD = 327680
_NCHUNKS = _E_PAD // _CHUNK
_N_OUT = 10240
_RPT = _N_OUT // _NS
_ZROWS = 32


def _make_sc_agg(num_tables: int, split_edges: bool):
    epc = _E_PAD // _NC if split_edges else _E_PAD
    ept = epc // _NS
    cpt = ept // _CHUNK
    nfull = cpt // _IBLK
    rem_blk = cpt % _IBLK
    assert nfull >= 1 and _IBLK % _NBUF == 0

    mesh = plsc.VectorSubcoreMesh(core_axis_name="c", subcore_axis_name="s")
    scratch = [
        pltpu.VMEM((_IBLK, _CHUNK), jnp.int32),
        pltpu.VMEM((_IBLK, _CHUNK), jnp.int32),
        [pltpu.VMEM((_CHUNK, _D), jnp.float32) for _ in range(_NBUF)],
        pltpu.VMEM((_ZROWS, _D), jnp.float32),
        pltpu.VMEM_SHARED((_N_OUT, _D), jnp.float32),
        pltpu.SemaphoreType.DMA,
        pltpu.SemaphoreType.DMA,
    ]

    @functools.partial(
        pl.kernel,
        out_type=jax.ShapeDtypeStruct((_NC, _N_OUT, _D), jnp.float32),
        mesh=mesh,
        scratch_types=scratch,
    )
    def sc_agg(*refs):
        if num_tables == 1:
            t0, eidx, outr, src_i, dst_i, rows, zbuf, acc, sem_g, sem_s = refs
            t1 = t0
        else:
            t0, t1, eidx, outr, src_i, dst_i, rows, zbuf, acc, sem_g, sem_s = refs
        c = lax.axis_index("c")
        s = lax.axis_index("s")

        cb = (c * (epc // _CHUNK) if split_edges else 0) + s * cpt

        def fire_gather(k, buf):
            if num_tables == 1:
                pltpu.async_copy(t0.at[src_i.at[k]], buf, sem_g)
            else:
                @pl.when(c == 0)
                def _g0():
                    pltpu.async_copy(t0.at[src_i.at[k]], buf, sem_g)

                @pl.when(c == 1)
                def _g1():
                    pltpu.async_copy(t1.at[src_i.at[k]], buf, sem_g)

        def wait_gather(k, buf):
            pltpu.make_async_copy(t0.at[src_i.at[k]], buf, sem_g).wait()

        def fire_scatter(k, buf):
            pltpu.async_copy(buf, acc.at[dst_i.at[k]], sem_s, add=True)

        def wait_scatter(k, buf):
            pltpu.make_async_copy(buf, acc.at[dst_i.at[k]], sem_s).wait()

        def stage(base_chunk, nchunks):
            pltpu.sync_copy(eidx.at[0, pl.ds(base_chunk, nchunks)],
                            src_i.at[pl.ds(0, nchunks)])
            pltpu.sync_copy(eidx.at[1, pl.ds(base_chunk, nchunks)],
                            dst_i.at[pl.ds(0, nchunks)])

        def prologue():
            for b in range(_NBUF - 1):
                fire_gather(b, rows[b])

        def pipe(nchunks):
            ngrp = nchunks // _NBUF

            def grp(g, carry2):
                for b in range(_NBUF):
                    k = g * _NBUF + b
                    wait_gather(k, rows[b])
                    fire_scatter(k, rows[b])
                    prev = rows[(b - 1) % _NBUF]
                    nxt = rows[(b + _NBUF - 1) % _NBUF]
                    if b == 0:
                        @pl.when(g > 0)
                        def _ws():
                            wait_scatter(k - 1, prev)
                    else:
                        wait_scatter(k - 1, prev)
                    if _NBUF * (ngrp - 1) + b + _NBUF - 1 < nchunks:
                        fire_gather(k + _NBUF - 1, nxt)
                    else:
                        @pl.when(g < ngrp - 1)
                        def _fg():
                            fire_gather(k + _NBUF - 1, nxt)
                return carry2
            lax.fori_loop(0, ngrp, grp, 0)
            for k in range(ngrp * _NBUF, nchunks):
                b = k % _NBUF
                wait_gather(k, rows[b])
                fire_scatter(k, rows[b])
                wait_scatter(k - 1, rows[(b - 1) % _NBUF])
                if k + _NBUF - 1 < nchunks:
                    fire_gather(k + _NBUF - 1, rows[(b + _NBUF - 1) % _NBUF])
            wait_scatter(nchunks - 1, rows[(nchunks - 1) % _NBUF])

        stage(cb, _IBLK)
        prologue()

        def zrow(i, carry):
            zbuf[i // 8, pl.ds((i % 8) * 16, 16)] = jnp.zeros((16,), jnp.float32)
            return carry
        lax.fori_loop(0, _ZROWS * 8, zrow, 0)

        def zdma(j, carry):
            pltpu.sync_copy(zbuf, acc.at[pl.ds(s * _RPT + j * _ZROWS, _ZROWS)])
            return carry
        lax.fori_loop(0, _RPT // _ZROWS, zdma, 0)
        plsc.subcore_barrier()

        pipe(_IBLK)

        def blk(j, carry):
            stage(cb + j * _IBLK, _IBLK)
            prologue()
            pipe(_IBLK)
            return carry
        if nfull > 1:
            lax.fori_loop(1, nfull, blk, 0)
        if rem_blk:
            stage(cb + nfull * _IBLK, rem_blk)
            prologue()
            pipe(rem_blk)
        plsc.subcore_barrier()

        pltpu.sync_copy(acc.at[pl.ds(s * _RPT, _RPT)],
                        outr.at[c, pl.ds(s * _RPT, _RPT)])

    return sc_agg


_sc_agg_conv1 = _make_sc_agg(num_tables=1, split_edges=True)
_sc_agg_conv2 = _make_sc_agg(num_tables=2, split_edges=False)

_BM = 1000


def _mlp1_body(x_ref, agg_ref0, agg_ref1, wa, ba, wb, bb, h0o, h1o):
    h = x_ref[...] + agg_ref0[0] + agg_ref1[0]
    a = jnp.dot(h, wa[...], preferred_element_type=jnp.float32) + ba[...]
    a = jnp.maximum(a, 0.0)
    m = jnp.dot(a, wb[...], preferred_element_type=jnp.float32) + bb[...]
    m = jnp.maximum(m, 0.0)
    h0o[...] = m[:, :_D]
    h1o[...] = m[:, _D:]


_mlp1_call = pl.pallas_call(
    _mlp1_body,
    grid=(_N // _BM,),
    in_specs=[
        pl.BlockSpec((_BM, _D), lambda i: (i, 0)),
        pl.BlockSpec((1, _BM, _D), lambda i: (0, i, 0)),
        pl.BlockSpec((1, _BM, _D), lambda i: (1, i, 0)),
        pl.BlockSpec((_D, _H), lambda i: (0, 0)),
        pl.BlockSpec((1, _H), lambda i: (0, 0)),
        pl.BlockSpec((_H, _H), lambda i: (0, 0)),
        pl.BlockSpec((1, _H), lambda i: (0, 0)),
    ],
    out_specs=[pl.BlockSpec((_BM, _D), lambda i: (i, 0))] * 2,
    out_shape=[jax.ShapeDtypeStruct((_N, _D), jnp.float32)] * 2,
)


def _mlp2_body(h0_ref, h1_ref, agg_ref0, agg_ref1, wa, ba, wb, bb, wl, blr,
               outo):
    h = jnp.concatenate([h0_ref[...] + agg_ref0[0],
                         h1_ref[...] + agg_ref1[0]], axis=1)
    a = jnp.dot(h, wa[...], preferred_element_type=jnp.float32) + ba[...]
    a = jnp.maximum(a, 0.0)
    m = jnp.dot(a, wb[...], preferred_element_type=jnp.float32) + bb[...]
    m = jnp.maximum(m, 0.0)
    outo[...] = jnp.dot(m, wl[...], preferred_element_type=jnp.float32) + blr[...]


_mlp2_call = pl.pallas_call(
    _mlp2_body,
    grid=(_N // _BM,),
    in_specs=[
        pl.BlockSpec((_BM, _D), lambda i: (i, 0)),
        pl.BlockSpec((_BM, _D), lambda i: (i, 0)),
        pl.BlockSpec((1, _BM, _D), lambda i: (0, i, 0)),
        pl.BlockSpec((1, _BM, _D), lambda i: (1, i, 0)),
        pl.BlockSpec((_H, _H), lambda i: (0, 0)),
        pl.BlockSpec((1, _H), lambda i: (0, 0)),
        pl.BlockSpec((_H, _H), lambda i: (0, 0)),
        pl.BlockSpec((1, _H), lambda i: (0, 0)),
        pl.BlockSpec((_H, 2), lambda i: (0, 0)),
        pl.BlockSpec((1, 2), lambda i: (0, 0)),
    ],
    out_specs=pl.BlockSpec((_BM, 2), lambda i: (i, 0)),
    out_shape=jax.ShapeDtypeStruct((_N, 2), jnp.float32),
)


def kernel(x, edge_index, W1a, b1a, W1b, b1b, W2a, b2a, W2b, b2b, Wl, bl):
    ei = edge_index.astype(jnp.int32)
    pad = _E_PAD - _E
    r = jnp.arange(pad, dtype=jnp.int32)
    pad_cols = jnp.stack([r % _N, _N + r % (_N_OUT - _N)])
    eidx = jnp.concatenate([ei, pad_cols], axis=1).reshape(2, _NCHUNKS, _CHUNK)

    agg1 = _sc_agg_conv1(x, eidx)
    h0, h1 = _mlp1_call(x, agg1, agg1,
                        W1a, b1a.reshape(1, _H), W1b, b1b.reshape(1, _H))
    agg2 = _sc_agg_conv2(h0, h1, eidx)
    out = _mlp2_call(h0, h1, agg2, agg2,
                     W2a, b2a.reshape(1, _H), W2b, b2b.reshape(1, _H),
                     Wl, bl.reshape(1, 2))
    return out

# --- scband reference (transcript-rebuilt; emitter-appended) ---
"""Pipeline reference for scband-gin-32719060861014 (READ-ONLY COPY).

The authoritative reference and input builder live on the scoring server;
editing this copy changes nothing except your own understanding.
"""

import jax, jax.numpy as jnp
import numpy as np

N_NODES = 10000
N_EDGES = 320000
D_FEAT = 128
HIDDEN = 256

def setup_inputs(seed: int = 0) -> dict:
    key = jax.random.key(seed)
    ks = jax.random.split(key, 12)
    x = jax.random.normal(ks[0], (N_NODES, D_FEAT), dtype=jnp.float32)
    edge_index = jax.random.randint(ks[1], (2, N_EDGES), 0, N_NODES, dtype=jnp.int64)
    def lin(k, fan_in, fan_out):
        bound = 1.0 / np.sqrt(fan_in)
        k1, k2 = jax.random.split(k)
        W = jax.random.uniform(k1, (fan_in, fan_out), minval=-bound, maxval=bound, dtype=jnp.float32)
        b = jax.random.uniform(k2, (fan_out,), minval=-bound, maxval=bound, dtype=jnp.float32)
        return W, b
    W1a, b1a = lin(ks[2], D_FEAT, HIDDEN)
    W1b, b1b = lin(ks[3], HIDDEN, HIDDEN)
    W2a, b2a = lin(ks[4], HIDDEN, HIDDEN)
    W2b, b2b = lin(ks[5], HIDDEN, HIDDEN)
    Wl, bl = lin(ks[6], HIDDEN, 2)
    return {"x": x, "edge_index": edge_index,
            "W1a": W1a, "b1a": b1a, "W1b": W1b, "b1b": b1b,
            "W2a": W2a, "b2a": b2a, "W2b": W2b, "b2b": b2b,
            "Wl": Wl, "bl": bl}

def _gin_conv(x, src, dst, Wa, ba, Wb, bb):
    # GINConv with eps=0: mlp((1+eps)*x + sum_{j in N(i)} x_j)
    msgs = jnp.take(x, src, axis=0)
    agg = jax.ops.segment_sum(msgs, dst, num_segments=N_NODES)
    h = x + agg
    h = jnp.maximum(h @ Wa + ba, 0.0)
    h = h @ Wb + bb
    return h

def reference(x, edge_index, W1a, b1a, W1b, b1b, W2a, b2a, W2b, b2b, Wl, bl):
    src = edge_index[0]
    dst = edge_index[1]
    h = _gin_conv(x, src, dst, W1a, b1a, W1b, b1b)
    h = jnp.maximum(h, 0.0)
    h = _gin_conv(h, src, dst, W2a, b2a, W2b, b2b)
    h = jnp.maximum(h, 0.0)
    out = h @ Wl + bl
    return out

if __name__ == "__main__":
    import jax
    _d = setup_inputs()
    print(jax.jit(kernel)(*tuple(_d.values())))

</pallas_src>

<mosaic_0001>
#map = affine_map<(d0, d1) -> (0, 0)>
#map1 = affine_map<(d0, d1) -> (0, 0, 0)>
module attributes {stable_mosaic.version = 14 : i64} {
  func.func @sc_agg(%arg0: i32, %arg1: i32, %arg2: memref<10000x128xf32, #tpu.memory_space<hbm>>, %arg3: memref<2x5120x64xi32, #tpu.memory_space<hbm>>, %arg4: memref<2x10240x128xf32, #tpu.memory_space<hbm>>, %arg5: memref<40x64xi32, #tpu.memory_space<vmem>>, %arg6: memref<40x64xi32, #tpu.memory_space<vmem>>, %arg7: memref<64x128xf32, #tpu.memory_space<vmem>>, %arg8: memref<64x128xf32, #tpu.memory_space<vmem>>, %arg9: memref<64x128xf32, #tpu.memory_space<vmem>>, %arg10: memref<64x128xf32, #tpu.memory_space<vmem>>, %arg11: memref<32x128xf32, #tpu.memory_space<vmem>>, %arg12: memref<10240x128xf32, #tpu.memory_space<vmem_shared>>, %arg13: memref<!tpu.dma_semaphore, #tpu.memory_space<semaphore_mem>>, %arg14: memref<!tpu.dma_semaphore, #tpu.memory_space<semaphore_mem>>) attributes {dimension_semantics = [#tpu.dimension_semantics<core_parallel>, #tpu.dimension_semantics<subcore_parallel>], iteration_bounds = array<i64: 2, 16>, scalar_prefetch = 0 : i64, scratch_operands = 10 : i64, tpu.core_type = #tpu.core_type<sc_vector_subcore>, window_params = [{transform_indices = #map}, {transform_indices = #map1}, {transform_indices = #map1}]} {
    %mul3A = arith.constant 2560 : i32
    %mul3A_0 = arith.muli %arg0, %mul3A : i32
    %mul3A_1 = arith.constant 160 : i32
    %mul3A_2 = arith.muli %arg1, %mul3A_1 : i32
    %add3A = arith.addi %mul3A_0, %mul3A_2 : i32
    %run_scoped3A = arith.constant 0 : i32
    "tpu.region"() ({
      %run_scoped3A_58 = tpu.sem_alloc : memref<!tpu.dma_semaphore, #tpu.memory_space<semaphore_mem>>
      %dma_start3A_59 = arith.constant 0 : i32
      %dma_start3A_60 = arith.constant 0 : i32
      %dma_start3A_61 = tpu.memref_slice %arg5[%dma_start3A_59, %dma_start3A_60] : memref<40x64xi32, #tpu.memory_space<vmem>> -> memref<40x64xi32, #tpu.memory_space<vmem>>
      %dma_start3A_62 = arith.constant 0 : i32
      %dma_start3A_63 = tpu.memref_slice %arg3[%run_scoped3A, %add3A, %dma_start3A_62] : memref<2x5120x64xi32, #tpu.memory_space<hbm>> -> memref<1x40x64xi32, #tpu.memory_space<hbm>>
      %dma_start3A_64 = tpu.memref_squeeze %dma_start3A_63 : memref<1x40x64xi32, #tpu.memory_space<hbm>> -> memref<40x64xi32, #tpu.memory_space<hbm>>
      %dma_start3A_65 = arith.constant 0 : i32
      %dma_start3A_66 = arith.constant 0 : i32
      %dma_start3A_67 = tpu.memref_slice %arg5[%dma_start3A_65, %dma_start3A_66] : memref<40x64xi32, #tpu.memory_space<vmem>> -> memref<40x64xi32, #tpu.memory_space<vmem>>
      %dma_start3A_68 = arith.constant 0 : i32
      %dma_start3A_69 = tpu.memref_slice %arg3[%run_scoped3A, %add3A, %dma_start3A_68] : memref<2x5120x64xi32, #tpu.memory_space<hbm>> -> memref<1x40x64xi32, #tpu.memory_space<hbm>>
      %dma_start3A_70 = tpu.memref_squeeze %dma_start3A_69 : memref<1x40x64xi32, #tpu.memory_space<hbm>> -> memref<40x64xi32, #tpu.memory_space<hbm>>
      tpu.enqueue_dma source(%dma_start3A_70 : memref<40x64xi32, #tpu.memory_space<hbm>>) target(%dma_start3A_67 : memref<40x64xi32, #tpu.memory_space<vmem>>) target_semaphore(%run_scoped3A_58 : memref<!tpu.dma_semaphore, #tpu.memory_space<semaphore_mem>>)
      %dma_wait3A_71 = arith.constant 0 : i32
      %dma_wait3A_72 = arith.constant 0 : i32
      %dma_wait3A_73 = tpu.memref_slice %arg5[%dma_wait3A_71, %dma_wait3A_72] : memref<40x64xi32, #tpu.memory_space<vmem>> -> memref<40x64xi32, #tpu.memory_space<vmem>>
      %dma_wait3A_74 = arith.constant 0 : i32
      %dma_wait3A_75 = tpu.memref_slice %arg3[%run_scoped3A, %add3A, %dma_wait3A_74] : memref<2x5120x64xi32, #tpu.memory_space<hbm>> -> memref<1x40x64xi32, #tpu.memory_space<hbm>>
      %dma_wait3A_76 = tpu.memref_squeeze %dma_wait3A_75 : memref<1x40x64xi32, #tpu.memory_space<hbm>> -> memref<40x64xi32, #tpu.memory_space<hbm>>
      %dma_wait3A_77 = arith.constant 0 : i32
      %dma_wait3A_78 = arith.constant 0 : i32
      %dma_wait3A_79 = tpu.memref_slice %arg5[%dma_wait3A_77, %dma_wait3A_78] : memref<40x64xi32, #tpu.memory_space<vmem>> -> memref<40x64xi32, #tpu.memory_space<vmem>>
      %dma_wait3A_80 = arith.constant 0 : i32
      %dma_wait3A_81 = tpu.memref_slice %arg3[%run_scoped3A, %add3A, %dma_wait3A_80] : memref<2x5120x64xi32, #tpu.memory_space<hbm>> -> memref<1x40x64xi32, #tpu.memory_space<hbm>>
      %dma_wait3A_82 = tpu.memref_squeeze %dma_wait3A_81 : memref<1x40x64xi32, #tpu.memory_space<hbm>> -> memref<40x64xi32, #tpu.memory_space<hbm>>
      tpu.wait_dma2 semaphore(%run_scoped3A_58 : memref<!tpu.dma_semaphore, #tpu.memory_space<semaphore_mem>>) src(%dma_wait3A_82 : memref<40x64xi32, #tpu.memory_space<hbm>>) dst(%dma_wait3A_79 : memref<40x64xi32, #tpu.memory_space<vmem>>)
      tpu.yield
    }) : () -> ()
    %run_scoped3A_3 = arith.constant 1 : i32
    "tpu.region"() ({
      %run_scoped3A_58 = tpu.sem_alloc : memref<!tpu.dma_semaphore, #tpu.memory_space<semaphore_mem>>
      %dma_start3A_59 = arith.constant 0 : i32
      %dma_start3A_60 = arith.constant 0 : i32
      %dma_start3A_61 = tpu.memref_slice %arg6[%dma_start3A_59, %dma_start3A_60] : memref<40x64xi32, #tpu.memory_space<vmem>> -> memref<40x64xi32, #tpu.memory_space<vmem>>
      %dma_start3A_62 = arith.constant 0 : i32
      %dma_start3A_63 = tpu.memref_slice %arg3[%run_scoped3A_3, %add3A, %dma_start3A_62] : memref<2x5120x64xi32, #tpu.memory_space<hbm>> -> memref<1x40x64xi32, #tpu.memory_space<hbm>>
      %dma_start3A_64 = tpu.memref_squeeze %dma_start3A_63 : memref<1x40x64xi32, #tpu.memory_space<hbm>> -> memref<40x64xi32, #tpu.memory_space<hbm>>
      %dma_start3A_65 = arith.constant 0 : i32
      %dma_start3A_66 = arith.constant 0 : i32
      %dma_start3A_67 = tpu.memref_slice %arg6[%dma_start3A_65, %dma_start3A_66] : memref<40x64xi32, #tpu.memory_space<vmem>> -> memref<40x64xi32, #tpu.memory_space<vmem>>
      %dma_start3A_68 = arith.constant 0 : i32
      %dma_start3A_69 = tpu.memref_slice %arg3[%run_scoped3A_3, %add3A, %dma_start3A_68] : memref<2x5120x64xi32, #tpu.memory_space<hbm>> -> memref<1x40x64xi32, #tpu.memory_space<hbm>>
      %dma_start3A_70 = tpu.memref_squeeze %dma_start3A_69 : memref<1x40x64xi32, #tpu.memory_space<hbm>> -> memref<40x64xi32, #tpu.memory_space<hbm>>
      tpu.enqueue_dma source(%dma_start3A_70 : memref<40x64xi32, #tpu.memory_space<hbm>>) target(%dma_start3A_67 : memref<40x64xi32, #tpu.memory_space<vmem>>) target_semaphore(%run_scoped3A_58 : memref<!tpu.dma_semaphore, #tpu.memory_space<semaphore_mem>>)
      %dma_wait3A_71 = arith.constant 0 : i32
      %dma_wait3A_72 = arith.constant 0 : i32
      %dma_wait3A_73 = tpu.memref_slice %arg6[%dma_wait3A_71, %dma_wait3A_72] : memref<40x64xi32, #tpu.memory_space<vmem>> -> memref<40x64xi32, #tpu.memory_space<vmem>>
      %dma_wait3A_74 = arith.constant 0 : i32
      %dma_wait3A_75 = tpu.memref_slice %arg3[%run_scoped3A_3, %add3A, %dma_wait3A_74] : memref<2x5120x64xi32, #tpu.memory_space<hbm>> -> memref<1x40x64xi32, #tpu.memory_space<hbm>>
      %dma_wait3A_76 = tpu.memref_squeeze %dma_wait3A_75 : memref<1x40x64xi32, #tpu.memory_space<hbm>> -> memref<40x64xi32, #tpu.memory_space<hbm>>
      %dma_wait3A_77 = arith.constant 0 : i32
      %dma_wait3A_78 = arith.constant 0 : i32
      %dma_wait3A_79 = tpu.memref_slice %arg6[%dma_wait3A_77, %dma_wait3A_78] : memref<40x64xi32, #tpu.memory_space<vmem>> -> memref<40x64xi32, #tpu.memory_space<vmem>>
      %dma_wait3A_80 = arith.constant 0 : i32
      %dma_wait3A_81 = tpu.memref_slice %arg3[%run_scoped3A_3, %add3A, %dma_wait3A_80] : memref<2x5120x64xi32, #tpu.memory_space<hbm>> -> memref<1x40x64xi32, #tpu.memory_space<hbm>>
      %dma_wait3A_82 = tpu.memref_squeeze %dma_wait3A_81 : memref<1x40x64xi32, #tpu.memory_space<hbm>> -> memref<40x64xi32, #tpu.memory_space<hbm>>
      tpu.wait_dma2 semaphore(%run_scoped3A_58 : memref<!tpu.dma_semaphore, #tpu.memory_space<semaphore_mem>>) src(%dma_wait3A_82 : memref<40x64xi32, #tpu.memory_space<hbm>>) dst(%dma_wait3A_79 : memref<40x64xi32, #tpu.memory_space<vmem>>)
      tpu.yield
    }) : () -> ()
    %dma_start3A = arith.constant 0 : i32
    %dma_start3A_4 = arith.constant 0 : i32
    %dma_start3A_5 = tpu.memref_slice %arg5[%dma_start3A, %dma_start3A_4] : memref<40x64xi32, #tpu.memory_space<vmem>> -> memref<1x64xi32, #tpu.memory_space<vmem>>
    %dma_start3A_6 = tpu.memref_squeeze %dma_start3A_5 : memref<1x64xi32, #tpu.memory_space<vmem>> -> memref<64xi32, #tpu.memory_space<vmem>>
    %dma_start3A_7 = arith.constant 0 : i32
    %dma_start3A_8 = arith.constant 0 : i32
    %dma_start3A_9 = tpu.memref_slice %arg2[%dma_start3A_7, %dma_start3A_8] : memref<10000x128xf32, #tpu.memory_space<hbm>> -> memref<10000x128xf32, #tpu.memory_space<hbm>>
    tpu.enqueue_indirect_dma source(%dma_start3A_9 : memref<10000x128xf32, #tpu.memory_space<hbm>>) target(%arg7 : memref<64x128xf32, #tpu.memory_space<vmem>>) offsets(%dma_start3A_6 : memref<64xi32, #tpu.memory_space<vmem>>) semaphore(%arg13 : memref<!tpu.dma_semaphore, #tpu.memory_space<semaphore_mem>>)
    %dma_start3A_10 = arith.constant 1 : i32
    %dma_start3A_11 = arith.constant 0 : i32
    %dma_start3A_12 = tpu.memref_slice %arg5[%dma_start3A_10, %dma_start3A_11] : memref<40x64xi32, #tpu.memory_space<vmem>> -> memref<1x64xi32, #tpu.memory_space<vmem>>
    %dma_start3A_13 = tpu.memref_squeeze %dma_start3A_12 : memref<1x64xi32, #tpu.memory_space<vmem>> -> memref<64xi32, #tpu.memory_space<vmem>>
    %dma_start3A_14 = arith.constant 0 : i32
    %dma_start3A_15 = arith.constant 0 : i32
    %dma_start3A_16 = tpu.memref_slice %arg2[%dma_start3A_14, %dma_start3A_15] : memref<10000x128xf32, #tpu.memory_space<hbm>> -> memref<10000x128xf32, #tpu.memory_space<hbm>>
    tpu.enqueue_indirect_dma source(%dma_start3A_16 : memref<10000x128xf32, #tpu.memory_space<hbm>>) target(%arg8 : memref<64x128xf32, #tpu.memory_space<vmem>>) offsets(%dma_start3A_13 : memref<64xi32, #tpu.memory_space<vmem>>) semaphore(%arg13 : memref<!tpu.dma_semaphore, #tpu.memory_space<semaphore_mem>>)
    %dma_start3A_17 = arith.constant 2 : i32
    %dma_start3A_18 = arith.constant 0 : i32
    %dma_start3A_19 = tpu.memref_slice %arg5[%dma_start3A_17, %dma_start3A_18] : memref<40x64xi32, #tpu.memory_space<vmem>> -> memref<1x64xi32, #tpu.memory_space<vmem>>
    %dma_start3A_20 = tpu.memref_squeeze %dma_start3A_19 : memref<1x64xi32, #tpu.memory_space<vmem>> -> memref<64xi32, #tpu.memory_space<vmem>>
    %dma_start3A_21 = arith.constant 0 : i32
    %dma_start3A_22 = arith.constant 0 : i32
    %dma_start3A_23 = tpu.memref_slice %arg2[%dma_start3A_21, %dma_start3A_22] : memref<10000x128xf32, #tpu.memory_space<hbm>> -> memref<10000x128xf32, #tpu.memory_space<hbm>>
    tpu.enqueue_indirect_dma source(%dma_start3A_23 : memref<10000x128xf32, #tpu.memory_space<hbm>>) target(%arg9 : memref<64x128xf32, #tpu.memory_space<vmem>>) offsets(%dma_start3A_20 : memref<64xi32, #tpu.memory_space<vmem>>) semaphore(%arg13 : memref<!tpu.dma_semaphore, #tpu.memory_space<semaphore_mem>>)
    %scan3A = arith.constant 0 : i32
    %scan3A_24 = arith.constant 0 : i32
    %scan3A_25 = arith.constant 256 : i32
    %scan3A_26 = arith.addi %scan3A_24, %scan3A_25 : i32
    %scan3A_27 = arith.constant 1 : i32
    scf.for %scan3A_58 = %scan3A_24 to %scan3A_26 step %scan3A_27  : i32 {
      %broadcast_in_dim3A = arith.constant 0.000000e+00 : f32
      %broadcast_in_dim3A_59 = vector.broadcast %broadcast_in_dim3A : f32 to vector<16xf32>
      %jit3A = arith.constant 8 : i32
      %div3A = arith.divsi %scan3A_58, %jit3A : i32
      %sign3A = arith.constant 0 : i32
      %sign3A_60 = arith.cmpi sgt, %scan3A_58, %sign3A : i32
      %sign3A_61 = arith.extui %sign3A_60 : i1 to i32
      %sign3A_62 = arith.constant 0 : i32
      %sign3A_63 = arith.cmpi slt, %scan3A_58, %sign3A_62 : i32
      %sign3A_64 = arith.extui %sign3A_63 : i1 to i32
      %sign3A_65 = arith.subi %sign3A_61, %sign3A_64 : i32
      %sign3A_66 = arith.constant 0 : i32
      %sign3A_67 = arith.cmpi sgt, %jit3A, %sign3A_66 : i32
      %sign3A_68 = arith.extui %sign3A_67 : i1 to i32
      %sign3A_69 = arith.constant 0 : i32
      %sign3A_70 = arith.cmpi slt, %jit3A, %sign3A_69 : i32
      %sign3A_71 = arith.extui %sign3A_70 : i1 to i32
      %sign3A_72 = arith.subi %sign3A_68, %sign3A_71 : i32
      %ne3A = arith.cmpi ne, %sign3A_65, %sign3A_72 : i32
      %rem3A = arith.remsi %scan3A_58, %jit3A : i32
      %ne3A_73 = arith.constant 0 : i32
      %ne3A_74 = arith.cmpi ne, %rem3A, %ne3A_73 : i32
      %and3A = arith.andi %ne3A, %ne3A_74 : i1
      %sub3A = arith.constant 1 : i32
      %sub3A_75 = arith.subi %div3A, %sub3A : i32
      %select_n3A = arith.select %and3A, %sub3A_75, %div3A : i32
      %jit3A_76 = arith.constant 8 : i32
      %eq3A = arith.constant 0 : i32
      %eq3A_77 = arith.cmpi eq, %jit3A_76, %eq3A : i32
      %jit3A_78 = arith.constant 1 : i32
      %select_n3A_79 = arith.select %eq3A_77, %jit3A_78, %jit3A_76 : i32
      %rem3A_80 = arith.remsi %scan3A_58, %select_n3A_79 : i32
      %ne3A_81 = arith.constant 0 : i32
      %ne3A_82 = arith.cmpi ne, %rem3A_80, %ne3A_81 : i32
      %lt3A = arith.constant 0 : i32
      %lt3A_83 = arith.cmpi slt, %rem3A_80, %lt3A : i32
      %lt3A_84 = arith.constant 0 : i32
      %lt3A_85 = arith.cmpi slt, %select_n3A_79, %lt3A_84 : i32
      %ne3A_86 = arith.xori %lt3A_83, %lt3A_85 : i1
      %and3A_87 = arith.andi %ne3A_86, %ne3A_82 : i1
      %add3A_88 = arith.addi %rem3A_80, %select_n3A_79 : i32
      %select_n3A_89 = arith.select %and3A_87, %add3A_88, %rem3A_80 : i32
      %mul3A_90 = arith.constant 16 : i32
      %mul3A_91 = arith.muli %select_n3A_89, %mul3A_90 : i32
      %swap3A = arith.index_cast %select_n3A : i32 to index
      %swap3A_92 = arith.index_cast %mul3A_91 : i32 to index
      %swap3A_93 = tpu.vector_load %arg11[%swap3A, %swap3A_92] {strides = array<i32>} : memref<32x128xf32, #tpu.memory_space<vmem>>, vector<1x16xf32>,
      %swap3A_94 = vector.shape_cast %swap3A_93 : vector<1x16xf32> to vector<16xf32>
      %swap3A_95 = vector.shape_cast %broadcast_in_dim3A_59 : vector<16xf32> to vector<1x16xf32>
      tpu.vector_store %arg11[%swap3A, %swap3A_92], %swap3A_95 {strides = array<i32>} : memref<32x128xf32, #tpu.memory_space<vmem>>, vector<1x16xf32>,
    }
    %scan3A_28 = arith.constant 256 : i32
    %scan3A_29 = arith.constant 0 : i32
    %scan3A_30 = arith.constant 0 : i32
    %scan3A_31 = arith.constant 20 : i32
    %scan3A_32 = arith.addi %scan3A_30, %scan3A_31 : i32
    %scan3A_33 = arith.constant 1 : i32
    scf.for %scan3A_58 = %scan3A_30 to %scan3A_32 step %scan3A_33  : i32 {
      %mul3A_59 = arith.constant 640 : i32
      %mul3A_60 = arith.muli %arg1, %mul3A_59 : i32
      %mul3A_61 = arith.constant 32 : i32
      %mul3A_62 = arith.muli %scan3A_58, %mul3A_61 : i32
      %add3A_63 = arith.addi %mul3A_60, %mul3A_62 : i32
      "tpu.region"() ({
        %run_scoped3A_64 = tpu.sem_alloc : memref<!tpu.dma_semaphore, #tpu.memory_space<semaphore_mem>>
        %dma_start3A_65 = arith.constant 0 : i32
        %dma_start3A_66 = tpu.memref_slice %arg12[%add3A_63, %dma_start3A_65] : memref<10240x128xf32, #tpu.memory_space<vmem_shared>> -> memref<32x128xf32, #tpu.memory_space<vmem_shared>>
        %dma_start3A_67 = arith.constant 0 : i32
        %dma_start3A_68 = tpu.memref_slice %arg12[%add3A_63, %dma_start3A_67] : memref<10240x128xf32, #tpu.memory_space<vmem_shared>> -> memref<32x128xf32, #tpu.memory_space<vmem_shared>>
        tpu.enqueue_dma source(%arg11 : memref<32x128xf32, #tpu.memory_space<vmem>>) target(%dma_start3A_68 : memref<32x128xf32, #tpu.memory_space<vmem_shared>>) target_semaphore(%run_scoped3A_64 : memref<!tpu.dma_semaphore, #tpu.memory_space<semaphore_mem>>)
        %dma_wait3A_69 = arith.constant 0 : i32
        %dma_wait3A_70 = tpu.memref_slice %arg12[%add3A_63, %dma_wait3A_69] : memref<10240x128xf32, #tpu.memory_space<vmem_shared>> -> memref<32x128xf32, #tpu.memory_space<vmem_shared>>
        %dma_wait3A_71 = arith.constant 0 : i32
        %dma_wait3A_72 = tpu.memref_slice %arg12[%add3A_63, %dma_wait3A_71] : memref<10240x128xf32, #tpu.memory_space<vmem_shared>> -> memref<32x128xf32, #tpu.memory_space<vmem_shared>>
        tpu.wait_dma2 semaphore(%run_scoped3A_64 : memref<!tpu.dma_semaphore, #tpu.memory_space<semaphore_mem>>) src(%arg11 : memref<32x128xf32, #tpu.memory_space<vmem>>) dst(%dma_wait3A_72 : memref<32x128xf32, #tpu.memory_space<vmem_shared>>)
        tpu.yield
      }) : () -> ()
    }
    %scan3A_34 = arith.constant 20 : i32
    %barrier3A = arith.constant 0 : index
    tpu.barrier barrier_id(%barrier3A)
    %scan3A_35 = arith.constant 0 : i32
    %scan3A_36 = arith.constant 0 : i32
    %scan3A_37 = arith.constant 10 : i32
    %scan3A_38 = arith.addi %scan3A_36, %scan3A_37 : i32
    %scan3A_39 = arith.constant 1 : i32
    scf.for %scan3A_58 = %scan3A_36 to %scan3A_38 step %scan3A_39  : i32 {
      %mul3A_59 = arith.constant 4 : i32
      %mul3A_60 = arith.muli %scan3A_58, %mul3A_59 : i32
      %add3A_61 = arith.constant 0 : i32
      %add3A_62 = arith.addi %mul3A_60, %add3A_61 : i32
      %dma_wait3A_63 = arith.constant 0 : i32
      %dma_wait3A_64 = tpu.memref_slice %arg5[%add3A_62, %dma_wait3A_63] : memref<40x64xi32, #tpu.memory_space<vmem>> -> memref<1x64xi32, #tpu.memory_space<vmem>>
      %dma_wait3A_65 = tpu.memref_squeeze %dma_wait3A_64 : memref<1x64xi32, #tpu.memory_space<vmem>> -> memref<64xi32, #tpu.memory_space<vmem>>
      %dma_wait3A_66 = arith.constant 0 : i32
      %dma_wait3A_67 = arith.constant 0 : i32
      %dma_wait3A_68 = tpu.memref_slice %arg2[%dma_wait3A_66, %dma_wait3A_67] : memref<10000x128xf32, #tpu.memory_space<hbm>> -> memref<10000x128xf32, #tpu.memory_space<hbm>>
      tpu.wait_indirect_dma semaphore(%arg13 : memref<!tpu.dma_semaphore, #tpu.memory_space<semaphore_mem>>) src(%dma_wait3A_68 : memref<10000x128xf32, #tpu.memory_space<hbm>>) dst(%arg7 : memref<64x128xf32, #tpu.memory_space<vmem>>)
      %dma_start3A_69 = arith.constant 0 : i32
      %dma_start3A_70 = tpu.memref_slice %arg6[%add3A_62, %dma_start3A_69] : memref<40x64xi32, #tpu.memory_space<vmem>> -> memref<1x64xi32, #tpu.memory_space<vmem>>
      %dma_start3A_71 = tpu.memref_squeeze %dma_start3A_70 : memref<1x64xi32, #tpu.memory_space<vmem>> -> memref<64xi32, #tpu.memory_space<vmem>>
      %dma_start3A_72 = arith.constant 0 : i32
      %dma_start3A_73 = arith.constant 0 : i32
      %dma_start3A_74 = tpu.memref_slice %arg12[%dma_start3A_72, %dma_start3A_73] : memref<10240x128xf32, #tpu.memory_space<vmem_shared>> -> memref<10240x128xf32, #tpu.memory_space<vmem_shared>>
      tpu.enqueue_indirect_dma source(%arg7 : memref<64x128xf32, #tpu.memory_space<vmem>>) target(%dma_start3A_74 : memref<10240x128xf32, #tpu.memory_space<vmem_shared>>) offsets(%dma_start3A_71 : memref<64xi32, #tpu.memory_space<vmem>>) semaphore(%arg14 : memref<!tpu.dma_semaphore, #tpu.memory_space<semaphore_mem>>) {add = true}
      %gt3A = arith.constant 0 : i32
      %gt3A_75 = arith.cmpi sgt, %scan3A_58, %gt3A : i32
      %convert_element_type3A = arith.extui %gt3A_75 : i1 to i32
      %cond3A = arith.constant 0 : i32
      %cond3A_76 = arith.cmpi ne, %convert_element_type3A, %cond3A : i32
      scf.if %cond3A_76 {
        %sub3A_172 = arith.constant 1 : i32
        %sub3A_173 = arith.subi %add3A_62, %sub3A_172 : i32
        %dma_wait3A_174 = arith.constant 0 : i32
        %dma_wait3A_175 = tpu.memref_slice %arg6[%sub3A_173, %dma_wait3A_174] : memref<40x64xi32, #tpu.memory_space<vmem>> -> memref<1x64xi32, #tpu.memory_space<vmem>>
        %dma_wait3A_176 = tpu.memref_squeeze %dma_wait3A_175 : memref<1x64xi32, #tpu.memory_space<vmem>> -> memref<64xi32, #tpu.memory_space<vmem>>
        %dma_wait3A_177 = arith.constant 0 : i32
        %dma_wait3A_178 = arith.constant 0 : i32
        %dma_wait3A_179 = tpu.memref_slice %arg12[%dma_wait3A_177, %dma_wait3A_178] : memref<10240x128xf32, #tpu.memory_space<vmem_shared>> -> memref<10240x128xf32, #tpu.memory_space<vmem_shared>>
        tpu.wait_indirect_dma semaphore(%arg14 : memref<!tpu.dma_semaphore, #tpu.memory_space<semaphore_mem>>) src(%arg10 : memref<64x128xf32, #tpu.memory_space<vmem>>) dst(%dma_wait3A_179 : memref<10240x128xf32, #tpu.memory_space<vmem_shared>>)
      } else {
      }
      %add3A_77 = arith.constant 4 : i32
      %add3A_78 = arith.addi %add3A_62, %add3A_77 : i32
      %sub3A = arith.constant 1 : i32
      %sub3A_79 = arith.subi %add3A_78, %sub3A : i32
      %dma_start3A_80 = arith.constant 0 : i32
      %dma_start3A_81 = tpu.memref_slice %arg5[%sub3A_79, %dma_start3A_80] : memref<40x64xi32, #tpu.memory_space<vmem>> -> memref<1x64xi32, #tpu.memory_space<vmem>>
      %dma_start3A_82 = tpu.memref_squeeze %dma_start3A_81 : memref<1x64xi32, #tpu.memory_space<vmem>> -> memref<64xi32, #tpu.memory_space<vmem>>
      %dma_start3A_83 = arith.constant 0 : i32
      %dma_start3A_84 = arith.constant 0 : i32
      %dma_start3A_85 = tpu.memref_slice %arg2[%dma_start3A_83, %dma_start3A_84] : memref<10000x128xf32, #tpu.memory_space<hbm>> -> memref<10000x128xf32, #tpu.memory_space<hbm>>
      tpu.enqueue_indirect_dma source(%dma_start3A_85 : memref<10000x128xf32, #tpu.memory_space<hbm>>) target(%arg10 : memref<64x128xf32, #tpu.memory_space<vmem>>) offsets(%dma_start3A_82 : memref<64xi32, #tpu.memory_space<vmem>>) semaphore(%arg13 : memref<!tpu.dma_semaphore, #tpu.memory_space<semaphore_mem>>)
      %mul3A_86 = arith.constant 4 : i32
      %mul3A_87 = arith.muli %scan3A_58, %mul3A_86 : i32
      %add3A_88 = arith.constant 1 : i32
      %add3A_89 = arith.addi %mul3A_87, %add3A_88 : i32
      %dma_wait3A_90 = arith.constant 0 : i32
      %dma_wait3A_91 = tpu.memref_slice %arg5[%add3A_89, %dma_wait3A_90] : memref<40x64xi32, #tpu.memory_space<vmem>> -> memref<1x64xi32, #tpu.memory_space<vmem>>
      %dma_wait3A_92 = tpu.memref_squeeze %dma_wait3A_91 : memref<1x64xi32, #tpu.memory_space<vmem>> -> memref<64xi32, #tpu.memory_space<vmem>>
      %dma_wait3A_93 = arith.constant 0 : i32
      %dma_wait3A_94 = arith.constant 0 : i32
      %dma_wait3A_95 = tpu.memref_slice %arg2[%dma_wait3A_93, %dma_wait3A_94] : memref<10000x128xf32, #tpu.memory_space<hbm>> -> memref<10000x128xf32, #tpu.memory_space<hbm>>
      tpu.wait_indirect_dma semaphore(%arg13 : memref<!tpu.dma_semaphore, #tpu.memory_space<semaphore_mem>>) src(%dma_wait3A_95 : memref<10000x128xf32, #tpu.memory_space<hbm>>) dst(%arg8 : memref<64x128xf32, #tpu.memory_space<vmem>>)
      %dma_start3A_96 = arith.constant 0 : i32
      %dma_start3A_97 = tpu.memref_slice %arg6[%add3A_89, %dma_start3A_96] : memref<40x64xi32, #tpu.memory_space<vmem>> -> memref<1x64xi32, #tpu.memory_space<vmem>>
      %dma_start3A_98 = tpu.memref_squeeze %dma_start3A_97 : memref<1x64xi32, #tpu.memory_space<vmem>> -> memref<64xi32, #tpu.memory_space<vmem>>
      %dma_start3A_99 = arith.constant 0 : i32
      %dma_start3A_100 = arith.constant 0 : i32
      %dma_start3A_101 = tpu.memref_slice %arg12[%dma_start3A_99, %dma_start3A_100] : memref<10240x128xf32, #tpu.memory_space<vmem_shared>> -> memref<10240x128xf32, #tpu.memory_space<vmem_shared>>
      tpu.enqueue_indirect_dma source(%arg8 : memref<64x128xf32, #tpu.memory_space<vmem>>) target(%dma_start3A_101 : memref<10240x128xf32, #tpu.memory_space<vmem_shared>>) offsets(%dma_start3A_98 : memref<64xi32, #tpu.memory_space<vmem>>) semaphore(%arg14 : memref<!tpu.dma_semaphore, #tpu.memory_space<semaphore_mem>>) {add = true}
      %sub3A_102 = arith.constant 1 : i32
      %sub3A_103 = arith.subi %add3A_89, %sub3A_102 : i32
      %dma_wait3A_104 = arith.constant 0 : i32
      %dma_wait3A_105 = tpu.memref_slice %arg6[%sub3A_103, %dma_wait3A_104] : memref<40x64xi32, #tpu.memory_space<vmem>> -> memref<1x64xi32, #tpu.memory_space<vmem>>
      %dma_wait3A_106 = tpu.memref_squeeze %dma_wait3A_105 : memref<1x64xi32, #tpu.memory_space<vmem>> -> memref<64xi32, #tpu.memory_space<vmem>>
      %dma_wait3A_107 = arith.constant 0 : i32
      %dma_wait3A_108 = arith.constant 0 : i32
      %dma_wait3A_109 = tpu.memref_slice %arg12[%dma_wait3A_107, %dma_wait3A_108] : memref<10240x128xf32, #tpu.memory_space<vmem_shared>> -> memref<10240x128xf32, #tpu.memory_space<vmem_shared>>
      tpu.wait_indirect_dma semaphore(%arg14 : memref<!tpu.dma_semaphore, #tpu.memory_space<semaphore_mem>>) src(%arg7 : memref<64x128xf32, #tpu.memory_space<vmem>>) dst(%dma_wait3A_109 : memref<10240x128xf32, #tpu.memory_space<vmem_shared>>)
      %lt3A = arith.constant 9 : i32
      %lt3A_110 = arith.cmpi slt, %scan3A_58, %lt3A : i32
      %convert_element_type3A_111 = arith.extui %lt3A_110 : i1 to i32
      %cond3A_112 = arith.constant 0 : i32
      %cond3A_113 = arith.cmpi ne, %convert_element_type3A_111, %cond3A_112 : i32
      scf.if %cond3A_113 {
        %add3A_172 = arith.constant 4 : i32
        %add3A_173 = arith.addi %add3A_89, %add3A_172 : i32
        %sub3A_174 = arith.constant 1 : i32
        %sub3A_175 = arith.subi %add3A_173, %sub3A_174 : i32
        %dma_start3A_176 = arith.constant 0 : i32
        %dma_start3A_177 = tpu.memref_slice %arg5[%sub3A_175, %dma_start3A_176] : memref<40x64xi32, #tpu.memory_space<vmem>> -> memref<1x64xi32, #tpu.memory_space<vmem>>
        %dma_start3A_178 = tpu.memref_squeeze %dma_start3A_177 : memref<1x64xi32, #tpu.memory_space<vmem>> -> memref<64xi32, #tpu.memory_space<vmem>>
        %dma_start3A_179 = arith.constant 0 : i32
        %dma_start3A_180 = arith.constant 0 : i32
        %dma_start3A_181 = tpu.memref_slice %arg2[%dma_start3A_179, %dma_start3A_180] : memref<10000x128xf32, #tpu.memory_space<hbm>> -> memref<10000x128xf32, #tpu.memory_space<hbm>>
        tpu.enqueue_indirect_dma source(%dma_start3A_181 : memref<10000x128xf32, #tpu.memory_space<hbm>>) target(%arg7 : memref<64x128xf32, #tpu.memory_space<vmem>>) offsets(%dma_start3A_178 : memref<64xi32, #tpu.memory_space<vmem>>) semaphore(%arg13 : memref<!tpu.dma_semaphore, #tpu.memory_space<semaphore_mem>>)
      } else {
      }
      %mul3A_114 = arith.constant 4 : i32
      %mul3A_115 = arith.muli %scan3A_58, %mul3A_114 : i32
      %add3A_116 = arith.constant 2 : i32
      %add3A_117 = arith.addi %mul3A_115, %add3A_116 : i32
      %dma_wait3A_118 = arith.constant 0 : i32
      %dma_wait3A_119 = tpu.memref_slice %arg5[%add3A_117, %dma_wait3A_118] : memref<40x64xi32, #tpu.memory_space<vmem>> -> memref<1x64xi32, #tpu.memory_space<vmem>>
      %dma_wait3A_120 = tpu.memref_squeeze %dma_wait3A_119 : memref<1x64xi32, #tpu.memory_space<vmem>> -> memref<64xi32, #tpu.memory_space<vmem>>
      %dma_wait3A_121 = arith.constant 0 : i32
      %dma_wait3A_122 = arith.constant 0 : i32
      %dma_wait3A_123 = tpu.memref_slice %arg2[%dma_wait3A_121, %dma_wait3A_122] : memref<10000x128xf32, #tpu.memory_space<hbm>> -> memref<10000x128xf32, #tpu.memory_space<hbm>>
      tpu.wait_indirect_dma semaphore(%arg13 : memref<!tpu.dma_semaphore, #tpu.memory_space<semaphore_mem>>) src(%dma_wait3A_123 : memref<10000x128xf32, #tpu.memory_space<hbm>>) dst(%arg9 : memref<64x128xf32, #tpu.memory_space<vmem>>)
      %dma_start3A_124 = arith.constant 0 : i32
      %dma_start3A_125 = tpu.memref_slice %arg6[%add3A_117, %dma_start3A_124] : memref<40x64xi32, #tpu.memory_space<vmem>> -> memref<1x64xi32, #tpu.memory_space<vmem>>
      %dma_start3A_126 = tpu.memref_squeeze %dma_start3A_125 : memref<1x64xi32, #tpu.memory_space<vmem>> -> memref<64xi32, #tpu.memory_space<vmem>>
      %dma_start3A_127 = arith.constant 0 : i32
      %dma_start3A_128 = arith.constant 0 : i32
      %dma_start3A_129 = tpu.memref_slice %arg12[%dma_start3A_127, %dma_start3A_128] : memref<10240x128xf32, #tpu.memory_space<vmem_shared>> -> memref<10240x128xf32, #tpu.memory_space<vmem_shared>>
      tpu.enqueue_indirect_dma source(%arg9 : memref<64x128xf32, #tpu.memory_space<vmem>>) target(%dma_start3A_129 : memref<10240x128xf32, #tpu.memory_space<vmem_shared>>) offsets(%dma_start3A_126 : memref<64xi32, #tpu.memory_space<vmem>>) semaphore(%arg14 : memref<!tpu.dma_semaphore, #tpu.memory_space<semaphore_mem>>) {add = true}
      %sub3A_130 = arith.constant 1 : i32
      %sub3A_131 = arith.subi %add3A_117, %sub3A_130 : i32
      %dma_wait3A_132 = arith.constant 0 : i32
      %dma_wait3A_133 = tpu.memref_slice %arg6[%sub3A_131, %dma_wait3A_132] : memref<40x64xi32, #tpu.memory_space<vmem>> -> memref<1x64xi32, #tpu.memory_space<vmem>>
      %dma_wait3A_134 = tpu.memref_squeeze %dma_wait3A_133 : memref<1x64xi32, #tpu.memory_space<vmem>> -> memref<64xi32, #tpu.memory_space<vmem>>
      %dma_wait3A_135 = arith.constant 0 : i32
      %dma_wait3A_136 = arith.constant 0 : i32
      %dma_wait3A_137 = tpu.memref_slice %arg12[%dma_wait3A_135, %dma_wait3A_136] : memref<10240x128xf32, #tpu.memory_space<vmem_shared>> -> memref<10240x128xf32, #tpu.memory_space<vmem_shared>>
      tpu.wait_indirect_dma semaphore(%arg14 : memref<!tpu.dma_semaphore, #tpu.memory_space<semaphore_mem>>) src(%arg8 : memref<64x128xf32, #tpu.memory_space<vmem>>) dst(%dma_wait3A_137 : memref<10240x128xf32, #tpu.memory_space<vmem_shared>>)
      %lt3A_138 = arith.constant 9 : i32
      %lt3A_139 = arith.cmpi slt, %scan3A_58, %lt3A_138 : i32
      %convert_element_type3A_140 = arith.extui %lt3A_139 : i1 to i32
      %cond3A_141 = arith.constant 0 : i32
      %cond3A_142 = arith.cmpi ne, %convert_element_type3A_140, %cond3A_141 : i32
      scf.if %cond3A_142 {
        %add3A_172 = arith.constant 4 : i32
        %add3A_173 = arith.addi %add3A_117, %add3A_172 : i32
        %sub3A_174 = arith.constant 1 : i32
        %sub3A_175 = arith.subi %add3A_173, %sub3A_174 : i32
        %dma_start3A_176 = arith.constant 0 : i32
        %dma_start3A_177 = tpu.memref_slice %arg5[%sub3A_175, %dma_start3A_176] : memref<40x64xi32, #tpu.memory_space<vmem>> -> memref<1x64xi32, #tpu.memory_space<vmem>>
        %dma_start3A_178 = tpu.memref_squeeze %dma_start3A_177 : memref<1x64xi32, #tpu.memory_space<vmem>> -> memref<64xi32, #tpu.memory_space<vmem>>
        %dma_start3A_179 = arith.constant 0 : i32
        %dma_start3A_180 = arith.constant 0 : i32
        %dma_start3A_181 = tpu.memref_slice %arg2[%dma_start3A_179, %dma_start3A_180] : memref<10000x128xf32, #tpu.memory_space<hbm>> -> memref<10000x128xf32, #tpu.memory_space<hbm>>
        tpu.enqueue_indirect_dma source(%dma_start3A_181 : memref<10000x128xf32, #tpu.memory_space<hbm>>) target(%arg8 : memref<64x128xf32, #tpu.memory_space<vmem>>) offsets(%dma_start3A_178 : memref<64xi32, #tpu.memory_space<vmem>>) semaphore(%arg13 : memref<!tpu.dma_semaphore, #tpu.memory_space<semaphore_mem>>)
      } else {
      }
      %mul3A_143 = arith.constant 4 : i32
      %mul3A_144 = arith.muli %scan3A_58, %mul3A_143 : i32
      %add3A_145 = arith.constant 3 : i32
      %add3A_146 = arith.addi %mul3A_144, %add3A_145 : i32
      %dma_wait3A_147 = arith.constant 0 : i32
      %dma_wait3A_148 = tpu.memref_slice %arg5[%add3A_146, %dma_wait3A_147] : memref<40x64xi32, #tpu.memory_space<vmem>> -> memref<1x64xi32, #tpu.memory_space<vmem>>
      %dma_wait3A_149 = tpu.memref_squeeze %dma_wait3A_148 : memref<1x64xi32, #tpu.memory_space<vmem>> -> memref<64xi32, #tpu.memory_space<vmem>>
      %dma_wait3A_150 = arith.constant 0 : i32
      %dma_wait3A_151 = arith.constant 0 : i32
      %dma_wait3A_152 = tpu.memref_slice %arg2[%dma_wait3A_150, %dma_wait3A_151] : memref<10000x128xf32, #tpu.memory_space<hbm>> -> memref<10000x128xf32, #tpu.memory_space<hbm>>
      tpu.wait_indirect_dma semaphore(%arg13 : memref<!tpu.dma_semaphore, #tpu.memory_space<semaphore_mem>>) src(%dma_wait3A_152 : memref<10000x128xf32, #tpu.memory_space<hbm>>) dst(%arg10 : memref<64x128xf32, #tpu.memory_space<vmem>>)
      %dma_start3A_153 = arith.constant 0 : i32
      %dma_start3A_154 = tpu.memref_slice %arg6[%add3A_146, %dma_start3A_153] : memref<40x64xi32, #tpu.memory_space<vmem>> -> memref<1x64xi32, #tpu.memory_space<vmem>>
      %dma_start3A_155 = tpu.memref_squeeze %dma_start3A_154 : memref<1x64xi32, #tpu.memory_space<vmem>> -> memref<64xi32, #tpu.memory_space<vmem>>
      %dma_start3A_156 = arith.constant 0 : i32
      %dma_start3A_157 = arith.constant 0 : i32
      %dma_start3A_158 = tpu.memref_slice %arg12[%dma_start3A_156, %dma_start3A_157] : memref<10240x128xf32, #tpu.memory_space<vmem_shared>> -> memref<10240x128xf32, #tpu.memory_space<vmem_shared>>
      tpu.enqueue_indirect_dma source(%arg10 : memref<64x128xf32, #tpu.memory_space<vmem>>) target(%dma_start3A_158 : memref<10240x128xf32, #tpu.memory_space<vmem_shared>>) offsets(%dma_start3A_155 : memref<64xi32, #tpu.memory_space<vmem>>) semaphore(%arg14 : memref<!tpu.dma_semaphore, #tpu.memory_space<semaphore_mem>>) {add = true}
      %sub3A_159 = arith.constant 1 : i32
      %sub3A_160 = arith.subi %add3A_146, %sub3A_159 : i32
      %dma_wait3A_161 = arith.constant 0 : i32
      %dma_wait3A_162 = tpu.memref_slice %arg6[%sub3A_160, %dma_wait3A_161] : memref<40x64xi32, #tpu.memory_space<vmem>> -> memref<1x64xi32, #tpu.memory_space<vmem>>
      %dma_wait3A_163 = tpu.memref_squeeze %dma_wait3A_162 : memref<1x64xi32, #tpu.memory_space<vmem>> -> memref<64xi32, #tpu.memory_space<vmem>>
      %dma_wait3A_164 = arith.constant 0 : i32
      %dma_wait3A_165 = arith.constant 0 : i32
      %dma_wait3A_166 = tpu.memref_slice %arg12[%dma_wait3A_164, %dma_wait3A_165] : memref<10240x128xf32, #tpu.memory_space<vmem_shared>> -> memref<10240x128xf32, #tpu.memory_space<vmem_shared>>
      tpu.wait_indirect_dma semaphore(%arg14 : memref<!tpu.dma_semaphore, #tpu.memory_space<semaphore_mem>>) src(%arg9 : memref<64x128xf32, #tpu.memory_space<vmem>>) dst(%dma_wait3A_166 : memref<10240x128xf32, #tpu.memory_space<vmem_shared>>)
      %lt3A_167 = arith.constant 9 : i32
      %lt3A_168 = arith.cmpi slt, %scan3A_58, %lt3A_167 : i32
      %convert_element_type3A_169 = arith.extui %lt3A_168 : i1 to i32
      %cond3A_170 = arith.constant 0 : i32
      %cond3A_171 = arith.cmpi ne, %convert_element_type3A_169, %cond3A_170 : i32
      scf.if %cond3A_171 {
        %add3A_172 = arith.constant 4 : i32
        %add3A_173 = arith.addi %add3A_146, %add3A_172 : i32
        %sub3A_174 = arith.constant 1 : i32
        %sub3A_175 = arith.subi %add3A_173, %sub3A_174 : i32
        %dma_start3A_176 = arith.constant 0 : i32
        %dma_start3A_177 = tpu.memref_slice %arg5[%sub3A_175, %dma_start3A_176] : memref<40x64xi32, #tpu.memory_space<vmem>> -> memref<1x64xi32, #tpu.memory_space<vmem>>
        %dma_start3A_178 = tpu.memref_squeeze %dma_start3A_177 : memref<1x64xi32, #tpu.memory_space<vmem>> -> memref<64xi32, #tpu.memory_space<vmem>>
        %dma_start3A_179 = arith.constant 0 : i32
        %dma_start3A_180 = arith.constant 0 : i32
        %dma_start3A_181 = tpu.memref_slice %arg2[%dma_start3A_179, %dma_start3A_180] : memref<10000x128xf32, #tpu.memory_space<hbm>> -> memref<10000x128xf32, #tpu.memory_space<hbm>>
        tpu.enqueue_indirect_dma source(%dma_start3A_181 : memref<10000x128xf32, #tpu.memory_space<hbm>>) target(%arg9 : memref<64x128xf32, #tpu.memory_space<vmem>>) offsets(%dma_start3A_178 : memref<64xi32, #tpu.memory_space<vmem>>) semaphore(%arg13 : memref<!tpu.dma_semaphore, #tpu.memory_space<semaphore_mem>>)
      } else {
      }
    }
    %scan3A_40 = arith.constant 10 : i32
    %dma_wait3A = arith.constant 39 : i32
    %dma_wait3A_41 = arith.constant 0 : i32
    %dma_wait3A_42 = tpu.memref_slice %arg6[%dma_wait3A, %dma_wait3A_41] : memref<40x64xi32, #tpu.memory_space<vmem>> -> memref<1x64xi32, #tpu.memory_space<vmem>>
    %dma_wait3A_43 = tpu.memref_squeeze %dma_wait3A_42 : memref<1x64xi32, #tpu.memory_space<vmem>> -> memref<64xi32, #tpu.memory_space<vmem>>
    %dma_wait3A_44 = arith.constant 0 : i32
    %dma_wait3A_45 = arith.constant 0 : i32
    %dma_wait3A_46 = tpu.memref_slice %arg12[%dma_wait3A_44, %dma_wait3A_45] : memref<10240x128xf32, #tpu.memory_space<vmem_shared>> -> memref<10240x128xf32, #tpu.memory_space<vmem_shared>>
    tpu.wait_indirect_dma semaphore(%arg14 : memref<!tpu.dma_semaphore, #tpu.memory_space<semaphore_mem>>) src(%arg10 : memref<64x128xf32, #tpu.memory_space<vmem>>) dst(%dma_wait3A_46 : memref<10240x128xf32, #tpu.memory_space<vmem_shared>>)
    %scan3A_47 = arith.constant 0 : i32
    %scan3A_48 = arith.constant 1 : i32
    %scan3A_49 = arith.constant 3 : i32
    %scan3A_50 = arith.addi %scan3A_48, %scan3A_49 : i32
    %scan3A_51 = arith.constant 1 : i32
    scf.for %scan3A_58 = %scan3A_48 to %scan3A_50 step %scan3A_51  : i32 {
      %mul3A_59 = arith.constant 40 : i32
      %mul3A_60 = arith.muli %scan3A_58, %mul3A_59 : i32
      %add3A_61 = arith.addi %add3A, %mul3A_60 : i32
      %run_scoped3A_62 = arith.constant 0 : i32
      "tpu.region"() ({
        %run_scoped3A_98 = tpu.sem_alloc : memref<!tpu.dma_semaphore, #tpu.memory_space<semaphore_mem>>
        %dma_start3A_99 = arith.constant 0 : i32
        %dma_start3A_100 = arith.constant 0 : i32
        %dma_start3A_101 = tpu.memref_slice %arg5[%dma_start3A_99, %dma_start3A_100] : memref<40x64xi32, #tpu.memory_space<vmem>> -> memref<40x64xi32, #tpu.memory_space<vmem>>
        %dma_start3A_102 = arith.constant 0 : i32
        %dma_start3A_103 = tpu.memref_slice %arg3[%run_scoped3A_62, %add3A_61, %dma_start3A_102] : memref<2x5120x64xi32, #tpu.memory_space<hbm>> -> memref<1x40x64xi32, #tpu.memory_space<hbm>>
        %dma_start3A_104 = tpu.memref_squeeze %dma_start3A_103 : memref<1x40x64xi32, #tpu.memory_space<hbm>> -> memref<40x64xi32, #tpu.memory_space<hbm>>
        %dma_start3A_105 = arith.constant 0 : i32
        %dma_start3A_106 = arith.constant 0 : i32
        %dma_start3A_107 = tpu.memref_slice %arg5[%dma_start3A_105, %dma_start3A_106] : memref<40x64xi32, #tpu.memory_space<vmem>> -> memref<40x64xi32, #tpu.memory_space<vmem>>
        %dma_start3A_108 = arith.constant 0 : i32
        %dma_start3A_109 = tpu.memref_slice %arg3[%run_scoped3A_62, %add3A_61, %dma_start3A_108] : memref<2x5120x64xi32, #tpu.memory_space<hbm>> -> memref<1x40x64xi32, #tpu.memory_space<hbm>>
        %dma_start3A_110 = tpu.memref_squeeze %dma_start3A_109 : memref<1x40x64xi32, #tpu.memory_space<hbm>> -> memref<40x64xi32, #tpu.memory_space<hbm>>
        tpu.enqueue_dma source(%dma_start3A_110 : memref<40x64xi32, #tpu.memory_space<hbm>>) target(%dma_start3A_107 : memref<40x64xi32, #tpu.memory_space<vmem>>) target_semaphore(%run_scoped3A_98 : memref<!tpu.dma_semaphore, #tpu.memory_space<semaphore_mem>>)
        %dma_wait3A_111 = arith.constant 0 : i32
        %dma_wait3A_112 = arith.constant 0 : i32
        %dma_wait3A_113 = tpu.memref_slice %arg5[%dma_wait3A_111, %dma_wait3A_112] : memref<40x64xi32, #tpu.memory_space<vmem>> -> memref<40x64xi32, #tpu.memory_space<vmem>>
        %dma_wait3A_114 = arith.constant 0 : i32
        %dma_wait3A_115 = tpu.memref_slice %arg3[%run_scoped3A_62, %add3A_61, %dma_wait3A_114] : memref<2x5120x64xi32, #tpu.memory_space<hbm>> -> memref<1x40x64xi32, #tpu.memory_space<hbm>>
        %dma_wait3A_116 = tpu.memref_squeeze %dma_wait3A_115 : memref<1x40x64xi32, #tpu.memory_space<hbm>> -> memref<40x64xi32, #tpu.memory_space<hbm>>
        %dma_wait3A_117 = arith.constant 0 : i32
        %dma_wait3A_118 = arith.constant 0 : i32
        %dma_wait3A_119 = tpu.memref_slice %arg5[%dma_wait3A_117, %dma_wait3A_118] : memref<40x64xi32, #tpu.memory_space<vmem>> -> memref<40x64xi32, #tpu.memory_space<vmem>>
        %dma_wait3A_120 = arith.constant 0 : i32
        %dma_wait3A_121 = tpu.memref_slice %arg3[%run_scoped3A_62, %add3A_61, %dma_wait3A_120] : memref<2x5120x64xi32, #tpu.memory_space<hbm>> -> memref<1x40x64xi32, #tpu.memory_space<hbm>>
        %dma_wait3A_122 = tpu.memref_squeeze %dma_wait3A_121 : memref<1x40x64xi32, #tpu.memory_space<hbm>> -> memref<40x64xi32, #tpu.memory_space<hbm>>
        tpu.wait_dma2 semaphore(%run_scoped3A_98 : memref<!tpu.dma_semaphore, #tpu.memory_space<semaphore_mem>>) src(%dma_wait3A_122 : memref<40x64xi32, #tpu.memory_space<hbm>>) dst(%dma_wait3A_119 : memref<40x64xi32, #tpu.memory_space<vmem>>)
        tpu.yield
      }) : () -> ()
      %run_scoped3A_63 = arith.constant 1 : i32
      "tpu.region"() ({
        %run_scoped3A_98 = tpu.sem_alloc : memref<!tpu.dma_semaphore, #tpu.memory_space<semaphore_mem>>
        %dma_start3A_99 = arith.constant 0 : i32
        %dma_start3A_100 = arith.constant 0 : i32
        %dma_start3A_101 = tpu.memref_slice %arg6[%dma_start3A_99, %dma_start3A_100] : memref<40x64xi32, #tpu.memory_space<vmem>> -> memref<40x64xi32, #tpu.memory_space<vmem>>
        %dma_start3A_102 = arith.constant 0 : i32
        %dma_start3A_103 = tpu.memref_slice %arg3[%run_scoped3A_63, %add3A_61, %dma_start3A_102] : memref<2x5120x64xi32, #tpu.memory_space<hbm>> -> memref<1x40x64xi32, #tpu.memory_space<hbm>>
        %dma_start3A_104 = tpu.memref_squeeze %dma_start3A_103 : memref<1x40x64xi32, #tpu.memory_space<hbm>> -> memref<40x64xi32, #tpu.memory_space<hbm>>
        %dma_start3A_105 = arith.constant 0 : i32
        %dma_start3A_106 = arith.constant 0 : i32
        %dma_start3A_107 = tpu.memref_slice %arg6[%dma_start3A_105, %dma_start3A_106] : memref<40x64xi32, #tpu.memory_space<vmem>> -> memref<40x64xi32, #tpu.memory_space<vmem>>
        %dma_start3A_108 = arith.constant 0 : i32
        %dma_start3A_109 = tpu.memref_slice %arg3[%run_scoped3A_63, %add3A_61, %dma_start3A_108] : memref<2x5120x64xi32, #tpu.memory_space<hbm>> -> memref<1x40x64xi32, #tpu.memory_space<hbm>>
        %dma_start3A_110 = tpu.memref_squeeze %dma_start3A_109 : memref<1x40x64xi32, #tpu.memory_space<hbm>> -> memref<40x64xi32, #tpu.memory_space<hbm>>
        tpu.enqueue_dma source(%dma_start3A_110 : memref<40x64xi32, #tpu.memory_space<hbm>>) target(%dma_start3A_107 : memref<40x64xi32, #tpu.memory_space<vmem>>) target_semaphore(%run_scoped3A_98 : memref<!tpu.dma_semaphore, #tpu.memory_space<semaphore_mem>>)
        %dma_wait3A_111 = arith.constant 0 : i32
        %dma_wait3A_112 = arith.constant 0 : i32
        %dma_wait3A_113 = tpu.memref_slice %arg6[%dma_wait3A_111, %dma_wait3A_112] : memref<40x64xi32, #tpu.memory_space<vmem>> -> memref<40x64xi32, #tpu.memory_space<vmem>>
        %dma_wait3A_114 = arith.constant 0 : i32
        %dma_wait3A_115 = tpu.memref_slice %arg3[%run_scoped3A_63, %add3A_61, %dma_wait3A_114] : memref<2x5120x64xi32, #tpu.memory_space<hbm>> -> memref<1x40x64xi32, #tpu.memory_space<hbm>>
        %dma_wait3A_116 = tpu.memref_squeeze %dma_wait3A_115 : memref<1x40x64xi32, #tpu.memory_space<hbm>> -> memref<40x64xi32, #tpu.memory_space<hbm>>
        %dma_wait3A_117 = arith.constant 0 : i32
        %dma_wait3A_118 = arith.constant 0 : i32
        %dma_wait3A_119 = tpu.memref_slice %arg6[%dma_wait3A_117, %dma_wait3A_118] : memref<40x64xi32, #tpu.memory_space<vmem>> -> memref<40x64xi32, #tpu.memory_space<vmem>>
        %dma_wait3A_120 = arith.constant 0 : i32
        %dma_wait3A_121 = tpu.memref_slice %arg3[%run_scoped3A_63, %add3A_61, %dma_wait3A_120] : memref<2x5120x64xi32, #tpu.memory_space<hbm>> -> memref<1x40x64xi32, #tpu.memory_space<hbm>>
        %dma_wait3A_122 = tpu.memref_squeeze %dma_wait3A_121 : memref<1x40x64xi32, #tpu.memory_space<hbm>> -> memref<40x64xi32, #tpu.memory_space<hbm>>
        tpu.wait_dma2 semaphore(%run_scoped3A_98 : memref<!tpu.dma_semaphore, #tpu.memory_space<semaphore_mem>>) src(%dma_wait3A_122 : memref<40x64xi32, #tpu.memory_space<hbm>>) dst(%dma_wait3A_119 : memref<40x64xi32, #tpu.memory_space<vmem>>)
        tpu.yield
      }) : () -> ()
      %dma_start3A_64 = arith.constant 0 : i32
      %dma_start3A_65 = arith.constant 0 : i32
      %dma_start3A_66 = tpu.memref_slice %arg5[%dma_start3A_64, %dma_start3A_65] : memref<40x64xi32, #tpu.memory_space<vmem>> -> memref<1x64xi32, #tpu.memory_space<vmem>>
      %dma_start3A_67 = tpu.memref_squeeze %dma_start3A_66 : memref<1x64xi32, #tpu.memory_space<vmem>> -> memref<64xi32, #tpu.memory_space<vmem>>
      %dma_start3A_68 = arith.constant 0 : i32
      %dma_start3A_69 = arith.constant 0 : i32
      %dma_start3A_70 = tpu.memref_slice %arg2[%dma_start3A_68, %dma_start3A_69] : memref<10000x128xf32, #tpu.memory_space<hbm>> -> memref<10000x128xf32, #tpu.memory_space<hbm>>
      tpu.enqueue_indirect_dma source(%dma_start3A_70 : memref<10000x128xf32, #tpu.memory_space<hbm>>) target(%arg7 : memref<64x128xf32, #tpu.memory_space<vmem>>) offsets(%dma_start3A_67 : memref<64xi32, #tpu.memory_space<vmem>>) semaphore(%arg13 : memref<!tpu.dma_semaphore, #tpu.memory_space<semaphore_mem>>)
      %dma_start3A_71 = arith.constant 1 : i32
      %dma_start3A_72 = arith.constant 0 : i32
      %dma_start3A_73 = tpu.memref_slice %arg5[%dma_start3A_71, %dma_start3A_72] : memref<40x64xi32, #tpu.memory_space<vmem>> -> memref<1x64xi32, #tpu.memory_space<vmem>>
      %dma_start3A_74 = tpu.memref_squeeze %dma_start3A_73 : memref<1x64xi32, #tpu.memory_space<vmem>> -> memref<64xi32, #tpu.memory_space<vmem>>
      %dma_start3A_75 = arith.constant 0 : i32
      %dma_start3A_76 = arith.constant 0 : i32
      %dma_start3A_77 = tpu.memref_slice %arg2[%dma_start3A_75, %dma_start3A_76] : memref<10000x128xf32, #tpu.memory_space<hbm>> -> memref<10000x128xf32, #tpu.memory_space<hbm>>
      tpu.enqueue_indirect_dma source(%dma_start3A_77 : memref<10000x128xf32, #tpu.memory_space<hbm>>) target(%arg8 : memref<64x128xf32, #tpu.memory_space<vmem>>) offsets(%dma_start3A_74 : memref<64xi32, #tpu.memory_space<vmem>>) semaphore(%arg13 : memref<!tpu.dma_semaphore, #tpu.memory_space<semaphore_mem>>)
      %dma_start3A_78 = arith.constant 2 : i32
      %dma_start3A_79 = arith.constant 0 : i32
      %dma_start3A_80 = tpu.memref_slice %arg5[%dma_start3A_78, %dma_start3A_79] : memref<40x64xi32, #tpu.memory_space<vmem>> -> memref<1x64xi32, #tpu.memory_space<vmem>>
      %dma_start3A_81 = tpu.memref_squeeze %dma_start3A_80 : memref<1x64xi32, #tpu.memory_space<vmem>> -> memref<64xi32, #tpu.memory_space<vmem>>
      %dma_start3A_82 = arith.constant 0 : i32
      %dma_start3A_83 = arith.constant 0 : i32
      %dma_start3A_84 = tpu.memref_slice %arg2[%dma_start3A_82, %dma_start3A_83] : memref<10000x128xf32, #tpu.memory_space<hbm>> -> memref<10000x128xf32, #tpu.memory_space<hbm>>
      tpu.enqueue_indirect_dma source(%dma_start3A_84 : memref<10000x128xf32, #tpu.memory_space<hbm>>) target(%arg9 : memref<64x128xf32, #tpu.memory_space<vmem>>) offsets(%dma_start3A_81 : memref<64xi32, #tpu.memory_space<vmem>>) semaphore(%arg13 : memref<!tpu.dma_semaphore, #tpu.memory_space<semaphore_mem>>)
      %scan3A_85 = arith.constant 0 : i32
      %scan3A_86 = arith.constant 0 : i32
      %scan3A_87 = arith.constant 10 : i32
      %scan3A_88 = arith.addi %scan3A_86, %scan3A_87 : i32
      %scan3A_89 = arith.constant 1 : i32
      scf.for %scan3A_98 = %scan3A_86 to %scan3A_88 step %scan3A_89  : i32 {
        %mul3A_99 = arith.constant 4 : i32
        %mul3A_100 = arith.muli %scan3A_98, %mul3A_99 : i32
        %add3A_101 = arith.constant 0 : i32
        %add3A_102 = arith.addi %mul3A_100, %add3A_101 : i32
        %dma_wait3A_103 = arith.constant 0 : i32
        %dma_wait3A_104 = tpu.memref_slice %arg5[%add3A_102, %dma_wait3A_103] : memref<40x64xi32, #tpu.memory_space<vmem>> -> memref<1x64xi32, #tpu.memory_space<vmem>>
        %dma_wait3A_105 = tpu.memref_squeeze %dma_wait3A_104 : memref<1x64xi32, #tpu.memory_space<vmem>> -> memref<64xi32, #tpu.memory_space<vmem>>
        %dma_wait3A_106 = arith.constant 0 : i32
        %dma_wait3A_107 = arith.constant 0 : i32
        %dma_wait3A_108 = tpu.memref_slice %arg2[%dma_wait3A_106, %dma_wait3A_107] : memref<10000x128xf32, #tpu.memory_space<hbm>> -> memref<10000x128xf32, #tpu.memory_space<hbm>>
        tpu.wait_indirect_dma semaphore(%arg13 : memref<!tpu.dma_semaphore, #tpu.memory_space<semaphore_mem>>) src(%dma_wait3A_108 : memref<10000x128xf32, #tpu.memory_space<hbm>>) dst(%arg7 : memref<64x128xf32, #tpu.memory_space<vmem>>)
        %dma_start3A_109 = arith.constant 0 : i32
        %dma_start3A_110 = tpu.memref_slice %arg6[%add3A_102, %dma_start3A_109] : memref<40x64xi32, #tpu.memory_space<vmem>> -> memref<1x64xi32, #tpu.memory_space<vmem>>
        %dma_start3A_111 = tpu.memref_squeeze %dma_start3A_110 : memref<1x64xi32, #tpu.memory_space<vmem>> -> memref<64xi32, #tpu.memory_space<vmem>>
        %dma_start3A_112 = arith.constant 0 : i32
        %dma_start3A_113 = arith.constant 0 : i32
        %dma_start3A_114 = tpu.memref_slice %arg12[%dma_start3A_112, %dma_start3A_113] : memref<10240x128xf32, #tpu.memory_space<vmem_shared>> -> memref<10240x128xf32, #tpu.memory_space<vmem_shared>>
        tpu.enqueue_indirect_dma source(%arg7 : memref<64x128xf32, #tpu.memory_space<vmem>>) target(%dma_start3A_114 : memref<10240x128xf32, #tpu.memory_space<vmem_shared>>) offsets(%dma_start3A_111 : memref<64xi32, #tpu.memory_space<vmem>>) semaphore(%arg14 : memref<!tpu.dma_semaphore, #tpu.memory_space<semaphore_mem>>) {add = true}
        %gt3A = arith.constant 0 : i32
        %gt3A_115 = arith.cmpi sgt, %scan3A_98, %gt3A : i32
        %convert_element_type3A = arith.extui %gt3A_115 : i1 to i32
        %cond3A = arith.constant 0 : i32
        %cond3A_116 = arith.cmpi ne, %convert_element_type3A, %cond3A : i32
        scf.if %cond3A_116 {
          %sub3A_212 = arith.constant 1 : i32
          %sub3A_213 = arith.subi %add3A_102, %sub3A_212 : i32
          %dma_wait3A_214 = arith.constant 0 : i32
          %dma_wait3A_215 = tpu.memref_slice %arg6[%sub3A_213, %dma_wait3A_214] : memref<40x64xi32, #tpu.memory_space<vmem>> -> memref<1x64xi32, #tpu.memory_space<vmem>>
          %dma_wait3A_216 = tpu.memref_squeeze %dma_wait3A_215 : memref<1x64xi32, #tpu.memory_space<vmem>> -> memref<64xi32, #tpu.memory_space<vmem>>
          %dma_wait3A_217 = arith.constant 0 : i32
          %dma_wait3A_218 = arith.constant 0 : i32
          %dma_wait3A_219 = tpu.memref_slice %arg12[%dma_wait3A_217, %dma_wait3A_218] : memref<10240x128xf32, #tpu.memory_space<vmem_shared>> -> memref<10240x128xf32, #tpu.memory_space<vmem_shared>>
          tpu.wait_indirect_dma semaphore(%arg14 : memref<!tpu.dma_semaphore, #tpu.memory_space<semaphore_mem>>) src(%arg10 : memref<64x128xf32, #tpu.memory_space<vmem>>) dst(%dma_wait3A_219 : memref<10240x128xf32, #tpu.memory_space<vmem_shared>>)
        } else {
        }
        %add3A_117 = arith.constant 4 : i32
        %add3A_118 = arith.addi %add3A_102, %add3A_117 : i32
        %sub3A = arith.constant 1 : i32
        %sub3A_119 = arith.subi %add3A_118, %sub3A : i32
        %dma_start3A_120 = arith.constant 0 : i32
        %dma_start3A_121 = tpu.memref_slice %arg5[%sub3A_119, %dma_start3A_120] : memref<40x64xi32, #tpu.memory_space<vmem>> -> memref<1x64xi32, #tpu.memory_space<vmem>>
        %dma_start3A_122 = tpu.memref_squeeze %dma_start3A_121 : memref<1x64xi32, #tpu.memory_space<vmem>> -> memref<64xi32, #tpu.memory_space<vmem>>
        %dma_start3A_123 = arith.constant 0 : i32
        %dma_start3A_124 = arith.constant 0 : i32
        %dma_start3A_125 = tpu.memref_slice %arg2[%dma_start3A_123, %dma_start3A_124] : memref<10000x128xf32, #tpu.memory_space<hbm>> -> memref<10000x128xf32, #tpu.memory_space<hbm>>
        tpu.enqueue_indirect_dma source(%dma_start3A_125 : memref<10000x128xf32, #tpu.memory_space<hbm>>) target(%arg10 : memref<64x128xf32, #tpu.memory_space<vmem>>) offsets(%dma_start3A_122 : memref<64xi32, #tpu.memory_space<vmem>>) semaphore(%arg13 : memref<!tpu.dma_semaphore, #tpu.memory_space<semaphore_mem>>)
        %mul3A_126 = arith.constant 4 : i32
        %mul3A_127 = arith.muli %scan3A_98, %mul3A_126 : i32
        %add3A_128 = arith.constant 1 : i32
        %add3A_129 = arith.addi %mul3A_127, %add3A_128 : i32
        %dma_wait3A_130 = arith.constant 0 : i32
        %dma_wait3A_131 = tpu.memref_slice %arg5[%add3A_129, %dma_wait3A_130] : memref<40x64xi32, #tpu.memory_space<vmem>> -> memref<1x64xi32, #tpu.memory_space<vmem>>
        %dma_wait3A_132 = tpu.memref_squeeze %dma_wait3A_131 : memref<1x64xi32, #tpu.memory_space<vmem>> -> memref<64xi32, #tpu.memory_space<vmem>>
        %dma_wait3A_133 = arith.constant 0 : i32
        %dma_wait3A_134 = arith.constant 0 : i32
        %dma_wait3A_135 = tpu.memref_slice %arg2[%dma_wait3A_133, %dma_wait3A_134] : memref<10000x128xf32, #tpu.memory_space<hbm>> -> memref<10000x128xf32, #tpu.memory_space<hbm>>
        tpu.wait_indirect_dma semaphore(%arg13 : memref<!tpu.dma_semaphore, #tpu.memory_space<semaphore_mem>>) src(%dma_wait3A_135 : memref<10000x128xf32, #tpu.memory_space<hbm>>) dst(%arg8 : memref<64x128xf32, #tpu.memory_space<vmem>>)
        %dma_start3A_136 = arith.constant 0 : i32
        %dma_start3A_137 = tpu.memref_slice %arg6[%add3A_129, %dma_start3A_136] : memref<40x64xi32, #tpu.memory_space<vmem>> -> memref<1x64xi32, #tpu.memory_space<vmem>>
        %dma_start3A_138 = tpu.memref_squeeze %dma_start3A_137 : memref<1x64xi32, #tpu.memory_space<vmem>> -> memref<64xi32, #tpu.memory_space<vmem>>
        %dma_start3A_139 = arith.constant 0 : i32
        %dma_start3A_140 = arith.constant 0 : i32
        %dma_start3A_141 = tpu.memref_slice %arg12[%dma_start3A_139, %dma_start3A_140] : memref<10240x128xf32, #tpu.memory_space<vmem_shared>> -> memref<10240x128xf32, #tpu.memory_space<vmem_shared>>
        tpu.enqueue_indirect_dma source(%arg8 : memref<64x128xf32, #tpu.memory_space<vmem>>) target(%dma_start3A_141 : memref<10240x128xf32, #tpu.memory_space<vmem_shared>>) offsets(%dma_start3A_138 : memref<64xi32, #tpu.memory_space<vmem>>) semaphore(%arg14 : memref<!tpu.dma_semaphore, #tpu.memory_space<semaphore_mem>>) {add = true}
        %sub3A_142 = arith.constant 1 : i32
        %sub3A_143 = arith.subi %add3A_129, %sub3A_142 : i32
        %dma_wait3A_144 = arith.constant 0 : i32
        %dma_wait3A_145 = tpu.memref_slice %arg6[%sub3A_143, %dma_wait3A_144] : memref<40x64xi32, #tpu.memory_space<vmem>> -> memref<1x64xi32, #tpu.memory_space<vmem>>
        %dma_wait3A_146 = tpu.memref_squeeze %dma_wait3A_145 : memref<1x64xi32, #tpu.memory_space<vmem>> -> memref<64xi32, #tpu.memory_space<vmem>>
        %dma_wait3A_147 = arith.constant 0 : i32
        %dma_wait3A_148 = arith.constant 0 : i32
        %dma_wait3A_149 = tpu.memref_slice %arg12[%dma_wait3A_147, %dma_wait3A_148] : memref<10240x128xf32, #tpu.memory_space<vmem_shared>> -> memref<10240x128xf32, #tpu.memory_space<vmem_shared>>
        tpu.wait_indirect_dma semaphore(%arg14 : memref<!tpu.dma_semaphore, #tpu.memory_space<semaphore_mem>>) src(%arg7 : memref<64x128xf32, #tpu.memory_space<vmem>>) dst(%dma_wait3A_149 : memref<10240x128xf32, #tpu.memory_space<vmem_shared>>)
        %lt3A = arith.constant 9 : i32
        %lt3A_150 = arith.cmpi slt, %scan3A_98, %lt3A : i32
        %convert_element_type3A_151 = arith.extui %lt3A_150 : i1 to i32
        %cond3A_152 = arith.constant 0 : i32
        %cond3A_153 = arith.cmpi ne, %convert_element_type3A_151, %cond3A_152 : i32
        scf.if %cond3A_153 {
          %add3A_212 = arith.constant 4 : i32
          %add3A_213 = arith.addi %add3A_129, %add3A_212 : i32
          %sub3A_214 = arith.constant 1 : i32
          %sub3A_215 = arith.subi %add3A_213, %sub3A_214 : i32
          %dma_start3A_216 = arith.constant 0 : i32
          %dma_start3A_217 = tpu.memref_slice %arg5[%sub3A_215, %dma_start3A_216] : memref<40x64xi32, #tpu.memory_space<vmem>> -> memref<1x64xi32, #tpu.memory_space<vmem>>
          %dma_start3A_218 = tpu.memref_squeeze %dma_start3A_217 : memref<1x64xi32, #tpu.memory_space<vmem>> -> memref<64xi32, #tpu.memory_space<vmem>>
          %dma_start3A_219 = arith.constant 0 : i32
          %dma_start3A_220 = arith.constant 0 : i32
          %dma_start3A_221 = tpu.memref_slice %arg2[%dma_start3A_219, %dma_start3A_220] : memref<10000x128xf32, #tpu.memory_space<hbm>> -> memref<10000x128xf32, #tpu.memory_space<hbm>>
          tpu.enqueue_indirect_dma source(%dma_start3A_221 : memref<10000x128xf32, #tpu.memory_space<hbm>>) target(%arg7 : memref<64x128xf32, #tpu.memory_space<vmem>>) offsets(%dma_start3A_218 : memref<64xi32, #tpu.memory_space<vmem>>) semaphore(%arg13 : memref<!tpu.dma_semaphore, #tpu.memory_space<semaphore_mem>>)
        } else {
        }
        %mul3A_154 = arith.constant 4 : i32
        %mul3A_155 = arith.muli %scan3A_98, %mul3A_154 : i32
        %add3A_156 = arith.constant 2 : i32
        %add3A_157 = arith.addi %mul3A_155, %add3A_156 : i32
        %dma_wait3A_158 = arith.constant 0 : i32
        %dma_wait3A_159 = tpu.memref_slice %arg5[%add3A_157, %dma_wait3A_158] : memref<40x64xi32, #tpu.memory_space<vmem>> -> memref<1x64xi32, #tpu.memory_space<vmem>>
        %dma_wait3A_160 = tpu.memref_squeeze %dma_wait3A_159 : memref<1x64xi32, #tpu.memory_space<vmem>> -> memref<64xi32, #tpu.memory_space<vmem>>
        %dma_wait3A_161 = arith.constant 0 : i32
        %dma_wait3A_162 = arith.constant 0 : i32
        %dma_wait3A_163 = tpu.memref_slice %arg2[%dma_wait3A_161, %dma_wait3A_162] : memref<10000x128xf32, #tpu.memory_space<hbm>> -> memref<10000x128xf32, #tpu.memory_space<hbm>>
        tpu.wait_indirect_dma semaphore(%arg13 : memref<!tpu.dma_semaphore, #tpu.memory_space<semaphore_mem>>) src(%dma_wait3A_163 : memref<10000x128xf32, #tpu.memory_space<hbm>>) dst(%arg9 : memref<64x128xf32, #tpu.memory_space<vmem>>)
        %dma_start3A_164 = arith.constant 0 : i32
        %dma_start3A_165 = tpu.memref_slice %arg6[%add3A_157, %dma_start3A_164] : memref<40x64xi32, #tpu.memory_space<vmem>> -> memref<1x64xi32, #tpu.memory_space<vmem>>
        %dma_start3A_166 = tpu.memref_squeeze %dma_start3A_165 : memref<1x64xi32, #tpu.memory_space<vmem>> -> memref<64xi32, #tpu.memory_space<vmem>>
        %dma_start3A_167 = arith.constant 0 : i32
        %dma_start3A_168 = arith.constant 0 : i32
        %dma_start3A_169 = tpu.memref_slice %arg12[%dma_start3A_167, %dma_start3A_168] : memref<10240x128xf32, #tpu.memory_space<vmem_shared>> -> memref<10240x128xf32, #tpu.memory_space<vmem_shared>>
        tpu.enqueue_indirect_dma source(%arg9 : memref<64x128xf32, #tpu.memory_space<vmem>>) target(%dma_start3A_169 : memref<10240x128xf32, #tpu.memory_space<vmem_shared>>) offsets(%dma_start3A_166 : memref<64xi32, #tpu.memory_space<vmem>>) semaphore(%arg14 : memref<!tpu.dma_semaphore, #tpu.memory_space<semaphore_mem>>) {add = true}
        %sub3A_170 = arith.constant 1 : i32
        %sub3A_171 = arith.subi %add3A_157, %sub3A_170 : i32
        %dma_wait3A_172 = arith.constant 0 : i32
        %dma_wait3A_173 = tpu.memref_slice %arg6[%sub3A_171, %dma_wait3A_172] : memref<40x64xi32, #tpu.memory_space<vmem>> -> memref<1x64xi32, #tpu.memory_space<vmem>>
        %dma_wait3A_174 = tpu.memref_squeeze %dma_wait3A_173 : memref<1x64xi32, #tpu.memory_space<vmem>> -> memref<64xi32, #tpu.memory_space<vmem>>
        %dma_wait3A_175 = arith.constant 0 : i32
        %dma_wait3A_176 = arith.constant 0 : i32
        %dma_wait3A_177 = tpu.memref_slice %arg12[%dma_wait3A_175, %dma_wait3A_176] : memref<10240x128xf32, #tpu.memory_space<vmem_shared>> -> memref<10240x128xf32, #tpu.memory_space<vmem_shared>>
        tpu.wait_indirect_dma semaphore(%arg14 : memref<!tpu.dma_semaphore, #tpu.memory_space<semaphore_mem>>) src(%arg8 : memref<64x128xf32, #tpu.memory_space<vmem>>) dst(%dma_wait3A_177 : memref<10240x128xf32, #tpu.memory_space<vmem_shared>>)
        %lt3A_178 = arith.constant 9 : i32
        %lt3A_179 = arith.cmpi slt, %scan3A_98, %lt3A_178 : i32
        %convert_element_type3A_180 = arith.extui %lt3A_179 : i1 to i32
        %cond3A_181 = arith.constant 0 : i32
        %cond3A_182 = arith.cmpi ne, %convert_element_type3A_180, %cond3A_181 : i32
        scf.if %cond3A_182 {
          %add3A_212 = arith.constant 4 : i32
          %add3A_213 = arith.addi %add3A_157, %add3A_212 : i32
          %sub3A_214 = arith.constant 1 : i32
          %sub3A_215 = arith.subi %add3A_213, %sub3A_214 : i32
          %dma_start3A_216 = arith.constant 0 : i32
          %dma_start3A_217 = tpu.memref_slice %arg5[%sub3A_215, %dma_start3A_216] : memref<40x64xi32, #tpu.memory_space<vmem>> -> memref<1x64xi32, #tpu.memory_space<vmem>>
          %dma_start3A_218 = tpu.memref_squeeze %dma_start3A_217 : memref<1x64xi32, #tpu.memory_space<vmem>> -> memref<64xi32, #tpu.memory_space<vmem>>
          %dma_start3A_219 = arith.constant 0 : i32
          %dma_start3A_220 = arith.constant 0 : i32
          %dma_start3A_221 = tpu.memref_slice %arg2[%dma_start3A_219, %dma_start3A_220] : memref<10000x128xf32, #tpu.memory_space<hbm>> -> memref<10000x128xf32, #tpu.memory_space<hbm>>
          tpu.enqueue_indirect_dma source(%dma_start3A_221 : memref<10000x128xf32, #tpu.memory_space<hbm>>) target(%arg8 : memref<64x128xf32, #tpu.memory_space<vmem>>) offsets(%dma_start3A_218 : memref<64xi32, #tpu.memory_space<vmem>>) semaphore(%arg13 : memref<!tpu.dma_semaphore, #tpu.memory_space<semaphore_mem>>)
        } else {
        }
        %mul3A_183 = arith.constant 4 : i32
        %mul3A_184 = arith.muli %scan3A_98, %mul3A_183 : i32
        %add3A_185 = arith.constant 3 : i32
        %add3A_186 = arith.addi %mul3A_184, %add3A_185 : i32
        %dma_wait3A_187 = arith.constant 0 : i32
        %dma_wait3A_188 = tpu.memref_slice %arg5[%add3A_186, %dma_wait3A_187] : memref<40x64xi32, #tpu.memory_space<vmem>> -> memref<1x64xi32, #tpu.memory_space<vmem>>
        %dma_wait3A_189 = tpu.memref_squeeze %dma_wait3A_188 : memref<1x64xi32, #tpu.memory_space<vmem>> -> memref<64xi32, #tpu.memory_space<vmem>>
        %dma_wait3A_190 = arith.constant 0 : i32
        %dma_wait3A_191 = arith.constant 0 : i32
        %dma_wait3A_192 = tpu.memref_slice %arg2[%dma_wait3A_190, %dma_wait3A_191] : memref<10000x128xf32, #tpu.memory_space<hbm>> -> memref<10000x128xf32, #tpu.memory_space<hbm>>
        tpu.wait_indirect_dma semaphore(%arg13 : memref<!tpu.dma_semaphore, #tpu.memory_space<semaphore_mem>>) src(%dma_wait3A_192 : memref<10000x128xf32, #tpu.memory_space<hbm>>) dst(%arg10 : memref<64x128xf32, #tpu.memory_space<vmem>>)
        %dma_start3A_193 = arith.constant 0 : i32
        %dma_start3A_194 = tpu.memref_slice %arg6[%add3A_186, %dma_start3A_193] : memref<40x64xi32, #tpu.memory_space<vmem>> -> memref<1x64xi32, #tpu.memory_space<vmem>>
        %dma_start3A_195 = tpu.memref_squeeze %dma_start3A_194 : memref<1x64xi32, #tpu.memory_space<vmem>> -> memref<64xi32, #tpu.memory_space<vmem>>
        %dma_start3A_196 = arith.constant 0 : i32
        %dma_start3A_197 = arith.constant 0 : i32
        %dma_start3A_198 = tpu.memref_slice %arg12[%dma_start3A_196, %dma_start3A_197] : memref<10240x128xf32, #tpu.memory_space<vmem_shared>> -> memref<10240x128xf32, #tpu.memory_space<vmem_shared>>
        tpu.enqueue_indirect_dma source(%arg10 : memref<64x128xf32, #tpu.memory_space<vmem>>) target(%dma_start3A_198 : memref<10240x128xf32, #tpu.memory_space<vmem_shared>>) offsets(%dma_start3A_195 : memref<64xi32, #tpu.memory_space<vmem>>) semaphore(%arg14 : memref<!tpu.dma_semaphore, #tpu.memory_space<semaphore_mem>>) {add = true}
        %sub3A_199 = arith.constant 1 : i32
        %sub3A_200 = arith.subi %add3A_186, %sub3A_199 : i32
        %dma_wait3A_201 = arith.constant 0 : i32
        %dma_wait3A_202 = tpu.memref_slice %arg6[%sub3A_200, %dma_wait3A_201] : memref<40x64xi32, #tpu.memory_space<vmem>> -> memref<1x64xi32, #tpu.memory_space<vmem>>
        %dma_wait3A_203 = tpu.memref_squeeze %dma_wait3A_202 : memref<1x64xi32, #tpu.memory_space<vmem>> -> memref<64xi32, #tpu.memory_space<vmem>>
        %dma_wait3A_204 = arith.constant 0 : i32
        %dma_wait3A_205 = arith.constant 0 : i32
        %dma_wait3A_206 = tpu.memref_slice %arg12[%dma_wait3A_204, %dma_wait3A_205] : memref<10240x128xf32, #tpu.memory_space<vmem_shared>> -> memref<10240x128xf32, #tpu.memory_space<vmem_shared>>
        tpu.wait_indirect_dma semaphore(%arg14 : memref<!tpu.dma_semaphore, #tpu.memory_space<semaphore_mem>>) src(%arg9 : memref<64x128xf32, #tpu.memory_space<vmem>>) dst(%dma_wait3A_206 : memref<10240x128xf32, #tpu.memory_space<vmem_shared>>)
        %lt3A_207 = arith.constant 9 : i32
        %lt3A_208 = arith.cmpi slt, %scan3A_98, %lt3A_207 : i32
        %convert_element_type3A_209 = arith.extui %lt3A_208 : i1 to i32
        %cond3A_210 = arith.constant 0 : i32
        %cond3A_211 = arith.cmpi ne, %convert_element_type3A_209, %cond3A_210 : i32
        scf.if %cond3A_211 {
          %add3A_212 = arith.constant 4 : i32
          %add3A_213 = arith.addi %add3A_186, %add3A_212 : i32
          %sub3A_214 = arith.constant 1 : i32
          %sub3A_215 = arith.subi %add3A_213, %sub3A_214 : i32
          %dma_start3A_216 = arith.constant 0 : i32
          %dma_start3A_217 = tpu.memref_slice %arg5[%sub3A_215, %dma_start3A_216] : memref<40x64xi32, #tpu.memory_space<vmem>> -> memref<1x64xi32, #tpu.memory_space<vmem>>
          %dma_start3A_218 = tpu.memref_squeeze %dma_start3A_217 : memref<1x64xi32, #tpu.memory_space<vmem>> -> memref<64xi32, #tpu.memory_space<vmem>>
          %dma_start3A_219 = arith.constant 0 : i32
          %dma_start3A_220 = arith.constant 0 : i32
          %dma_start3A_221 = tpu.memref_slice %arg2[%dma_start3A_219, %dma_start3A_220] : memref<10000x128xf32, #tpu.memory_space<hbm>> -> memref<10000x128xf32, #tpu.memory_space<hbm>>
          tpu.enqueue_indirect_dma source(%dma_start3A_221 : memref<10000x128xf32, #tpu.memory_space<hbm>>) target(%arg9 : memref<64x128xf32, #tpu.memory_space<vmem>>) offsets(%dma_start3A_218 : memref<64xi32, #tpu.memory_space<vmem>>) semaphore(%arg13 : memref<!tpu.dma_semaphore, #tpu.memory_space<semaphore_mem>>)
        } else {
        }
      }
      %scan3A_90 = arith.constant 10 : i32
      %dma_wait3A_91 = arith.constant 39 : i32
      %dma_wait3A_92 = arith.constant 0 : i32
      %dma_wait3A_93 = tpu.memref_slice %arg6[%dma_wait3A_91, %dma_wait3A_92] : memref<40x64xi32, #tpu.memory_space<vmem>> -> memref<1x64xi32, #tpu.memory_space<vmem>>
      %dma_wait3A_94 = tpu.memref_squeeze %dma_wait3A_93 : memref<1x64xi32, #tpu.memory_space<vmem>> -> memref<64xi32, #tpu.memory_space<vmem>>
      %dma_wait3A_95 = arith.constant 0 : i32
      %dma_wait3A_96 = arith.constant 0 : i32
      %dma_wait3A_97 = tpu.memref_slice %arg12[%dma_wait3A_95, %dma_wait3A_96] : memref<10240x128xf32, #tpu.memory_space<vmem_shared>> -> memref<10240x128xf32, #tpu.memory_space<vmem_shared>>
      tpu.wait_indirect_dma semaphore(%arg14 : memref<!tpu.dma_semaphore, #tpu.memory_space<semaphore_mem>>) src(%arg10 : memref<64x128xf32, #tpu.memory_space<vmem>>) dst(%dma_wait3A_97 : memref<10240x128xf32, #tpu.memory_space<vmem_shared>>)
    }
    %scan3A_52 = arith.constant 3 : i32
    %barrier3A_53 = arith.constant 0 : index
    tpu.barrier barrier_id(%barrier3A_53)
    %mul3A_54 = arith.constant 640 : i32
    %mul3A_55 = arith.muli %arg1, %mul3A_54 : i32
    %mul3A_56 = arith.constant 640 : i32
    %mul3A_57 = arith.muli %arg1, %mul3A_56 : i32
    "tpu.region"() ({
      %run_scoped3A_58 = tpu.sem_alloc : memref<!tpu.dma_semaphore, #tpu.memory_space<semaphore_mem>>
      %dma_start3A_59 = arith.constant 0 : i32
      %dma_start3A_60 = tpu.memref_slice %arg4[%arg0, %mul3A_57, %dma_start3A_59] : memref<2x10240x128xf32, #tpu.memory_space<hbm>> -> memref<1x640x128xf32, #tpu.memory_space<hbm>>
      %dma_start3A_61 = tpu.memref_squeeze %dma_start3A_60 : memref<1x640x128xf32, #tpu.memory_space<hbm>> -> memref<640x128xf32, #tpu.memory_space<hbm>>
      %dma_start3A_62 = arith.constant 0 : i32
      %dma_start3A_63 = tpu.memref_slice %arg12[%mul3A_55, %dma_start3A_62] : memref<10240x128xf32, #tpu.memory_space<vmem_shared>> -> memref<640x128xf32, #tpu.memory_space<vmem_shared>>
      tpu.enqueue_dma source(%dma_start3A_63 : memref<640x128xf32, #tpu.memory_space<vmem_shared>>) target(%dma_start3A_61 : memref<640x128xf32, #tpu.memory_space<hbm>>) target_semaphore(%run_scoped3A_58 : memref<!tpu.dma_semaphore, #tpu.memory_space<semaphore_mem>>)
      %dma_wait3A_64 = arith.constant 0 : i32
      %dma_wait3A_65 = tpu.memref_slice %arg4[%arg0, %mul3A_57, %dma_wait3A_64] : memref<2x10240x128xf32, #tpu.memory_space<hbm>> -> memref<1x640x128xf32, #tpu.memory_space<hbm>>
      %dma_wait3A_66 = tpu.memref_squeeze %dma_wait3A_65 : memref<1x640x128xf32, #tpu.memory_space<hbm>> -> memref<640x128xf32, #tpu.memory_space<hbm>>
      %dma_wait3A_67 = arith.constant 0 : i32
      %dma_wait3A_68 = tpu.memref_slice %arg12[%mul3A_55, %dma_wait3A_67] : memref<10240x128xf32, #tpu.memory_space<vmem_shared>> -> memref<640x128xf32, #tpu.memory_space<vmem_shared>>
      tpu.wait_dma2 semaphore(%run_scoped3A_58 : memref<!tpu.dma_semaphore, #tpu.memory_space<semaphore_mem>>) src(%dma_wait3A_68 : memref<640x128xf32, #tpu.memory_space<vmem_shared>>) dst(%dma_wait3A_66 : memref<640x128xf32, #tpu.memory_space<hbm>>)
      tpu.yield
    }) : () -> ()
    return
  }
}

#map = affine_map<(d0, d1) -> (0, 0)>
#map1 = affine_map<(d0, d1) -> (0, 0, 0)>
module attributes {stable_mosaic.version = 14 : i64} {
  func.func @sc_agg(%arg0: i32, %arg1: i32, %arg2: memref<10000x128xf32, #tpu.memory_space<hbm>>, %arg3: memref<10000x128xf32, #tpu.memory_space<hbm>>, %arg4: memref<2x5120x64xi32, #tpu.memory_space<hbm>>, %arg5: memref<2x10240x128xf32, #tpu.memory_space<hbm>>, %arg6: memref<40x64xi32, #tpu.memory_space<vmem>>, %arg7: memref<40x64xi32, #tpu.memory_space<vmem>>, %arg8: memref<64x128xf32, #tpu.memory_space<vmem>>, %arg9: memref<64x128xf32, #tpu.memory_space<vmem>>, %arg10: memref<64x128xf32, #tpu.memory_space<vmem>>, %arg11: memref<64x128xf32, #tpu.memory_space<vmem>>, %arg12: memref<32x128xf32, #tpu.memory_space<vmem>>, %arg13: memref<10240x128xf32, #tpu.memory_space<vmem_shared>>, %arg14: memref<!tpu.dma_semaphore, #tpu.memory_space<semaphore_mem>>, %arg15: memref<!tpu.dma_semaphore, #tpu.memory_space<semaphore_mem>>) attributes {dimension_semantics = [#tpu.dimension_semantics<core_parallel>, #tpu.dimension_semantics<subcore_parallel>], iteration_bounds = array<i64: 2, 16>, scalar_prefetch = 0 : i64, scratch_operands = 10 : i64, tpu.core_type = #tpu.core_type<sc_vector_subcore>, window_params = [{transform_indices = #map}, {transform_indices = #map}, {transform_indices = #map1}, {transform_indices = #map1}]} {
    %mul3A = arith.constant 320 : i32
    %mul3A_0 = arith.muli %arg1, %mul3A : i32
    %add3A = arith.constant 0 : i32
    %add3A_1 = arith.addi %add3A, %mul3A_0 : i32
    %run_scoped3A = arith.constant 0 : i32
    "tpu.region"() ({
      %run_scoped3A_64 = tpu.sem_alloc : memref<!tpu.dma_semaphore, #tpu.memory_space<semaphore_mem>>
      %dma_start3A = arith.constant 0 : i32
      %dma_start3A_65 = arith.constant 0 : i32
      %dma_start3A_66 = tpu.memref_slice %arg6[%dma_start3A, %dma_start3A_65] : memref<40x64xi32, #tpu.memory_space<vmem>> -> memref<40x64xi32, #tpu.memory_space<vmem>>
      %dma_start3A_67 = arith.constant 0 : i32
      %dma_start3A_68 = tpu.memref_slice %arg4[%run_scoped3A, %add3A_1, %dma_start3A_67] : memref<2x5120x64xi32, #tpu.memory_space<hbm>> -> memref<1x40x64xi32, #tpu.memory_space<hbm>>
      %dma_start3A_69 = tpu.memref_squeeze %dma_start3A_68 : memref<1x40x64xi32, #tpu.memory_space<hbm>> -> memref<40x64xi32, #tpu.memory_space<hbm>>
      %dma_start3A_70 = arith.constant 0 : i32
      %dma_start3A_71 = arith.constant 0 : i32
      %dma_start3A_72 = tpu.memref_slice %arg6[%dma_start3A_70, %dma_start3A_71] : memref<40x64xi32, #tpu.memory_space<vmem>> -> memref<40x64xi32, #tpu.memory_space<vmem>>
      %dma_start3A_73 = arith.constant 0 : i32
      %dma_start3A_74 = tpu.memref_slice %arg4[%run_scoped3A, %add3A_1, %dma_start3A_73] : memref<2x5120x64xi32, #tpu.memory_space<hbm>> -> memref<1x40x64xi32, #tpu.memory_space<hbm>>
      %dma_start3A_75 = tpu.memref_squeeze %dma_start3A_74 : memref<1x40x64xi32, #tpu.memory_space<hbm>> -> memref<40x64xi32, #tpu.memory_space<hbm>>
      tpu.enqueue_dma source(%dma_start3A_75 : memref<40x64xi32, #tpu.memory_space<hbm>>) target(%dma_start3A_72 : memref<40x64xi32, #tpu.memory_space<vmem>>) target_semaphore(%run_scoped3A_64 : memref<!tpu.dma_semaphore, #tpu.memory_space<semaphore_mem>>)
      %dma_wait3A_76 = arith.constant 0 : i32
      %dma_wait3A_77 = arith.constant 0 : i32
      %dma_wait3A_78 = tpu.memref_slice %arg6[%dma_wait3A_76, %dma_wait3A_77] : memref<40x64xi32, #tpu.memory_space<vmem>> -> memref<40x64xi32, #tpu.memory_space<vmem>>
      %dma_wait3A_79 = arith.constant 0 : i32
      %dma_wait3A_80 = tpu.memref_slice %arg4[%run_scoped3A, %add3A_1, %dma_wait3A_79] : memref<2x5120x64xi32, #tpu.memory_space<hbm>> -> memref<1x40x64xi32, #tpu.memory_space<hbm>>
      %dma_wait3A_81 = tpu.memref_squeeze %dma_wait3A_80 : memref<1x40x64xi32, #tpu.memory_space<hbm>> -> memref<40x64xi32, #tpu.memory_space<hbm>>
      %dma_wait3A_82 = arith.constant 0 : i32
      %dma_wait3A_83 = arith.constant 0 : i32
      %dma_wait3A_84 = tpu.memref_slice %arg6[%dma_wait3A_82, %dma_wait3A_83] : memref<40x64xi32, #tpu.memory_space<vmem>> -> memref<40x64xi32, #tpu.memory_space<vmem>>
      %dma_wait3A_85 = arith.constant 0 : i32
      %dma_wait3A_86 = tpu.memref_slice %arg4[%run_scoped3A, %add3A_1, %dma_wait3A_85] : memref<2x5120x64xi32, #tpu.memory_space<hbm>> -> memref<1x40x64xi32, #tpu.memory_space<hbm>>
      %dma_wait3A_87 = tpu.memref_squeeze %dma_wait3A_86 : memref<1x40x64xi32, #tpu.memory_space<hbm>> -> memref<40x64xi32, #tpu.memory_space<hbm>>
      tpu.wait_dma2 semaphore(%run_scoped3A_64 : memref<!tpu.dma_semaphore, #tpu.memory_space<semaphore_mem>>) src(%dma_wait3A_87 : memref<40x64xi32, #tpu.memory_space<hbm>>) dst(%dma_wait3A_84 : memref<40x64xi32, #tpu.memory_space<vmem>>)
      tpu.yield
    }) : () -> ()
    %run_scoped3A_2 = arith.constant 1 : i32
    "tpu.region"() ({
      %run_scoped3A_64 = tpu.sem_alloc : memref<!tpu.dma_semaphore, #tpu.memory_space<semaphore_mem>>
      %dma_start3A = arith.constant 0 : i32
      %dma_start3A_65 = arith.constant 0 : i32
      %dma_start3A_66 = tpu.memref_slice %arg7[%dma_start3A, %dma_start3A_65] : memref<40x64xi32, #tpu.memory_space<vmem>> -> memref<40x64xi32, #tpu.memory_space<vmem>>
      %dma_start3A_67 = arith.constant 0 : i32
      %dma_start3A_68 = tpu.memref_slice %arg4[%run_scoped3A_2, %add3A_1, %dma_start3A_67] : memref<2x5120x64xi32, #tpu.memory_space<hbm>> -> memref<1x40x64xi32, #tpu.memory_space<hbm>>
      %dma_start3A_69 = tpu.memref_squeeze %dma_start3A_68 : memref<1x40x64xi32, #tpu.memory_space<hbm>> -> memref<40x64xi32, #tpu.memory_space<hbm>>
      %dma_start3A_70 = arith.constant 0 : i32
      %dma_start3A_71 = arith.constant 0 : i32
      %dma_start3A_72 = tpu.memref_slice %arg7[%dma_start3A_70, %dma_start3A_71] : memref<40x64xi32, #tpu.memory_space<vmem>> -> memref<40x64xi32, #tpu.memory_space<vmem>>
      %dma_start3A_73 = arith.constant 0 : i32
      %dma_start3A_74 = tpu.memref_slice %arg4[%run_scoped3A_2, %add3A_1, %dma_start3A_73] : memref<2x5120x64xi32, #tpu.memory_space<hbm>> -> memref<1x40x64xi32, #tpu.memory_space<hbm>>
      %dma_start3A_75 = tpu.memref_squeeze %dma_start3A_74 : memref<1x40x64xi32, #tpu.memory_space<hbm>> -> memref<40x64xi32, #tpu.memory_space<hbm>>
      tpu.enqueue_dma source(%dma_start3A_75 : memref<40x64xi32, #tpu.memory_space<hbm>>) target(%dma_start3A_72 : memref<40x64xi32, #tpu.memory_space<vmem>>) target_semaphore(%run_scoped3A_64 : memref<!tpu.dma_semaphore, #tpu.memory_space<semaphore_mem>>)
      %dma_wait3A_76 = arith.constant 0 : i32
      %dma_wait3A_77 = arith.constant 0 : i32
      %dma_wait3A_78 = tpu.memref_slice %arg7[%dma_wait3A_76, %dma_wait3A_77] : memref<40x64xi32, #tpu.memory_space<vmem>> -> memref<40x64xi32, #tpu.memory_space<vmem>>
      %dma_wait3A_79 = arith.constant 0 : i32
      %dma_wait3A_80 = tpu.memref_slice %arg4[%run_scoped3A_2, %add3A_1, %dma_wait3A_79] : memref<2x5120x64xi32, #tpu.memory_space<hbm>> -> memref<1x40x64xi32, #tpu.memory_space<hbm>>
      %dma_wait3A_81 = tpu.memref_squeeze %dma_wait3A_80 : memref<1x40x64xi32, #tpu.memory_space<hbm>> -> memref<40x64xi32, #tpu.memory_space<hbm>>
      %dma_wait3A_82 = arith.constant 0 : i32
      %dma_wait3A_83 = arith.constant 0 : i32
      %dma_wait3A_84 = tpu.memref_slice %arg7[%dma_wait3A_82, %dma_wait3A_83] : memref<40x64xi32, #tpu.memory_space<vmem>> -> memref<40x64xi32, #tpu.memory_space<vmem>>
      %dma_wait3A_85 = arith.constant 0 : i32
      %dma_wait3A_86 = tpu.memref_slice %arg4[%run_scoped3A_2, %add3A_1, %dma_wait3A_85] : memref<2x5120x64xi32, #tpu.memory_space<hbm>> -> memref<1x40x64xi32, #tpu.memory_space<hbm>>
      %dma_wait3A_87 = tpu.memref_squeeze %dma_wait3A_86 : memref<1x40x64xi32, #tpu.memory_space<hbm>> -> memref<40x64xi32, #tpu.memory_space<hbm>>
      tpu.wait_dma2 semaphore(%run_scoped3A_64 : memref<!tpu.dma_semaphore, #tpu.memory_space<semaphore_mem>>) src(%dma_wait3A_87 : memref<40x64xi32, #tpu.memory_space<hbm>>) dst(%dma_wait3A_84 : memref<40x64xi32, #tpu.memory_space<vmem>>)
      tpu.yield
    }) : () -> ()
    %eq3A = arith.constant 0 : i32
    %eq3A_3 = arith.cmpi eq, %arg0, %eq3A : i32
    %convert_element_type3A = arith.extui %eq3A_3 : i1 to i32
    %cond3A = arith.constant 0 : i32
    %cond3A_4 = arith.cmpi ne, %convert_element_type3A, %cond3A : i32
    scf.if %cond3A_4 {
      %dma_start3A = arith.constant 0 : i32
      %dma_start3A_64 = arith.constant 0 : i32
      %dma_start3A_65 = tpu.memref_slice %arg6[%dma_start3A, %dma_start3A_64] : memref<40x64xi32, #tpu.memory_space<vmem>> -> memref<1x64xi32, #tpu.memory_space<vmem>>
      %dma_start3A_66 = tpu.memref_squeeze %dma_start3A_65 : memref<1x64xi32, #tpu.memory_space<vmem>> -> memref<64xi32, #tpu.memory_space<vmem>>
      %dma_start3A_67 = arith.constant 0 : i32
      %dma_start3A_68 = arith.constant 0 : i32
      %dma_start3A_69 = tpu.memref_slice %arg2[%dma_start3A_67, %dma_start3A_68] : memref<10000x128xf32, #tpu.memory_space<hbm>> -> memref<10000x128xf32, #tpu.memory_space<hbm>>
      tpu.enqueue_indirect_dma source(%dma_start3A_69 : memref<10000x128xf32, #tpu.memory_space<hbm>>) target(%arg8 : memref<64x128xf32, #tpu.memory_space<vmem>>) offsets(%dma_start3A_66 : memref<64xi32, #tpu.memory_space<vmem>>) semaphore(%arg14 : memref<!tpu.dma_semaphore, #tpu.memory_space<semaphore_mem>>)
    } else {
    }
    %eq3A_5 = arith.constant 1 : i32
    %eq3A_6 = arith.cmpi eq, %arg0, %eq3A_5 : i32
    %convert_element_type3A_7 = arith.extui %eq3A_6 : i1 to i32
    %cond3A_8 = arith.constant 0 : i32
    %cond3A_9 = arith.cmpi ne, %convert_element_type3A_7, %cond3A_8 : i32
    scf.if %cond3A_9 {
      %dma_start3A = arith.constant 0 : i32
      %dma_start3A_64 = arith.constant 0 : i32
      %dma_start3A_65 = tpu.memref_slice %arg6[%dma_start3A, %dma_start3A_64] : memref<40x64xi32, #tpu.memory_space<vmem>> -> memref<1x64xi32, #tpu.memory_space<vmem>>
      %dma_start3A_66 = tpu.memref_squeeze %dma_start3A_65 : memref<1x64xi32, #tpu.memory_space<vmem>> -> memref<64xi32, #tpu.memory_space<vmem>>
      %dma_start3A_67 = arith.constant 0 : i32
      %dma_start3A_68 = arith.constant 0 : i32
      %dma_start3A_69 = tpu.memref_slice %arg3[%dma_start3A_67, %dma_start3A_68] : memref<10000x128xf32, #tpu.memory_space<hbm>> -> memref<10000x128xf32, #tpu.memory_space<hbm>>
      tpu.enqueue_indirect_dma source(%dma_start3A_69 : memref<10000x128xf32, #tpu.memory_space<hbm>>) target(%arg8 : memref<64x128xf32, #tpu.memory_space<vmem>>) offsets(%dma_start3A_66 : memref<64xi32, #tpu.memory_space<vmem>>) semaphore(%arg14 : memref<!tpu.dma_semaphore, #tpu.memory_space<semaphore_mem>>)
    } else {
    }
    %eq3A_10 = arith.constant 0 : i32
    %eq3A_11 = arith.cmpi eq, %arg0, %eq3A_10 : i32
    %convert_element_type3A_12 = arith.extui %eq3A_11 : i1 to i32
    %cond3A_13 = arith.constant 0 : i32
    %cond3A_14 = arith.cmpi ne, %convert_element_type3A_12, %cond3A_13 : i32
    scf.if %cond3A_14 {
      %dma_start3A = arith.constant 1 : i32
      %dma_start3A_64 = arith.constant 0 : i32
      %dma_start3A_65 = tpu.memref_slice %arg6[%dma_start3A, %dma_start3A_64] : memref<40x64xi32, #tpu.memory_space<vmem>> -> memref<1x64xi32, #tpu.memory_space<vmem>>
      %dma_start3A_66 = tpu.memref_squeeze %dma_start3A_65 : memref<1x64xi32, #tpu.memory_space<vmem>> -> memref<64xi32, #tpu.memory_space<vmem>>
      %dma_start3A_67 = arith.constant 0 : i32
      %dma_start3A_68 = arith.constant 0 : i32
      %dma_start3A_69 = tpu.memref_slice %arg2[%dma_start3A_67, %dma_start3A_68] : memref<10000x128xf32, #tpu.memory_space<hbm>> -> memref<10000x128xf32, #tpu.memory_space<hbm>>
      tpu.enqueue_indirect_dma source(%dma_start3A_69 : memref<10000x128xf32, #tpu.memory_space<hbm>>) target(%arg9 : memref<64x128xf32, #tpu.memory_space<vmem>>) offsets(%dma_start3A_66 : memref<64xi32, #tpu.memory_space<vmem>>) semaphore(%arg14 : memref<!tpu.dma_semaphore, #tpu.memory_space<semaphore_mem>>)
    } else {
    }
    %eq3A_15 = arith.constant 1 : i32
    %eq3A_16 = arith.cmpi eq, %arg0, %eq3A_15 : i32
    %convert_element_type3A_17 = arith.extui %eq3A_16 : i1 to i32
    %cond3A_18 = arith.constant 0 : i32
    %cond3A_19 = arith.cmpi ne, %convert_element_type3A_17, %cond3A_18 : i32
    scf.if %cond3A_19 {
      %dma_start3A = arith.constant 1 : i32
      %dma_start3A_64 = arith.constant 0 : i32
      %dma_start3A_65 = tpu.memref_slice %arg6[%dma_start3A, %dma_start3A_64] : memref<40x64xi32, #tpu.memory_space<vmem>> -> memref<1x64xi32, #tpu.memory_space<vmem>>
      %dma_start3A_66 = tpu.memref_squeeze %dma_start3A_65 : memref<1x64xi32, #tpu.memory_space<vmem>> -> memref<64xi32, #tpu.memory_space<vmem>>
      %dma_start3A_67 = arith.constant 0 : i32
      %dma_start3A_68 = arith.constant 0 : i32
      %dma_start3A_69 = tpu.memref_slice %arg3[%dma_start3A_67, %dma_start3A_68] : memref<10000x128xf32, #tpu.memory_space<hbm>> -> memref<10000x128xf32, #tpu.memory_space<hbm>>
      tpu.enqueue_indirect_dma source(%dma_start3A_69 : memref<10000x128xf32, #tpu.memory_space<hbm>>) target(%arg9 : memref<64x128xf32, #tpu.memory_space<vmem>>) offsets(%dma_start3A_66 : memref<64xi32, #tpu.memory_space<vmem>>) semaphore(%arg14 : memref<!tpu.dma_semaphore, #tpu.memory_space<semaphore_mem>>)
    } else {
    }
    %eq3A_20 = arith.constant 0 : i32
    %eq3A_21 = arith.cmpi eq, %arg0, %eq3A_20 : i32
    %convert_element_type3A_22 = arith.extui %eq3A_21 : i1 to i32
    %cond3A_23 = arith.constant 0 : i32
    %cond3A_24 = arith.cmpi ne, %convert_element_type3A_22, %cond3A_23 : i32
    scf.if %cond3A_24 {
      %dma_start3A = arith.constant 2 : i32
      %dma_start3A_64 = arith.constant 0 : i32
      %dma_start3A_65 = tpu.memref_slice %arg6[%dma_start3A, %dma_start3A_64] : memref<40x64xi32, #tpu.memory_space<vmem>> -> memref<1x64xi32, #tpu.memory_space<vmem>>
      %dma_start3A_66 = tpu.memref_squeeze %dma_start3A_65 : memref<1x64xi32, #tpu.memory_space<vmem>> -> memref<64xi32, #tpu.memory_space<vmem>>
      %dma_start3A_67 = arith.constant 0 : i32
      %dma_start3A_68 = arith.constant 0 : i32
      %dma_start3A_69 = tpu.memref_slice %arg2[%dma_start3A_67, %dma_start3A_68] : memref<10000x128xf32, #tpu.memory_space<hbm>> -> memref<10000x128xf32, #tpu.memory_space<hbm>>
      tpu.enqueue_indirect_dma source(%dma_start3A_69 : memref<10000x128xf32, #tpu.memory_space<hbm>>) target(%arg10 : memref<64x128xf32, #tpu.memory_space<vmem>>) offsets(%dma_start3A_66 : memref<64xi32, #tpu.memory_space<vmem>>) semaphore(%arg14 : memref<!tpu.dma_semaphore, #tpu.memory_space<semaphore_mem>>)
    } else {
    }
    %eq3A_25 = arith.constant 1 : i32
    %eq3A_26 = arith.cmpi eq, %arg0, %eq3A_25 : i32
    %convert_element_type3A_27 = arith.extui %eq3A_26 : i1 to i32
    %cond3A_28 = arith.constant 0 : i32
    %cond3A_29 = arith.cmpi ne, %convert_element_type3A_27, %cond3A_28 : i32
    scf.if %cond3A_29 {
      %dma_start3A = arith.constant 2 : i32
      %dma_start3A_64 = arith.constant 0 : i32
      %dma_start3A_65 = tpu.memref_slice %arg6[%dma_start3A, %dma_start3A_64] : memref<40x64xi32, #tpu.memory_space<vmem>> -> memref<1x64xi32, #tpu.memory_space<vmem>>
      %dma_start3A_66 = tpu.memref_squeeze %dma_start3A_65 : memref<1x64xi32, #tpu.memory_space<vmem>> -> memref<64xi32, #tpu.memory_space<vmem>>
      %dma_start3A_67 = arith.constant 0 : i32
      %dma_start3A_68 = arith.constant 0 : i32
      %dma_start3A_69 = tpu.memref_slice %arg3[%dma_start3A_67, %dma_start3A_68] : memref<10000x128xf32, #tpu.memory_space<hbm>> -> memref<10000x128xf32, #tpu.memory_space<hbm>>
      tpu.enqueue_indirect_dma source(%dma_start3A_69 : memref<10000x128xf32, #tpu.memory_space<hbm>>) target(%arg10 : memref<64x128xf32, #tpu.memory_space<vmem>>) offsets(%dma_start3A_66 : memref<64xi32, #tpu.memory_space<vmem>>) semaphore(%arg14 : memref<!tpu.dma_semaphore, #tpu.memory_space<semaphore_mem>>)
    } else {
    }
    %scan3A = arith.constant 0 : i32
    %scan3A_30 = arith.constant 0 : i32
    %scan3A_31 = arith.constant 256 : i32
    %scan3A_32 = arith.addi %scan3A_30, %scan3A_31 : i32
    %scan3A_33 = arith.constant 1 : i32
    scf.for %scan3A_64 = %scan3A_30 to %scan3A_32 step %scan3A_33  : i32 {
      %broadcast_in_dim3A = arith.constant 0.000000e+00 : f32
      %broadcast_in_dim3A_65 = vector.broadcast %broadcast_in_dim3A : f32 to vector<16xf32>
      %jit3A = arith.constant 8 : i32
      %div3A = arith.divsi %scan3A_64, %jit3A : i32
      %sign3A = arith.constant 0 : i32
      %sign3A_66 = arith.cmpi sgt, %scan3A_64, %sign3A : i32
      %sign3A_67 = arith.extui %sign3A_66 : i1 to i32
      %sign3A_68 = arith.constant 0 : i32
      %sign3A_69 = arith.cmpi slt, %scan3A_64, %sign3A_68 : i32
      %sign3A_70 = arith.extui %sign3A_69 : i1 to i32
      %sign3A_71 = arith.subi %sign3A_67, %sign3A_70 : i32
      %sign3A_72 = arith.constant 0 : i32
      %sign3A_73 = arith.cmpi sgt, %jit3A, %sign3A_72 : i32
      %sign3A_74 = arith.extui %sign3A_73 : i1 to i32
      %sign3A_75 = arith.constant 0 : i32
      %sign3A_76 = arith.cmpi slt, %jit3A, %sign3A_75 : i32
      %sign3A_77 = arith.extui %sign3A_76 : i1 to i32
      %sign3A_78 = arith.subi %sign3A_74, %sign3A_77 : i32
      %ne3A = arith.cmpi ne, %sign3A_71, %sign3A_78 : i32
      %rem3A = arith.remsi %scan3A_64, %jit3A : i32
      %ne3A_79 = arith.constant 0 : i32
      %ne3A_80 = arith.cmpi ne, %rem3A, %ne3A_79 : i32
      %and3A = arith.andi %ne3A, %ne3A_80 : i1
      %sub3A = arith.constant 1 : i32
      %sub3A_81 = arith.subi %div3A, %sub3A : i32
      %select_n3A = arith.select %and3A, %sub3A_81, %div3A : i32
      %jit3A_82 = arith.constant 8 : i32
      %eq3A_83 = arith.constant 0 : i32
      %eq3A_84 = arith.cmpi eq, %jit3A_82, %eq3A_83 : i32
      %jit3A_85 = arith.constant 1 : i32
      %select_n3A_86 = arith.select %eq3A_84, %jit3A_85, %jit3A_82 : i32
      %rem3A_87 = arith.remsi %scan3A_64, %select_n3A_86 : i32
      %ne3A_88 = arith.constant 0 : i32
      %ne3A_89 = arith.cmpi ne, %rem3A_87, %ne3A_88 : i32
      %lt3A = arith.constant 0 : i32
      %lt3A_90 = arith.cmpi slt, %rem3A_87, %lt3A : i32
      %lt3A_91 = arith.constant 0 : i32
      %lt3A_92 = arith.cmpi slt, %select_n3A_86, %lt3A_91 : i32
      %ne3A_93 = arith.xori %lt3A_90, %lt3A_92 : i1
      %and3A_94 = arith.andi %ne3A_93, %ne3A_89 : i1
      %add3A_95 = arith.addi %rem3A_87, %select_n3A_86 : i32
      %select_n3A_96 = arith.select %and3A_94, %add3A_95, %rem3A_87 : i32
      %mul3A_97 = arith.constant 16 : i32
      %mul3A_98 = arith.muli %select_n3A_96, %mul3A_97 : i32
      %swap3A = arith.index_cast %select_n3A : i32 to index
      %swap3A_99 = arith.index_cast %mul3A_98 : i32 to index
      %swap3A_100 = tpu.vector_load %arg12[%swap3A, %swap3A_99] {strides = array<i32>} : memref<32x128xf32, #tpu.memory_space<vmem>>, vector<1x16xf32>,
      %swap3A_101 = vector.shape_cast %swap3A_100 : vector<1x16xf32> to vector<16xf32>
      %swap3A_102 = vector.shape_cast %broadcast_in_dim3A_65 : vector<16xf32> to vector<1x16xf32>
      tpu.vector_store %arg12[%swap3A, %swap3A_99], %swap3A_102 {strides = array<i32>} : memref<32x128xf32, #tpu.memory_space<vmem>>, vector<1x16xf32>,
    }
    %scan3A_34 = arith.constant 256 : i32
    %scan3A_35 = arith.constant 0 : i32
    %scan3A_36 = arith.constant 0 : i32
    %scan3A_37 = arith.constant 20 : i32
    %scan3A_38 = arith.addi %scan3A_36, %scan3A_37 : i32
    %scan3A_39 = arith.constant 1 : i32
    scf.for %scan3A_64 = %scan3A_36 to %scan3A_38 step %scan3A_39  : i32 {
      %mul3A_65 = arith.constant 640 : i32
      %mul3A_66 = arith.muli %arg1, %mul3A_65 : i32
      %mul3A_67 = arith.constant 32 : i32
      %mul3A_68 = arith.muli %scan3A_64, %mul3A_67 : i32
      %add3A_69 = arith.addi %mul3A_66, %mul3A_68 : i32
      "tpu.region"() ({
        %run_scoped3A_70 = tpu.sem_alloc : memref<!tpu.dma_semaphore, #tpu.memory_space<semaphore_mem>>
        %dma_start3A = arith.constant 0 : i32
        %dma_start3A_71 = tpu.memref_slice %arg13[%add3A_69, %dma_start3A] : memref<10240x128xf32, #tpu.memory_space<vmem_shared>> -> memref<32x128xf32, #tpu.memory_space<vmem_shared>>
        %dma_start3A_72 = arith.constant 0 : i32
        %dma_start3A_73 = tpu.memref_slice %arg13[%add3A_69, %dma_start3A_72] : memref<10240x128xf32, #tpu.memory_space<vmem_shared>> -> memref<32x128xf32, #tpu.memory_space<vmem_shared>>
        tpu.enqueue_dma source(%arg12 : memref<32x128xf32, #tpu.memory_space<vmem>>) target(%dma_start3A_73 : memref<32x128xf32, #tpu.memory_space<vmem_shared>>) target_semaphore(%run_scoped3A_70 : memref<!tpu.dma_semaphore, #tpu.memory_space<semaphore_mem>>)
        %dma_wait3A_74 = arith.constant 0 : i32
        %dma_wait3A_75 = tpu.memref_slice %arg13[%add3A_69, %dma_wait3A_74] : memref<10240x128xf32, #tpu.memory_space<vmem_shared>> -> memref<32x128xf32, #tpu.memory_space<vmem_shared>>
        %dma_wait3A_76 = arith.constant 0 : i32
        %dma_wait3A_77 = tpu.memref_slice %arg13[%add3A_69, %dma_wait3A_76] : memref<10240x128xf32, #tpu.memory_space<vmem_shared>> -> memref<32x128xf32, #tpu.memory_space<vmem_shared>>
        tpu.wait_dma2 semaphore(%run_scoped3A_70 : memref<!tpu.dma_semaphore, #tpu.memory_space<semaphore_mem>>) src(%arg12 : memref<32x128xf32, #tpu.memory_space<vmem>>) dst(%dma_wait3A_77 : memref<32x128xf32, #tpu.memory_space<vmem_shared>>)
        tpu.yield
      }) : () -> ()
    }
    %scan3A_40 = arith.constant 20 : i32
    %barrier3A = arith.constant 0 : index
    tpu.barrier barrier_id(%barrier3A)
    %scan3A_41 = arith.constant 0 : i32
    %scan3A_42 = arith.constant 0 : i32
    %scan3A_43 = arith.constant 10 : i32
    %scan3A_44 = arith.addi %scan3A_42, %scan3A_43 : i32
    %scan3A_45 = arith.constant 1 : i32
    scf.for %scan3A_64 = %scan3A_42 to %scan3A_44 step %scan3A_45  : i32 {
      %mul3A_65 = arith.constant 4 : i32
      %mul3A_66 = arith.muli %scan3A_64, %mul3A_65 : i32
      %add3A_67 = arith.constant 0 : i32
      %add3A_68 = arith.addi %mul3A_66, %add3A_67 : i32
      %dma_wait3A_69 = arith.constant 0 : i32
      %dma_wait3A_70 = tpu.memref_slice %arg6[%add3A_68, %dma_wait3A_69] : memref<40x64xi32, #tpu.memory_space<vmem>> -> memref<1x64xi32, #tpu.memory_space<vmem>>
      %dma_wait3A_71 = tpu.memref_squeeze %dma_wait3A_70 : memref<1x64xi32, #tpu.memory_space<vmem>> -> memref<64xi32, #tpu.memory_space<vmem>>
      %dma_wait3A_72 = arith.constant 0 : i32
      %dma_wait3A_73 = arith.constant 0 : i32
      %dma_wait3A_74 = tpu.memref_slice %arg2[%dma_wait3A_72, %dma_wait3A_73] : memref<10000x128xf32, #tpu.memory_space<hbm>> -> memref<10000x128xf32, #tpu.memory_space<hbm>>
      tpu.wait_indirect_dma semaphore(%arg14 : memref<!tpu.dma_semaphore, #tpu.memory_space<semaphore_mem>>) src(%dma_wait3A_74 : memref<10000x128xf32, #tpu.memory_space<hbm>>) dst(%arg8 : memref<64x128xf32, #tpu.memory_space<vmem>>)
      %dma_start3A = arith.constant 0 : i32
      %dma_start3A_75 = tpu.memref_slice %arg7[%add3A_68, %dma_start3A] : memref<40x64xi32, #tpu.memory_space<vmem>> -> memref<1x64xi32, #tpu.memory_space<vmem>>
      %dma_start3A_76 = tpu.memref_squeeze %dma_start3A_75 : memref<1x64xi32, #tpu.memory_space<vmem>> -> memref<64xi32, #tpu.memory_space<vmem>>
      %dma_start3A_77 = arith.constant 0 : i32
      %dma_start3A_78 = arith.constant 0 : i32
      %dma_start3A_79 = tpu.memref_slice %arg13[%dma_start3A_77, %dma_start3A_78] : memref<10240x128xf32, #tpu.memory_space<vmem_shared>> -> memref<10240x128xf32, #tpu.memory_space<vmem_shared>>
      tpu.enqueue_indirect_dma source(%arg8 : memref<64x128xf32, #tpu.memory_space<vmem>>) target(%dma_start3A_79 : memref<10240x128xf32, #tpu.memory_space<vmem_shared>>) offsets(%dma_start3A_76 : memref<64xi32, #tpu.memory_space<vmem>>) semaphore(%arg15 : memref<!tpu.dma_semaphore, #tpu.memory_space<semaphore_mem>>) {add = true}
      %gt3A = arith.constant 0 : i32
      %gt3A_80 = arith.cmpi sgt, %scan3A_64, %gt3A : i32
      %convert_element_type3A_81 = arith.extui %gt3A_80 : i1 to i32
      %cond3A_82 = arith.constant 0 : i32
      %cond3A_83 = arith.cmpi ne, %convert_element_type3A_81, %cond3A_82 : i32
      scf.if %cond3A_83 {
        %sub3A_183 = arith.constant 1 : i32
        %sub3A_184 = arith.subi %add3A_68, %sub3A_183 : i32
        %dma_wait3A_185 = arith.constant 0 : i32
        %dma_wait3A_186 = tpu.memref_slice %arg7[%sub3A_184, %dma_wait3A_185] : memref<40x64xi32, #tpu.memory_space<vmem>> -> memref<1x64xi32, #tpu.memory_space<vmem>>
        %dma_wait3A_187 = tpu.memref_squeeze %dma_wait3A_186 : memref<1x64xi32, #tpu.memory_space<vmem>> -> memref<64xi32, #tpu.memory_space<vmem>>
        %dma_wait3A_188 = arith.constant 0 : i32
        %dma_wait3A_189 = arith.constant 0 : i32
        %dma_wait3A_190 = tpu.memref_slice %arg13[%dma_wait3A_188, %dma_wait3A_189] : memref<10240x128xf32, #tpu.memory_space<vmem_shared>> -> memref<10240x128xf32, #tpu.memory_space<vmem_shared>>
        tpu.wait_indirect_dma semaphore(%arg15 : memref<!tpu.dma_semaphore, #tpu.memory_space<semaphore_mem>>) src(%arg11 : memref<64x128xf32, #tpu.memory_space<vmem>>) dst(%dma_wait3A_190 : memref<10240x128xf32, #tpu.memory_space<vmem_shared>>)
      } else {
      }
      %add3A_84 = arith.constant 4 : i32
      %add3A_85 = arith.addi %add3A_68, %add3A_84 : i32
      %sub3A = arith.constant 1 : i32
      %sub3A_86 = arith.subi %add3A_85, %sub3A : i32
      %eq3A_87 = arith.constant 0 : i32
      %eq3A_88 = arith.cmpi eq, %arg0, %eq3A_87 : i32
      %convert_element_type3A_89 = arith.extui %eq3A_88 : i1 to i32
      %cond3A_90 = arith.constant 0 : i32
      %cond3A_91 = arith.cmpi ne, %convert_element_type3A_89, %cond3A_90 : i32
      scf.if %cond3A_91 {
        %dma_start3A_183 = arith.constant 0 : i32
        %dma_start3A_184 = tpu.memref_slice %arg6[%sub3A_86, %dma_start3A_183] : memref<40x64xi32, #tpu.memory_space<vmem>> -> memref<1x64xi32, #tpu.memory_space<vmem>>
        %dma_start3A_185 = tpu.memref_squeeze %dma_start3A_184 : memref<1x64xi32, #tpu.memory_space<vmem>> -> memref<64xi32, #tpu.memory_space<vmem>>
        %dma_start3A_186 = arith.constant 0 : i32
        %dma_start3A_187 = arith.constant 0 : i32
        %dma_start3A_188 = tpu.memref_slice %arg2[%dma_start3A_186, %dma_start3A_187] : memref<10000x128xf32, #tpu.memory_space<hbm>> -> memref<10000x128xf32, #tpu.memory_space<hbm>>
        tpu.enqueue_indirect_dma source(%dma_start3A_188 : memref<10000x128xf32, #tpu.memory_space<hbm>>) target(%arg11 : memref<64x128xf32, #tpu.memory_space<vmem>>) offsets(%dma_start3A_185 : memref<64xi32, #tpu.memory_space<vmem>>) semaphore(%arg14 : memref<!tpu.dma_semaphore, #tpu.memory_space<semaphore_mem>>)
      } else {
      }
      %eq3A_92 = arith.constant 1 : i32
      %eq3A_93 = arith.cmpi eq, %arg0, %eq3A_92 : i32
      %convert_element_type3A_94 = arith.extui %eq3A_93 : i1 to i32
      %cond3A_95 = arith.constant 0 : i32
      %cond3A_96 = arith.cmpi ne, %convert_element_type3A_94, %cond3A_95 : i32
      scf.if %cond3A_96 {
        %dma_start3A_183 = arith.constant 0 : i32
        %dma_start3A_184 = tpu.memref_slice %arg6[%sub3A_86, %dma_start3A_183] : memref<40x64xi32, #tpu.memory_space<vmem>> -> memref<1x64xi32, #tpu.memory_space<vmem>>
        %dma_start3A_185 = tpu.memref_squeeze %dma_start3A_184 : memref<1x64xi32, #tpu.memory_space<vmem>> -> memref<64xi32, #tpu.memory_space<vmem>>
        %dma_start3A_186 = arith.constant 0 : i32
        %dma_start3A_187 = arith.constant 0 : i32
        %dma_start3A_188 = tpu.memref_slice %arg3[%dma_start3A_186, %dma_start3A_187] : memref<10000x128xf32, #tpu.memory_space<hbm>> -> memref<10000x128xf32, #tpu.memory_space<hbm>>
        tpu.enqueue_indirect_dma source(%dma_start3A_188 : memref<10000x128xf32, #tpu.memory_space<hbm>>) target(%arg11 : memref<64x128xf32, #tpu.memory_space<vmem>>) offsets(%dma_start3A_185 : memref<64xi32, #tpu.memory_space<vmem>>) semaphore(%arg14 : memref<!tpu.dma_semaphore, #tpu.memory_space<semaphore_mem>>)
      } else {
      }
      %mul3A_97 = arith.constant 4 : i32
      %mul3A_98 = arith.muli %scan3A_64, %mul3A_97 : i32
      %add3A_99 = arith.constant 1 : i32
      %add3A_100 = arith.addi %mul3A_98, %add3A_99 : i32
      %dma_wait3A_101 = arith.constant 0 : i32
      %dma_wait3A_102 = tpu.memref_slice %arg6[%add3A_100, %dma_wait3A_101] : memref<40x64xi32, #tpu.memory_space<vmem>> -> memref<1x64xi32, #tpu.memory_space<vmem>>
      %dma_wait3A_103 = tpu.memref_squeeze %dma_wait3A_102 : memref<1x64xi32, #tpu.memory_space<vmem>> -> memref<64xi32, #tpu.memory_space<vmem>>
      %dma_wait3A_104 = arith.constant 0 : i32
      %dma_wait3A_105 = arith.constant 0 : i32
      %dma_wait3A_106 = tpu.memref_slice %arg2[%dma_wait3A_104, %dma_wait3A_105] : memref<10000x128xf32, #tpu.memory_space<hbm>> -> memref<10000x128xf32, #tpu.memory_space<hbm>>
      tpu.wait_indirect_dma semaphore(%arg14 : memref<!tpu.dma_semaphore, #tpu.memory_space<semaphore_mem>>) src(%dma_wait3A_106 : memref<10000x128xf32, #tpu.memory_space<hbm>>) dst(%arg9 : memref<64x128xf32, #tpu.memory_space<vmem>>)
      %dma_start3A_107 = arith.constant 0 : i32
      %dma_start3A_108 = tpu.memref_slice %arg7[%add3A_100, %dma_start3A_107] : memref<40x64xi32, #tpu.memory_space<vmem>> -> memref<1x64xi32, #tpu.memory_space<vmem>>
      %dma_start3A_109 = tpu.memref_squeeze %dma_start3A_108 : memref<1x64xi32, #tpu.memory_space<vmem>> -> memref<64xi32, #tpu.memory_space<vmem>>
      %dma_start3A_110 = arith.constant 0 : i32
      %dma_start3A_111 = arith.constant 0 : i32
      %dma_start3A_112 = tpu.memref_slice %arg13[%dma_start3A_110, %dma_start3A_111] : memref<10240x128xf32, #tpu.memory_space<vmem_shared>> -> memref<10240x128xf32, #tpu.memory_space<vmem_shared>>
      tpu.enqueue_indirect_dma source(%arg9 : memref<64x128xf32, #tpu.memory_space<vmem>>) target(%dma_start3A_112 : memref<10240x128xf32, #tpu.memory_space<vmem_shared>>) offsets(%dma_start3A_109 : memref<64xi32, #tpu.memory_space<vmem>>) semaphore(%arg15 : memref<!tpu.dma_semaphore, #tpu.memory_space<semaphore_mem>>) {add = true}
      %sub3A_113 = arith.constant 1 : i32
      %sub3A_114 = arith.subi %add3A_100, %sub3A_113 : i32
      %dma_wait3A_115 = arith.constant 0 : i32
      %dma_wait3A_116 = tpu.memref_slice %arg7[%sub3A_114, %dma_wait3A_115] : memref<40x64xi32, #tpu.memory_space<vmem>> -> memref<1x64xi32, #tpu.memory_space<vmem>>
      %dma_wait3A_117 = tpu.memref_squeeze %dma_wait3A_116 : memref<1x64xi32, #tpu.memory_space<vmem>> -> memref<64xi32, #tpu.memory_space<vmem>>
      %dma_wait3A_118 = arith.constant 0 : i32
      %dma_wait3A_119 = arith.constant 0 : i32
      %dma_wait3A_120 = tpu.memref_slice %arg13[%dma_wait3A_118, %dma_wait3A_119] : memref<10240x128xf32, #tpu.memory_space<vmem_shared>> -> memref<10240x128xf32, #tpu.memory_space<vmem_shared>>
      tpu.wait_indirect_dma semaphore(%arg15 : memref<!tpu.dma_semaphore, #tpu.memory_space<semaphore_mem>>) src(%arg8 : memref<64x128xf32, #tpu.memory_space<vmem>>) dst(%dma_wait3A_120 : memref<10240x128xf32, #tpu.memory_space<vmem_shared>>)
      %lt3A = arith.constant 9 : i32
      %lt3A_121 = arith.cmpi slt, %scan3A_64, %lt3A : i32
      %convert_element_type3A_122 = arith.extui %lt3A_121 : i1 to i32
      %cond3A_123 = arith.constant 0 : i32
      %cond3A_124 = arith.cmpi ne, %convert_element_type3A_122, %cond3A_123 : i32
      scf.if %cond3A_124 {
        %add3A_183 = arith.constant 4 : i32
        %add3A_184 = arith.addi %add3A_100, %add3A_183 : i32
        %sub3A_185 = arith.constant 1 : i32
        %sub3A_186 = arith.subi %add3A_184, %sub3A_185 : i32
        %eq3A_187 = arith.constant 0 : i32
        %eq3A_188 = arith.cmpi eq, %arg0, %eq3A_187 : i32
        %convert_element_type3A_189 = arith.extui %eq3A_188 : i1 to i32
        %cond3A_190 = arith.constant 0 : i32
        %cond3A_191 = arith.cmpi ne, %convert_element_type3A_189, %cond3A_190 : i32
        scf.if %cond3A_191 {
          %dma_start3A_197 = arith.constant 0 : i32
          %dma_start3A_198 = tpu.memref_slice %arg6[%sub3A_186, %dma_start3A_197] : memref<40x64xi32, #tpu.memory_space<vmem>> -> memref<1x64xi32, #tpu.memory_space<vmem>>
          %dma_start3A_199 = tpu.memref_squeeze %dma_start3A_198 : memref<1x64xi32, #tpu.memory_space<vmem>> -> memref<64xi32, #tpu.memory_space<vmem>>
          %dma_start3A_200 = arith.constant 0 : i32
          %dma_start3A_201 = arith.constant 0 : i32
          %dma_start3A_202 = tpu.memref_slice %arg2[%dma_start3A_200, %dma_start3A_201] : memref<10000x128xf32, #tpu.memory_space<hbm>> -> memref<10000x128xf32, #tpu.memory_space<hbm>>
          tpu.enqueue_indirect_dma source(%dma_start3A_202 : memref<10000x128xf32, #tpu.memory_space<hbm>>) target(%arg8 : memref<64x128xf32, #tpu.memory_space<vmem>>) offsets(%dma_start3A_199 : memref<64xi32, #tpu.memory_space<vmem>>) semaphore(%arg14 : memref<!tpu.dma_semaphore, #tpu.memory_space<semaphore_mem>>)
        } else {
        }
        %eq3A_192 = arith.constant 1 : i32
        %eq3A_193 = arith.cmpi eq, %arg0, %eq3A_192 : i32
        %convert_element_type3A_194 = arith.extui %eq3A_193 : i1 to i32
        %cond3A_195 = arith.constant 0 : i32
        %cond3A_196 = arith.cmpi ne, %convert_element_type3A_194, %cond3A_195 : i32
        scf.if %cond3A_196 {
          %dma_start3A_197 = arith.constant 0 : i32
          %dma_start3A_198 = tpu.memref_slice %arg6[%sub3A_186, %dma_start3A_197] : memref<40x64xi32, #tpu.memory_space<vmem>> -> memref<1x64xi32, #tpu.memory_space<vmem>>
          %dma_start3A_199 = tpu.memref_squeeze %dma_start3A_198 : memref<1x64xi32, #tpu.memory_space<vmem>> -> memref<64xi32, #tpu.memory_space<vmem>>
          %dma_start3A_200 = arith.constant 0 : i32
          %dma_start3A_201 = arith.constant 0 : i32
          %dma_start3A_202 = tpu.memref_slice %arg3[%dma_start3A_200, %dma_start3A_201] : memref<10000x128xf32, #tpu.memory_space<hbm>> -> memref<10000x128xf32, #tpu.memory_space<hbm>>
          tpu.enqueue_indirect_dma source(%dma_start3A_202 : memref<10000x128xf32, #tpu.memory_space<hbm>>) target(%arg8 : memref<64x128xf32, #tpu.memory_space<vmem>>) offsets(%dma_start3A_199 : memref<64xi32, #tpu.memory_space<vmem>>) semaphore(%arg14 : memref<!tpu.dma_semaphore, #tpu.memory_space<semaphore_mem>>)
        } else {
        }
      } else {
      }
      %mul3A_125 = arith.constant 4 : i32
      %mul3A_126 = arith.muli %scan3A_64, %mul3A_125 : i32
      %add3A_127 = arith.constant 2 : i32
      %add3A_128 = arith.addi %mul3A_126, %add3A_127 : i32
      %dma_wait3A_129 = arith.constant 0 : i32
      %dma_wait3A_130 = tpu.memref_slice %arg6[%add3A_128, %dma_wait3A_129] : memref<40x64xi32, #tpu.memory_space<vmem>> -> memref<1x64xi32, #tpu.memory_space<vmem>>
      %dma_wait3A_131 = tpu.memref_squeeze %dma_wait3A_130 : memref<1x64xi32, #tpu.memory_space<vmem>> -> memref<64xi32, #tpu.memory_space<vmem>>
      %dma_wait3A_132 = arith.constant 0 : i32
      %dma_wait3A_133 = arith.constant 0 : i32
      %dma_wait3A_134 = tpu.memref_slice %arg2[%dma_wait3A_132, %dma_wait3A_133] : memref<10000x128xf32, #tpu.memory_space<hbm>> -> memref<10000x128xf32, #tpu.memory_space<hbm>>
      tpu.wait_indirect_dma semaphore(%arg14 : memref<!tpu.dma_semaphore, #tpu.memory_space<semaphore_mem>>) src(%dma_wait3A_134 : memref<10000x128xf32, #tpu.memory_space<hbm>>) dst(%arg10 : memref<64x128xf32, #tpu.memory_space<vmem>>)
      %dma_start3A_135 = arith.constant 0 : i32
      %dma_start3A_136 = tpu.memref_slice %arg7[%add3A_128, %dma_start3A_135] : memref<40x64xi32, #tpu.memory_space<vmem>> -> memref<1x64xi32, #tpu.memory_space<vmem>>
      %dma_start3A_137 = tpu.memref_squeeze %dma_start3A_136 : memref<1x64xi32, #tpu.memory_space<vmem>> -> memref<64xi32, #tpu.memory_space<vmem>>
      %dma_start3A_138 = arith.constant 0 : i32
      %dma_start3A_139 = arith.constant 0 : i32
      %dma_start3A_140 = tpu.memref_slice %arg13[%dma_start3A_138, %dma_start3A_139] : memref<10240x128xf32, #tpu.memory_space<vmem_shared>> -> memref<10240x128xf32, #tpu.memory_space<vmem_shared>>
      tpu.enqueue_indirect_dma source(%arg10 : memref<64x128xf32, #tpu.memory_space<vmem>>) target(%dma_start3A_140 : memref<10240x128xf32, #tpu.memory_space<vmem_shared>>) offsets(%dma_start3A_137 : memref<64xi32, #tpu.memory_space<vmem>>) semaphore(%arg15 : memref<!tpu.dma_semaphore, #tpu.memory_space<semaphore_mem>>) {add = true}
      %sub3A_141 = arith.constant 1 : i32
      %sub3A_142 = arith.subi %add3A_128, %sub3A_141 : i32
      %dma_wait3A_143 = arith.constant 0 : i32
      %dma_wait3A_144 = tpu.memref_slice %arg7[%sub3A_142, %dma_wait3A_143] : memref<40x64xi32, #tpu.memory_space<vmem>> -> memref<1x64xi32, #tpu.memory_space<vmem>>
      %dma_wait3A_145 = tpu.memref_squeeze %dma_wait3A_144 : memref<1x64xi32, #tpu.memory_space<vmem>> -> memref<64xi32, #tpu.memory_space<vmem>>
      %dma_wait3A_146 = arith.constant 0 : i32
      %dma_wait3A_147 = arith.constant 0 : i32
      %dma_wait3A_148 = tpu.memref_slice %arg13[%dma_wait3A_146, %dma_wait3A_147] : memref<10240x128xf32, #tpu.memory_space<vmem_shared>> -> memref<10240x128xf32, #tpu.memory_space<vmem_shared>>
      tpu.wait_indirect_dma semaphore(%arg15 : memref<!tpu.dma_semaphore, #tpu.memory_space<semaphore_mem>>) src(%arg9 : memref<64x128xf32, #tpu.memory_space<vmem>>) dst(%dma_wait3A_148 : memref<10240x128xf32, #tpu.memory_space<vmem_shared>>)
      %lt3A_149 = arith.constant 9 : i32
      %lt3A_150 = arith.cmpi slt, %scan3A_64, %lt3A_149 : i32
      %convert_element_type3A_151 = arith.extui %lt3A_150 : i1 to i32
      %cond3A_152 = arith.constant 0 : i32
      %cond3A_153 = arith.cmpi ne, %convert_element_type3A_151, %cond3A_152 : i32
      scf.if %cond3A_153 {
        %add3A_183 = arith.constant 4 : i32
        %add3A_184 = arith.addi %add3A_128, %add3A_183 : i32
        %sub3A_185 = arith.constant 1 : i32
        %sub3A_186 = arith.subi %add3A_184, %sub3A_185 : i32
        %eq3A_187 = arith.constant 0 : i32
        %eq3A_188 = arith.cmpi eq, %arg0, %eq3A_187 : i32
        %convert_element_type3A_189 = arith.extui %eq3A_188 : i1 to i32
        %cond3A_190 = arith.constant 0 : i32
        %cond3A_191 = arith.cmpi ne, %convert_element_type3A_189, %cond3A_190 : i32
        scf.if %cond3A_191 {
          %dma_start3A_197 = arith.constant 0 : i32
          %dma_start3A_198 = tpu.memref_slice %arg6[%sub3A_186, %dma_start3A_197] : memref<40x64xi32, #tpu.memory_space<vmem>> -> memref<1x64xi32, #tpu.memory_space<vmem>>
          %dma_start3A_199 = tpu.memref_squeeze %dma_start3A_198 : memref<1x64xi32, #tpu.memory_space<vmem>> -> memref<64xi32, #tpu.memory_space<vmem>>
          %dma_start3A_200 = arith.constant 0 : i32
          %dma_start3A_201 = arith.constant 0 : i32
          %dma_start3A_202 = tpu.memref_slice %arg2[%dma_start3A_200, %dma_start3A_201] : memref<10000x128xf32, #tpu.memory_space<hbm>> -> memref<10000x128xf32, #tpu.memory_space<hbm>>
          tpu.enqueue_indirect_dma source(%dma_start3A_202 : memref<10000x128xf32, #tpu.memory_space<hbm>>) target(%arg9 : memref<64x128xf32, #tpu.memory_space<vmem>>) offsets(%dma_start3A_199 : memref<64xi32, #tpu.memory_space<vmem>>) semaphore(%arg14 : memref<!tpu.dma_semaphore, #tpu.memory_space<semaphore_mem>>)
        } else {
        }
        %eq3A_192 = arith.constant 1 : i32
        %eq3A_193 = arith.cmpi eq, %arg0, %eq3A_192 : i32
        %convert_element_type3A_194 = arith.extui %eq3A_193 : i1 to i32
        %cond3A_195 = arith.constant 0 : i32
        %cond3A_196 = arith.cmpi ne, %convert_element_type3A_194, %cond3A_195 : i32
        scf.if %cond3A_196 {
          %dma_start3A_197 = arith.constant 0 : i32
          %dma_start3A_198 = tpu.memref_slice %arg6[%sub3A_186, %dma_start3A_197] : memref<40x64xi32, #tpu.memory_space<vmem>> -> memref<1x64xi32, #tpu.memory_space<vmem>>
          %dma_start3A_199 = tpu.memref_squeeze %dma_start3A_198 : memref<1x64xi32, #tpu.memory_space<vmem>> -> memref<64xi32, #tpu.memory_space<vmem>>
          %dma_start3A_200 = arith.constant 0 : i32
          %dma_start3A_201 = arith.constant 0 : i32
          %dma_start3A_202 = tpu.memref_slice %arg3[%dma_start3A_200, %dma_start3A_201] : memref<10000x128xf32, #tpu.memory_space<hbm>> -> memref<10000x128xf32, #tpu.memory_space<hbm>>
          tpu.enqueue_indirect_dma source(%dma_start3A_202 : memref<10000x128xf32, #tpu.memory_space<hbm>>) target(%arg9 : memref<64x128xf32, #tpu.memory_space<vmem>>) offsets(%dma_start3A_199 : memref<64xi32, #tpu.memory_space<vmem>>) semaphore(%arg14 : memref<!tpu.dma_semaphore, #tpu.memory_space<semaphore_mem>>)
        } else {
        }
      } else {
      }
      %mul3A_154 = arith.constant 4 : i32
      %mul3A_155 = arith.muli %scan3A_64, %mul3A_154 : i32
      %add3A_156 = arith.constant 3 : i32
      %add3A_157 = arith.addi %mul3A_155, %add3A_156 : i32
      %dma_wait3A_158 = arith.constant 0 : i32
      %dma_wait3A_159 = tpu.memref_slice %arg6[%add3A_157, %dma_wait3A_158] : memref<40x64xi32, #tpu.memory_space<vmem>> -> memref<1x64xi32, #tpu.memory_space<vmem>>
      %dma_wait3A_160 = tpu.memref_squeeze %dma_wait3A_159 : memref<1x64xi32, #tpu.memory_space<vmem>> -> memref<64xi32, #tpu.memory_space<vmem>>
      %dma_wait3A_161 = arith.constant 0 : i32
      %dma_wait3A_162 = arith.constant 0 : i32
      %dma_wait3A_163 = tpu.memref_slice %arg2[%dma_wait3A_161, %dma_wait3A_162] : memref<10000x128xf32, #tpu.memory_space<hbm>> -> memref<10000x128xf32, #tpu.memory_space<hbm>>
      tpu.wait_indirect_dma semaphore(%arg14 : memref<!tpu.dma_semaphore, #tpu.memory_space<semaphore_mem>>) src(%dma_wait3A_163 : memref<10000x128xf32, #tpu.memory_space<hbm>>) dst(%arg11 : memref<64x128xf32, #tpu.memory_space<vmem>>)
      %dma_start3A_164 = arith.constant 0 : i32
      %dma_start3A_165 = tpu.memref_slice %arg7[%add3A_157, %dma_start3A_164] : memref<40x64xi32, #tpu.memory_space<vmem>> -> memref<1x64xi32, #tpu.memory_space<vmem>>
      %dma_start3A_166 = tpu.memref_squeeze %dma_start3A_165 : memref<1x64xi32, #tpu.memory_space<vmem>> -> memref<64xi32, #tpu.memory_space<vmem>>
      %dma_start3A_167 = arith.constant 0 : i32
      %dma_start3A_168 = arith.constant 0 : i32
      %dma_start3A_169 = tpu.memref_slice %arg13[%dma_start3A_167, %dma_start3A_168] : memref<10240x128xf32, #tpu.memory_space<vmem_shared>> -> memref<10240x128xf32, #tpu.memory_space<vmem_shared>>
      tpu.enqueue_indirect_dma source(%arg11 : memref<64x128xf32, #tpu.memory_space<vmem>>) target(%dma_start3A_169 : memref<10240x128xf32, #tpu.memory_space<vmem_shared>>) offsets(%dma_start3A_166 : memref<64xi32, #tpu.memory_space<vmem>>) semaphore(%arg15 : memref<!tpu.dma_semaphore, #tpu.memory_space<semaphore_mem>>) {add = true}
      %sub3A_170 = arith.constant 1 : i32
      %sub3A_171 = arith.subi %add3A_157, %sub3A_170 : i32
      %dma_wait3A_172 = arith.constant 0 : i32
      %dma_wait3A_173 = tpu.memref_slice %arg7[%sub3A_171, %dma_wait3A_172] : memref<40x64xi32, #tpu.memory_space<vmem>> -> memref<1x64xi32, #tpu.memory_space<vmem>>
      %dma_wait3A_174 = tpu.memref_squeeze %dma_wait3A_173 : memref<1x64xi32, #tpu.memory_space<vmem>> -> memref<64xi32, #tpu.memory_space<vmem>>
      %dma_wait3A_175 = arith.constant 0 : i32
      %dma_wait3A_176 = arith.constant 0 : i32
      %dma_wait3A_177 = tpu.memref_slice %arg13[%dma_wait3A_175, %dma_wait3A_176] : memref<10240x128xf32, #tpu.memory_space<vmem_shared>> -> memref<10240x128xf32, #tpu.memory_space<vmem_shared>>
      tpu.wait_indirect_dma semaphore(%arg15 : memref<!tpu.dma_semaphore, #tpu.memory_space<semaphore_mem>>) src(%arg10 : memref<64x128xf32, #tpu.memory_space<vmem>>) dst(%dma_wait3A_177 : memref<10240x128xf32, #tpu.memory_space<vmem_shared>>)
      %lt3A_178 = arith.constant 9 : i32
      %lt3A_179 = arith.cmpi slt, %scan3A_64, %lt3A_178 : i32
      %convert_element_type3A_180 = arith.extui %lt3A_179 : i1 to i32
      %cond3A_181 = arith.constant 0 : i32
      %cond3A_182 = arith.cmpi ne, %convert_element_type3A_180, %cond3A_181 : i32
      scf.if %cond3A_182 {
        %add3A_183 = arith.constant 4 : i32
        %add3A_184 = arith.addi %add3A_157, %add3A_183 : i32
        %sub3A_185 = arith.constant 1 : i32
        %sub3A_186 = arith.subi %add3A_184, %sub3A_185 : i32
        %eq3A_187 = arith.constant 0 : i32
        %eq3A_188 = arith.cmpi eq, %arg0, %eq3A_187 : i32
        %convert_element_type3A_189 = arith.extui %eq3A_188 : i1 to i32
        %cond3A_190 = arith.constant 0 : i32
        %cond3A_191 = arith.cmpi ne, %convert_element_type3A_189, %cond3A_190 : i32
        scf.if %cond3A_191 {
          %dma_start3A_197 = arith.constant 0 : i32
          %dma_start3A_198 = tpu.memref_slice %arg6[%sub3A_186, %dma_start3A_197] : memref<40x64xi32, #tpu.memory_space<vmem>> -> memref<1x64xi32, #tpu.memory_space<vmem>>
          %dma_start3A_199 = tpu.memref_squeeze %dma_start3A_198 : memref<1x64xi32, #tpu.memory_space<vmem>> -> memref<64xi32, #tpu.memory_space<vmem>>
          %dma_start3A_200 = arith.constant 0 : i32
          %dma_start3A_201 = arith.constant 0 : i32
          %dma_start3A_202 = tpu.memref_slice %arg2[%dma_start3A_200, %dma_start3A_201] : memref<10000x128xf32, #tpu.memory_space<hbm>> -> memref<10000x128xf32, #tpu.memory_space<hbm>>
          tpu.enqueue_indirect_dma source(%dma_start3A_202 : memref<10000x128xf32, #tpu.memory_space<hbm>>) target(%arg10 : memref<64x128xf32, #tpu.memory_space<vmem>>) offsets(%dma_start3A_199 : memref<64xi32, #tpu.memory_space<vmem>>) semaphore(%arg14 : memref<!tpu.dma_semaphore, #tpu.memory_space<semaphore_mem>>)
        } else {
        }
        %eq3A_192 = arith.constant 1 : i32
        %eq3A_193 = arith.cmpi eq, %arg0, %eq3A_192 : i32
        %convert_element_type3A_194 = arith.extui %eq3A_193 : i1 to i32
        %cond3A_195 = arith.constant 0 : i32
        %cond3A_196 = arith.cmpi ne, %convert_element_type3A_194, %cond3A_195 : i32
        scf.if %cond3A_196 {
          %dma_start3A_197 = arith.constant 0 : i32
          %dma_start3A_198 = tpu.memref_slice %arg6[%sub3A_186, %dma_start3A_197] : memref<40x64xi32, #tpu.memory_space<vmem>> -> memref<1x64xi32, #tpu.memory_space<vmem>>
          %dma_start3A_199 = tpu.memref_squeeze %dma_start3A_198 : memref<1x64xi32, #tpu.memory_space<vmem>> -> memref<64xi32, #tpu.memory_space<vmem>>
          %dma_start3A_200 = arith.constant 0 : i32
          %dma_start3A_201 = arith.constant 0 : i32
          %dma_start3A_202 = tpu.memref_slice %arg3[%dma_start3A_200, %dma_start3A_201] : memref<10000x128xf32, #tpu.memory_space<hbm>> -> memref<10000x128xf32, #tpu.memory_space<hbm>>
          tpu.enqueue_indirect_dma source(%dma_start3A_202 : memref<10000x128xf32, #tpu.memory_space<hbm>>) target(%arg10 : memref<64x128xf32, #tpu.memory_space<vmem>>) offsets(%dma_start3A_199 : memref<64xi32, #tpu.memory_space<vmem>>) semaphore(%arg14 : memref<!tpu.dma_semaphore, #tpu.memory_space<semaphore_mem>>)
        } else {
        }
      } else {
      }
    }
    %scan3A_46 = arith.constant 10 : i32
    %dma_wait3A = arith.constant 39 : i32
    %dma_wait3A_47 = arith.constant 0 : i32
    %dma_wait3A_48 = tpu.memref_slice %arg7[%dma_wait3A, %dma_wait3A_47] : memref<40x64xi32, #tpu.memory_space<vmem>> -> memref<1x64xi32, #tpu.memory_space<vmem>>
    %dma_wait3A_49 = tpu.memref_squeeze %dma_wait3A_48 : memref<1x64xi32, #tpu.memory_space<vmem>> -> memref<64xi32, #tpu.memory_space<vmem>>
    %dma_wait3A_50 = arith.constant 0 : i32
    %dma_wait3A_51 = arith.constant 0 : i32
    %dma_wait3A_52 = tpu.memref_slice %arg13[%dma_wait3A_50, %dma_wait3A_51] : memref<10240x128xf32, #tpu.memory_space<vmem_shared>> -> memref<10240x128xf32, #tpu.memory_space<vmem_shared>>
    tpu.wait_indirect_dma semaphore(%arg15 : memref<!tpu.dma_semaphore, #tpu.memory_space<semaphore_mem>>) src(%arg11 : memref<64x128xf32, #tpu.memory_space<vmem>>) dst(%dma_wait3A_52 : memref<10240x128xf32, #tpu.memory_space<vmem_shared>>)
    %scan3A_53 = arith.constant 0 : i32
    %scan3A_54 = arith.constant 1 : i32
    %scan3A_55 = arith.constant 7 : i32
    %scan3A_56 = arith.addi %scan3A_54, %scan3A_55 : i32
    %scan3A_57 = arith.constant 1 : i32
    scf.for %scan3A_64 = %scan3A_54 to %scan3A_56 step %scan3A_57  : i32 {
      %mul3A_65 = arith.constant 40 : i32
      %mul3A_66 = arith.muli %scan3A_64, %mul3A_65 : i32
      %add3A_67 = arith.addi %add3A_1, %mul3A_66 : i32
      %run_scoped3A_68 = arith.constant 0 : i32
      "tpu.region"() ({
        %run_scoped3A_113 = tpu.sem_alloc : memref<!tpu.dma_semaphore, #tpu.memory_space<semaphore_mem>>
        %dma_start3A = arith.constant 0 : i32
        %dma_start3A_114 = arith.constant 0 : i32
        %dma_start3A_115 = tpu.memref_slice %arg6[%dma_start3A, %dma_start3A_114] : memref<40x64xi32, #tpu.memory_space<vmem>> -> memref<40x64xi32, #tpu.memory_space<vmem>>
        %dma_start3A_116 = arith.constant 0 : i32
        %dma_start3A_117 = tpu.memref_slice %arg4[%run_scoped3A_68, %add3A_67, %dma_start3A_116] : memref<2x5120x64xi32, #tpu.memory_space<hbm>> -> memref<1x40x64xi32, #tpu.memory_space<hbm>>
        %dma_start3A_118 = tpu.memref_squeeze %dma_start3A_117 : memref<1x40x64xi32, #tpu.memory_space<hbm>> -> memref<40x64xi32, #tpu.memory_space<hbm>>
        %dma_start3A_119 = arith.constant 0 : i32
        %dma_start3A_120 = arith.constant 0 : i32
        %dma_start3A_121 = tpu.memref_slice %arg6[%dma_start3A_119, %dma_start3A_120] : memref<40x64xi32, #tpu.memory_space<vmem>> -> memref<40x64xi32, #tpu.memory_space<vmem>>
        %dma_start3A_122 = arith.constant 0 : i32
        %dma_start3A_123 = tpu.memref_slice %arg4[%run_scoped3A_68, %add3A_67, %dma_start3A_122] : memref<2x5120x64xi32, #tpu.memory_space<hbm>> -> memref<1x40x64xi32, #tpu.memory_space<hbm>>
        %dma_start3A_124 = tpu.memref_squeeze %dma_start3A_123 : memref<1x40x64xi32, #tpu.memory_space<hbm>> -> memref<40x64xi32, #tpu.memory_space<hbm>>
        tpu.enqueue_dma source(%dma_start3A_124 : memref<40x64xi32, #tpu.memory_space<hbm>>) target(%dma_start3A_121 : memref<40x64xi32, #tpu.memory_space<vmem>>) target_semaphore(%run_scoped3A_113 : memref<!tpu.dma_semaphore, #tpu.memory_space<semaphore_mem>>)
        %dma_wait3A_125 = arith.constant 0 : i32
        %dma_wait3A_126 = arith.constant 0 : i32
        %dma_wait3A_127 = tpu.memref_slice %arg6[%dma_wait3A_125, %dma_wait3A_126] : memref<40x64xi32, #tpu.memory_space<vmem>> -> memref<40x64xi32, #tpu.memory_space<vmem>>
        %dma_wait3A_128 = arith.constant 0 : i32
        %dma_wait3A_129 = tpu.memref_slice %arg4[%run_scoped3A_68, %add3A_67, %dma_wait3A_128] : memref<2x5120x64xi32, #tpu.memory_space<hbm>> -> memref<1x40x64xi32, #tpu.memory_space<hbm>>
        %dma_wait3A_130 = tpu.memref_squeeze %dma_wait3A_129 : memref<1x40x64xi32, #tpu.memory_space<hbm>> -> memref<40x64xi32, #tpu.memory_space<hbm>>
        %dma_wait3A_131 = arith.constant 0 : i32
        %dma_wait3A_132 = arith.constant 0 : i32
        %dma_wait3A_133 = tpu.memref_slice %arg6[%dma_wait3A_131, %dma_wait3A_132] : memref<40x64xi32, #tpu.memory_space<vmem>> -> memref<40x64xi32, #tpu.memory_space<vmem>>
        %dma_wait3A_134 = arith.constant 0 : i32
        %dma_wait3A_135 = tpu.memref_slice %arg4[%run_scoped3A_68, %add3A_67, %dma_wait3A_134] : memref<2x5120x64xi32, #tpu.memory_space<hbm>> -> memref<1x40x64xi32, #tpu.memory_space<hbm>>
        %dma_wait3A_136 = tpu.memref_squeeze %dma_wait3A_135 : memref<1x40x64xi32, #tpu.memory_space<hbm>> -> memref<40x64xi32, #tpu.memory_space<hbm>>
        tpu.wait_dma2 semaphore(%run_scoped3A_113 : memref<!tpu.dma_semaphore, #tpu.memory_space<semaphore_mem>>) src(%dma_wait3A_136 : memref<40x64xi32, #tpu.memory_space<hbm>>) dst(%dma_wait3A_133 : memref<40x64xi32, #tpu.memory_space<vmem>>)
        tpu.yield
      }) : () -> ()
      %run_scoped3A_69 = arith.constant 1 : i32
      "tpu.region"() ({
        %run_scoped3A_113 = tpu.sem_alloc : memref<!tpu.dma_semaphore, #tpu.memory_space<semaphore_mem>>
        %dma_start3A = arith.constant 0 : i32
        %dma_start3A_114 = arith.constant 0 : i32
        %dma_start3A_115 = tpu.memref_slice %arg7[%dma_start3A, %dma_start3A_114] : memref<40x64xi32, #tpu.memory_space<vmem>> -> memref<40x64xi32, #tpu.memory_space<vmem>>
        %dma_start3A_116 = arith.constant 0 : i32
        %dma_start3A_117 = tpu.memref_slice %arg4[%run_scoped3A_69, %add3A_67, %dma_start3A_116] : memref<2x5120x64xi32, #tpu.memory_space<hbm>> -> memref<1x40x64xi32, #tpu.memory_space<hbm>>
        %dma_start3A_118 = tpu.memref_squeeze %dma_start3A_117 : memref<1x40x64xi32, #tpu.memory_space<hbm>> -> memref<40x64xi32, #tpu.memory_space<hbm>>
        %dma_start3A_119 = arith.constant 0 : i32
        %dma_start3A_120 = arith.constant 0 : i32
        %dma_start3A_121 = tpu.memref_slice %arg7[%dma_start3A_119, %dma_start3A_120] : memref<40x64xi32, #tpu.memory_space<vmem>> -> memref<40x64xi32, #tpu.memory_space<vmem>>
        %dma_start3A_122 = arith.constant 0 : i32
        %dma_start3A_123 = tpu.memref_slice %arg4[%run_scoped3A_69, %add3A_67, %dma_start3A_122] : memref<2x5120x64xi32, #tpu.memory_space<hbm>> -> memref<1x40x64xi32, #tpu.memory_space<hbm>>
        %dma_start3A_124 = tpu.memref_squeeze %dma_start3A_123 : memref<1x40x64xi32, #tpu.memory_space<hbm>> -> memref<40x64xi32, #tpu.memory_space<hbm>>
        tpu.enqueue_dma source(%dma_start3A_124 : memref<40x64xi32, #tpu.memory_space<hbm>>) target(%dma_start3A_121 : memref<40x64xi32, #tpu.memory_space<vmem>>) target_semaphore(%run_scoped3A_113 : memref<!tpu.dma_semaphore, #tpu.memory_space<semaphore_mem>>)
        %dma_wait3A_125 = arith.constant 0 : i32
        %dma_wait3A_126 = arith.constant 0 : i32
        %dma_wait3A_127 = tpu.memref_slice %arg7[%dma_wait3A_125, %dma_wait3A_126] : memref<40x64xi32, #tpu.memory_space<vmem>> -> memref<40x64xi32, #tpu.memory_space<vmem>>
        %dma_wait3A_128 = arith.constant 0 : i32
        %dma_wait3A_129 = tpu.memref_slice %arg4[%run_scoped3A_69, %add3A_67, %dma_wait3A_128] : memref<2x5120x64xi32, #tpu.memory_space<hbm>> -> memref<1x40x64xi32, #tpu.memory_space<hbm>>
        %dma_wait3A_130 = tpu.memref_squeeze %dma_wait3A_129 : memref<1x40x64xi32, #tpu.memory_space<hbm>> -> memref<40x64xi32, #tpu.memory_space<hbm>>
        %dma_wait3A_131 = arith.constant 0 : i32
        %dma_wait3A_132 = arith.constant 0 : i32
        %dma_wait3A_133 = tpu.memref_slice %arg7[%dma_wait3A_131, %dma_wait3A_132] : memref<40x64xi32, #tpu.memory_space<vmem>> -> memref<40x64xi32, #tpu.memory_space<vmem>>
        %dma_wait3A_134 = arith.constant 0 : i32
        %dma_wait3A_135 = tpu.memref_slice %arg4[%run_scoped3A_69, %add3A_67, %dma_wait3A_134] : memref<2x5120x64xi32, #tpu.memory_space<hbm>> -> memref<1x40x64xi32, #tpu.memory_space<hbm>>
        %dma_wait3A_136 = tpu.memref_squeeze %dma_wait3A_135 : memref<1x40x64xi32, #tpu.memory_space<hbm>> -> memref<40x64xi32, #tpu.memory_space<hbm>>
        tpu.wait_dma2 semaphore(%run_scoped3A_113 : memref<!tpu.dma_semaphore, #tpu.memory_space<semaphore_mem>>) src(%dma_wait3A_136 : memref<40x64xi32, #tpu.memory_space<hbm>>) dst(%dma_wait3A_133 : memref<40x64xi32, #tpu.memory_space<vmem>>)
        tpu.yield
      }) : () -> ()
      %eq3A_70 = arith.constant 0 : i32
      %eq3A_71 = arith.cmpi eq, %arg0, %eq3A_70 : i32
      %convert_element_type3A_72 = arith.extui %eq3A_71 : i1 to i32
      %cond3A_73 = arith.constant 0 : i32
      %cond3A_74 = arith.cmpi ne, %convert_element_type3A_72, %cond3A_73 : i32
      scf.if %cond3A_74 {
        %dma_start3A = arith.constant 0 : i32
        %dma_start3A_113 = arith.constant 0 : i32
        %dma_start3A_114 = tpu.memref_slice %arg6[%dma_start3A, %dma_start3A_113] : memref<40x64xi32, #tpu.memory_space<vmem>> -> memref<1x64xi32, #tpu.memory_space<vmem>>
        %dma_start3A_115 = tpu.memref_squeeze %dma_start3A_114 : memref<1x64xi32, #tpu.memory_space<vmem>> -> memref<64xi32, #tpu.memory_space<vmem>>
        %dma_start3A_116 = arith.constant 0 : i32
        %dma_start3A_117 = arith.constant 0 : i32
        %dma_start3A_118 = tpu.memref_slice %arg2[%dma_start3A_116, %dma_start3A_117] : memref<10000x128xf32, #tpu.memory_space<hbm>> -> memref<10000x128xf32, #tpu.memory_space<hbm>>
        tpu.enqueue_indirect_dma source(%dma_start3A_118 : memref<10000x128xf32, #tpu.memory_space<hbm>>) target(%arg8 : memref<64x128xf32, #tpu.memory_space<vmem>>) offsets(%dma_start3A_115 : memref<64xi32, #tpu.memory_space<vmem>>) semaphore(%arg14 : memref<!tpu.dma_semaphore, #tpu.memory_space<semaphore_mem>>)
      } else {
      }
      %eq3A_75 = arith.constant 1 : i32
      %eq3A_76 = arith.cmpi eq, %arg0, %eq3A_75 : i32
      %convert_element_type3A_77 = arith.extui %eq3A_76 : i1 to i32
      %cond3A_78 = arith.constant 0 : i32
      %cond3A_79 = arith.cmpi ne, %convert_element_type3A_77, %cond3A_78 : i32
      scf.if %cond3A_79 {
        %dma_start3A = arith.constant 0 : i32
        %dma_start3A_113 = arith.constant 0 : i32
        %dma_start3A_114 = tpu.memref_slice %arg6[%dma_start3A, %dma_start3A_113] : memref<40x64xi32, #tpu.memory_space<vmem>> -> memref<1x64xi32, #tpu.memory_space<vmem>>
        %dma_start3A_115 = tpu.memref_squeeze %dma_start3A_114 : memref<1x64xi32, #tpu.memory_space<vmem>> -> memref<64xi32, #tpu.memory_space<vmem>>
        %dma_start3A_116 = arith.constant 0 : i32
        %dma_start3A_117 = arith.constant 0 : i32
        %dma_start3A_118 = tpu.memref_slice %arg3[%dma_start3A_116, %dma_start3A_117] : memref<10000x128xf32, #tpu.memory_space<hbm>> -> memref<10000x128xf32, #tpu.memory_space<hbm>>
        tpu.enqueue_indirect_dma source(%dma_start3A_118 : memref<10000x128xf32, #tpu.memory_space<hbm>>) target(%arg8 : memref<64x128xf32, #tpu.memory_space<vmem>>) offsets(%dma_start3A_115 : memref<64xi32, #tpu.memory_space<vmem>>) semaphore(%arg14 : memref<!tpu.dma_semaphore, #tpu.memory_space<semaphore_mem>>)
      } else {
      }
      %eq3A_80 = arith.constant 0 : i32
      %eq3A_81 = arith.cmpi eq, %arg0, %eq3A_80 : i32
      %convert_element_type3A_82 = arith.extui %eq3A_81 : i1 to i32
      %cond3A_83 = arith.constant 0 : i32
      %cond3A_84 = arith.cmpi ne, %convert_element_type3A_82, %cond3A_83 : i32
      scf.if %cond3A_84 {
        %dma_start3A = arith.constant 1 : i32
        %dma_start3A_113 = arith.constant 0 : i32
        %dma_start3A_114 = tpu.memref_slice %arg6[%dma_start3A, %dma_start3A_113] : memref<40x64xi32, #tpu.memory_space<vmem>> -> memref<1x64xi32, #tpu.memory_space<vmem>>
        %dma_start3A_115 = tpu.memref_squeeze %dma_start3A_114 : memref<1x64xi32, #tpu.memory_space<vmem>> -> memref<64xi32, #tpu.memory_space<vmem>>
        %dma_start3A_116 = arith.constant 0 : i32
        %dma_start3A_117 = arith.constant 0 : i32
        %dma_start3A_118 = tpu.memref_slice %arg2[%dma_start3A_116, %dma_start3A_117] : memref<10000x128xf32, #tpu.memory_space<hbm>> -> memref<10000x128xf32, #tpu.memory_space<hbm>>
        tpu.enqueue_indirect_dma source(%dma_start3A_118 : memref<10000x128xf32, #tpu.memory_space<hbm>>) target(%arg9 : memref<64x128xf32, #tpu.memory_space<vmem>>) offsets(%dma_start3A_115 : memref<64xi32, #tpu.memory_space<vmem>>) semaphore(%arg14 : memref<!tpu.dma_semaphore, #tpu.memory_space<semaphore_mem>>)
      } else {
      }
      %eq3A_85 = arith.constant 1 : i32
      %eq3A_86 = arith.cmpi eq, %arg0, %eq3A_85 : i32
      %convert_element_type3A_87 = arith.extui %eq3A_86 : i1 to i32
      %cond3A_88 = arith.constant 0 : i32
      %cond3A_89 = arith.cmpi ne, %convert_element_type3A_87, %cond3A_88 : i32
      scf.if %cond3A_89 {
        %dma_start3A = arith.constant 1 : i32
        %dma_start3A_113 = arith.constant 0 : i32
        %dma_start3A_114 = tpu.memref_slice %arg6[%dma_start3A, %dma_start3A_113] : memref<40x64xi32, #tpu.memory_space<vmem>> -> memref<1x64xi32, #tpu.memory_space<vmem>>
        %dma_start3A_115 = tpu.memref_squeeze %dma_start3A_114 : memref<1x64xi32, #tpu.memory_space<vmem>> -> memref<64xi32, #tpu.memory_space<vmem>>
        %dma_start3A_116 = arith.constant 0 : i32
        %dma_start3A_117 = arith.constant 0 : i32
        %dma_start3A_118 = tpu.memref_slice %arg3[%dma_start3A_116, %dma_start3A_117] : memref<10000x128xf32, #tpu.memory_space<hbm>> -> memref<10000x128xf32, #tpu.memory_space<hbm>>
        tpu.enqueue_indirect_dma source(%dma_start3A_118 : memref<10000x128xf32, #tpu.memory_space<hbm>>) target(%arg9 : memref<64x128xf32, #tpu.memory_space<vmem>>) offsets(%dma_start3A_115 : memref<64xi32, #tpu.memory_space<vmem>>) semaphore(%arg14 : memref<!tpu.dma_semaphore, #tpu.memory_space<semaphore_mem>>)
      } else {
      }
      %eq3A_90 = arith.constant 0 : i32
      %eq3A_91 = arith.cmpi eq, %arg0, %eq3A_90 : i32
      %convert_element_type3A_92 = arith.extui %eq3A_91 : i1 to i32
      %cond3A_93 = arith.constant 0 : i32
      %cond3A_94 = arith.cmpi ne, %convert_element_type3A_92, %cond3A_93 : i32
      scf.if %cond3A_94 {
        %dma_start3A = arith.constant 2 : i32
        %dma_start3A_113 = arith.constant 0 : i32
        %dma_start3A_114 = tpu.memref_slice %arg6[%dma_start3A, %dma_start3A_113] : memref<40x64xi32, #tpu.memory_space<vmem>> -> memref<1x64xi32, #tpu.memory_space<vmem>>
        %dma_start3A_115 = tpu.memref_squeeze %dma_start3A_114 : memref<1x64xi32, #tpu.memory_space<vmem>> -> memref<64xi32, #tpu.memory_space<vmem>>
        %dma_start3A_116 = arith.constant 0 : i32
        %dma_start3A_117 = arith.constant 0 : i32
        %dma_start3A_118 = tpu.memref_slice %arg2[%dma_start3A_116, %dma_start3A_117] : memref<10000x128xf32, #tpu.memory_space<hbm>> -> memref<10000x128xf32, #tpu.memory_space<hbm>>
        tpu.enqueue_indirect_dma source(%dma_start3A_118 : memref<10000x128xf32, #tpu.memory_space<hbm>>) target(%arg10 : memref<64x128xf32, #tpu.memory_space<vmem>>) offsets(%dma_start3A_115 : memref<64xi32, #tpu.memory_space<vmem>>) semaphore(%arg14 : memref<!tpu.dma_semaphore, #tpu.memory_space<semaphore_mem>>)
      } else {
      }
      %eq3A_95 = arith.constant 1 : i32
      %eq3A_96 = arith.cmpi eq, %arg0, %eq3A_95 : i32
      %convert_element_type3A_97 = arith.extui %eq3A_96 : i1 to i32
      %cond3A_98 = arith.constant 0 : i32
      %cond3A_99 = arith.cmpi ne, %convert_element_type3A_97, %cond3A_98 : i32
      scf.if %cond3A_99 {
        %dma_start3A = arith.constant 2 : i32
        %dma_start3A_113 = arith.constant 0 : i32
        %dma_start3A_114 = tpu.memref_slice %arg6[%dma_start3A, %dma_start3A_113] : memref<40x64xi32, #tpu.memory_space<vmem>> -> memref<1x64xi32, #tpu.memory_space<vmem>>
        %dma_start3A_115 = tpu.memref_squeeze %dma_start3A_114 : memref<1x64xi32, #tpu.memory_space<vmem>> -> memref<64xi32, #tpu.memory_space<vmem>>
        %dma_start3A_116 = arith.constant 0 : i32
        %dma_start3A_117 = arith.constant 0 : i32
        %dma_start3A_118 = tpu.memref_slice %arg3[%dma_start3A_116, %dma_start3A_117] : memref<10000x128xf32, #tpu.memory_space<hbm>> -> memref<10000x128xf32, #tpu.memory_space<hbm>>
        tpu.enqueue_indirect_dma source(%dma_start3A_118 : memref<10000x128xf32, #tpu.memory_space<hbm>>) target(%arg10 : memref<64x128xf32, #tpu.memory_space<vmem>>) offsets(%dma_start3A_115 : memref<64xi32, #tpu.memory_space<vmem>>) semaphore(%arg14 : memref<!tpu.dma_semaphore, #tpu.memory_space<semaphore_mem>>)
      } else {
      }
      %scan3A_100 = arith.constant 0 : i32
      %scan3A_101 = arith.constant 0 : i32
      %scan3A_102 = arith.constant 10 : i32
      %scan3A_103 = arith.addi %scan3A_101, %scan3A_102 : i32
      %scan3A_104 = arith.constant 1 : i32
      scf.for %scan3A_113 = %scan3A_101 to %scan3A_103 step %scan3A_104  : i32 {
        %mul3A_114 = arith.constant 4 : i32
        %mul3A_115 = arith.muli %scan3A_113, %mul3A_114 : i32
        %add3A_116 = arith.constant 0 : i32
        %add3A_117 = arith.addi %mul3A_115, %add3A_116 : i32
        %dma_wait3A_118 = arith.constant 0 : i32
        %dma_wait3A_119 = tpu.memref_slice %arg6[%add3A_117, %dma_wait3A_118] : memref<40x64xi32, #tpu.memory_space<vmem>> -> memref<1x64xi32, #tpu.memory_space<vmem>>
        %dma_wait3A_120 = tpu.memref_squeeze %dma_wait3A_119 : memref<1x64xi32, #tpu.memory_space<vmem>> -> memref<64xi32, #tpu.memory_space<vmem>>
        %dma_wait3A_121 = arith.constant 0 : i32
        %dma_wait3A_122 = arith.constant 0 : i32
        %dma_wait3A_123 = tpu.memref_slice %arg2[%dma_wait3A_121, %dma_wait3A_122] : memref<10000x128xf32, #tpu.memory_space<hbm>> -> memref<10000x128xf32, #tpu.memory_space<hbm>>
        tpu.wait_indirect_dma semaphore(%arg14 : memref<!tpu.dma_semaphore, #tpu.memory_space<semaphore_mem>>) src(%dma_wait3A_123 : memref<10000x128xf32, #tpu.memory_space<hbm>>) dst(%arg8 : memref<64x128xf32, #tpu.memory_space<vmem>>)
        %dma_start3A = arith.constant 0 : i32
        %dma_start3A_124 = tpu.memref_slice %arg7[%add3A_117, %dma_start3A] : memref<40x64xi32, #tpu.memory_space<vmem>> -> memref<1x64xi32, #tpu.memory_space<vmem>>
        %dma_start3A_125 = tpu.memref_squeeze %dma_start3A_124 : memref<1x64xi32, #tpu.memory_space<vmem>> -> memref<64xi32, #tpu.memory_space<vmem>>
        %dma_start3A_126 = arith.constant 0 : i32
        %dma_start3A_127 = arith.constant 0 : i32
        %dma_start3A_128 = tpu.memref_slice %arg13[%dma_start3A_126, %dma_start3A_127] : memref<10240x128xf32, #tpu.memory_space<vmem_shared>> -> memref<10240x128xf32, #tpu.memory_space<vmem_shared>>
        tpu.enqueue_indirect_dma source(%arg8 : memref<64x128xf32, #tpu.memory_space<vmem>>) target(%dma_start3A_128 : memref<10240x128xf32, #tpu.memory_space<vmem_shared>>) offsets(%dma_start3A_125 : memref<64xi32, #tpu.memory_space<vmem>>) semaphore(%arg15 : memref<!tpu.dma_semaphore, #tpu.memory_space<semaphore_mem>>) {add = true}
        %gt3A = arith.constant 0 : i32
        %gt3A_129 = arith.cmpi sgt, %scan3A_113, %gt3A : i32
        %convert_element_type3A_130 = arith.extui %gt3A_129 : i1 to i32
        %cond3A_131 = arith.constant 0 : i32
        %cond3A_132 = arith.cmpi ne, %convert_element_type3A_130, %cond3A_131 : i32
        scf.if %cond3A_132 {
          %sub3A_232 = arith.constant 1 : i32
          %sub3A_233 = arith.subi %add3A_117, %sub3A_232 : i32
          %dma_wait3A_234 = arith.constant 0 : i32
          %dma_wait3A_235 = tpu.memref_slice %arg7[%sub3A_233, %dma_wait3A_234] : memref<40x64xi32, #tpu.memory_space<vmem>> -> memref<1x64xi32, #tpu.memory_space<vmem>>
          %dma_wait3A_236 = tpu.memref_squeeze %dma_wait3A_235 : memref<1x64xi32, #tpu.memory_space<vmem>> -> memref<64xi32, #tpu.memory_space<vmem>>
          %dma_wait3A_237 = arith.constant 0 : i32
          %dma_wait3A_238 = arith.constant 0 : i32
          %dma_wait3A_239 = tpu.memref_slice %arg13[%dma_wait3A_237, %dma_wait3A_238] : memref<10240x128xf32, #tpu.memory_space<vmem_shared>> -> memref<10240x128xf32, #tpu.memory_space<vmem_shared>>
          tpu.wait_indirect_dma semaphore(%arg15 : memref<!tpu.dma_semaphore, #tpu.memory_space<semaphore_mem>>) src(%arg11 : memref<64x128xf32, #tpu.memory_space<vmem>>) dst(%dma_wait3A_239 : memref<10240x128xf32, #tpu.memory_space<vmem_shared>>)
        } else {
        }
        %add3A_133 = arith.constant 4 : i32
        %add3A_134 = arith.addi %add3A_117, %add3A_133 : i32
        %sub3A = arith.constant 1 : i32
        %sub3A_135 = arith.subi %add3A_134, %sub3A : i32
        %eq3A_136 = arith.constant 0 : i32
        %eq3A_137 = arith.cmpi eq, %arg0, %eq3A_136 : i32
        %convert_element_type3A_138 = arith.extui %eq3A_137 : i1 to i32
        %cond3A_139 = arith.constant 0 : i32
        %cond3A_140 = arith.cmpi ne, %convert_element_type3A_138, %cond3A_139 : i32
        scf.if %cond3A_140 {
          %dma_start3A_232 = arith.constant 0 : i32
          %dma_start3A_233 = tpu.memref_slice %arg6[%sub3A_135, %dma_start3A_232] : memref<40x64xi32, #tpu.memory_space<vmem>> -> memref<1x64xi32, #tpu.memory_space<vmem>>
          %dma_start3A_234 = tpu.memref_squeeze %dma_start3A_233 : memref<1x64xi32, #tpu.memory_space<vmem>> -> memref<64xi32, #tpu.memory_space<vmem>>
          %dma_start3A_235 = arith.constant 0 : i32
          %dma_start3A_236 = arith.constant 0 : i32
          %dma_start3A_237 = tpu.memref_slice %arg2[%dma_start3A_235, %dma_start3A_236] : memref<10000x128xf32, #tpu.memory_space<hbm>> -> memref<10000x128xf32, #tpu.memory_space<hbm>>
          tpu.enqueue_indirect_dma source(%dma_start3A_237 : memref<10000x128xf32, #tpu.memory_space<hbm>>) target(%arg11 : memref<64x128xf32, #tpu.memory_space<vmem>>) offsets(%dma_start3A_234 : memref<64xi32, #tpu.memory_space<vmem>>) semaphore(%arg14 : memref<!tpu.dma_semaphore, #tpu.memory_space<semaphore_mem>>)
        } else {
        }
        %eq3A_141 = arith.constant 1 : i32
        %eq3A_142 = arith.cmpi eq, %arg0, %eq3A_141 : i32
        %convert_element_type3A_143 = arith.extui %eq3A_142 : i1 to i32
        %cond3A_144 = arith.constant 0 : i32
        %cond3A_145 = arith.cmpi ne, %convert_element_type3A_143, %cond3A_144 : i32
        scf.if %cond3A_145 {
          %dma_start3A_232 = arith.constant 0 : i32
          %dma_start3A_233 = tpu.memref_slice %arg6[%sub3A_135, %dma_start3A_232] : memref<40x64xi32, #tpu.memory_space<vmem>> -> memref<1x64xi32, #tpu.memory_space<vmem>>
          %dma_start3A_234 = tpu.memref_squeeze %dma_start3A_233 : memref<1x64xi32, #tpu.memory_space<vmem>> -> memref<64xi32, #tpu.memory_space<vmem>>
          %dma_start3A_235 = arith.constant 0 : i32
          %dma_start3A_236 = arith.constant 0 : i32
          %dma_start3A_237 = tpu.memref_slice %arg3[%dma_start3A_235, %dma_start3A_236] : memref<10000x128xf32, #tpu.memory_space<hbm>> -> memref<10000x128xf32, #tpu.memory_space<hbm>>
          tpu.enqueue_indirect_dma source(%dma_start3A_237 : memref<10000x128xf32, #tpu.memory_space<hbm>>) target(%arg11 : memref<64x128xf32, #tpu.memory_space<vmem>>) offsets(%dma_start3A_234 : memref<64xi32, #tpu.memory_space<vmem>>) semaphore(%arg14 : memref<!tpu.dma_semaphore, #tpu.memory_space<semaphore_mem>>)
        } else {
        }
        %mul3A_146 = arith.constant 4 : i32
        %mul3A_147 = arith.muli %scan3A_113, %mul3A_146 : i32
        %add3A_148 = arith.constant 1 : i32
        %add3A_149 = arith.addi %mul3A_147, %add3A_148 : i32
        %dma_wait3A_150 = arith.constant 0 : i32
        %dma_wait3A_151 = tpu.memref_slice %arg6[%add3A_149, %dma_wait3A_150] : memref<40x64xi32, #tpu.memory_space<vmem>> -> memref<1x64xi32, #tpu.memory_space<vmem>>
        %dma_wait3A_152 = tpu.memref_squeeze %dma_wait3A_151 : memref<1x64xi32, #tpu.memory_space<vmem>> -> memref<64xi32, #tpu.memory_space<vmem>>
        %dma_wait3A_153 = arith.constant 0 : i32
        %dma_wait3A_154 = arith.constant 0 : i32
        %dma_wait3A_155 = tpu.memref_slice %arg2[%dma_wait3A_153, %dma_wait3A_154] : memref<10000x128xf32, #tpu.memory_space<hbm>> -> memref<10000x128xf32, #tpu.memory_space<hbm>>
        tpu.wait_indirect_dma semaphore(%arg14 : memref<!tpu.dma_semaphore, #tpu.memory_space<semaphore_mem>>) src(%dma_wait3A_155 : memref<10000x128xf32, #tpu.memory_space<hbm>>) dst(%arg9 : memref<64x128xf32, #tpu.memory_space<vmem>>)
        %dma_start3A_156 = arith.constant 0 : i32
        %dma_start3A_157 = tpu.memref_slice %arg7[%add3A_149, %dma_start3A_156] : memref<40x64xi32, #tpu.memory_space<vmem>> -> memref<1x64xi32, #tpu.memory_space<vmem>>
        %dma_start3A_158 = tpu.memref_squeeze %dma_start3A_157 : memref<1x64xi32, #tpu.memory_space<vmem>> -> memref<64xi32, #tpu.memory_space<vmem>>
        %dma_start3A_159 = arith.constant 0 : i32
        %dma_start3A_160 = arith.constant 0 : i32
        %dma_start3A_161 = tpu.memref_slice %arg13[%dma_start3A_159, %dma_start3A_160] : memref<10240x128xf32, #tpu.memory_space<vmem_shared>> -> memref<10240x128xf32, #tpu.memory_space<vmem_shared>>
        tpu.enqueue_indirect_dma source(%arg9 : memref<64x128xf32, #tpu.memory_space<vmem>>) target(%dma_start3A_161 : memref<10240x128xf32, #tpu.memory_space<vmem_shared>>) offsets(%dma_start3A_158 : memref<64xi32, #tpu.memory_space<vmem>>) semaphore(%arg15 : memref<!tpu.dma_semaphore, #tpu.memory_space<semaphore_mem>>) {add = true}
        %sub3A_162 = arith.constant 1 : i32
        %sub3A_163 = arith.subi %add3A_149, %sub3A_162 : i32
        %dma_wait3A_164 = arith.constant 0 : i32
        %dma_wait3A_165 = tpu.memref_slice %arg7[%sub3A_163, %dma_wait3A_164] : memref<40x64xi32, #tpu.memory_space<vmem>> -> memref<1x64xi32, #tpu.memory_space<vmem>>
        %dma_wait3A_166 = tpu.memref_squeeze %dma_wait3A_165 : memref<1x64xi32, #tpu.memory_space<vmem>> -> memref<64xi32, #tpu.memory_space<vmem>>
        %dma_wait3A_167 = arith.constant 0 : i32
        %dma_wait3A_168 = arith.constant 0 : i32
        %dma_wait3A_169 = tpu.memref_slice %arg13[%dma_wait3A_167, %dma_wait3A_168] : memref<10240x128xf32, #tpu.memory_space<vmem_shared>> -> memref<10240x128xf32, #tpu.memory_space<vmem_shared>>
        tpu.wait_indirect_dma semaphore(%arg15 : memref<!tpu.dma_semaphore, #tpu.memory_space<semaphore_mem>>) src(%arg8 : memref<64x128xf32, #tpu.memory_space<vmem>>) dst(%dma_wait3A_169 : memref<10240x128xf32, #tpu.memory_space<vmem_shared>>)
        %lt3A = arith.constant 9 : i32
        %lt3A_170 = arith.cmpi slt, %scan3A_113, %lt3A : i32
        %convert_element_type3A_171 = arith.extui %lt3A_170 : i1 to i32
        %cond3A_172 = arith.constant 0 : i32
        %cond3A_173 = arith.cmpi ne, %convert_element_type3A_171, %cond3A_172 : i32
        scf.if %cond3A_173 {
          %add3A_232 = arith.constant 4 : i32
          %add3A_233 = arith.addi %add3A_149, %add3A_232 : i32
          %sub3A_234 = arith.constant 1 : i32
          %sub3A_235 = arith.subi %add3A_233, %sub3A_234 : i32
          %eq3A_236 = arith.constant 0 : i32
          %eq3A_237 = arith.cmpi eq, %arg0, %eq3A_236 : i32
          %convert_element_type3A_238 = arith.extui %eq3A_237 : i1 to i32
          %cond3A_239 = arith.constant 0 : i32
          %cond3A_240 = arith.cmpi ne, %convert_element_type3A_238, %cond3A_239 : i32
          scf.if %cond3A_240 {
            %dma_start3A_246 = arith.constant 0 : i32
            %dma_start3A_247 = tpu.memref_slice %arg6[%sub3A_235, %dma_start3A_246] : memref<40x64xi32, #tpu.memory_space<vmem>> -> memref<1x64xi32, #tpu.memory_space<vmem>>
            %dma_start3A_248 = tpu.memref_squeeze %dma_start3A_247 : memref<1x64xi32, #tpu.memory_space<vmem>> -> memref<64xi32, #tpu.memory_space<vmem>>
            %dma_start3A_249 = arith.constant 0 : i32
            %dma_start3A_250 = arith.constant 0 : i32
            %dma_start3A_251 = tpu.memref_slice %arg2[%dma_start3A_249, %dma_start3A_250] : memref<10000x128xf32, #tpu.memory_space<hbm>> -> memref<10000x128xf32, #tpu.memory_space<hbm>>
            tpu.enqueue_indirect_dma source(%dma_start3A_251 : memref<10000x128xf32, #tpu.memory_space<hbm>>) target(%arg8 : memref<64x128xf32, #tpu.memory_space<vmem>>) offsets(%dma_start3A_248 : memref<64xi32, #tpu.memory_space<vmem>>) semaphore(%arg14 : memref<!tpu.dma_semaphore, #tpu.memory_space<semaphore_mem>>)
          } else {
          }
          %eq3A_241 = arith.constant 1 : i32
          %eq3A_242 = arith.cmpi eq, %arg0, %eq3A_241 : i32
          %convert_element_type3A_243 = arith.extui %eq3A_242 : i1 to i32
          %cond3A_244 = arith.constant 0 : i32
          %cond3A_245 = arith.cmpi ne, %convert_element_type3A_243, %cond3A_244 : i32
          scf.if %cond3A_245 {
            %dma_start3A_246 = arith.constant 0 : i32
            %dma_start3A_247 = tpu.memref_slice %arg6[%sub3A_235, %dma_start3A_246] : memref<40x64xi32, #tpu.memory_space<vmem>> -> memref<1x64xi32, #tpu.memory_space<vmem>>
            %dma_start3A_248 = tpu.memref_squeeze %dma_start3A_247 : memref<1x64xi32, #tpu.memory_space<vmem>> -> memref<64xi32, #tpu.memory_space<vmem>>
            %dma_start3A_249 = arith.constant 0 : i32
            %dma_start3A_250 = arith.constant 0 : i32
            %dma_start3A_251 = tpu.memref_slice %arg3[%dma_start3A_249, %dma_start3A_250] : memref<10000x128xf32, #tpu.memory_space<hbm>> -> memref<10000x128xf32, #tpu.memory_space<hbm>>
            tpu.enqueue_indirect_dma source(%dma_start3A_251 : memref<10000x128xf32, #tpu.memory_space<hbm>>) target(%arg8 : memref<64x128xf32, #tpu.memory_space<vmem>>) offsets(%dma_start3A_248 : memref<64xi32, #tpu.memory_space<vmem>>) semaphore(%arg14 : memref<!tpu.dma_semaphore, #tpu.memory_space<semaphore_mem>>)
          } else {
          }
        } else {
        }
        %mul3A_174 = arith.constant 4 : i32
        %mul3A_175 = arith.muli %scan3A_113, %mul3A_174 : i32
        %add3A_176 = arith.constant 2 : i32
        %add3A_177 = arith.addi %mul3A_175, %add3A_176 : i32
        %dma_wait3A_178 = arith.constant 0 : i32
        %dma_wait3A_179 = tpu.memref_slice %arg6[%add3A_177, %dma_wait3A_178] : memref<40x64xi32, #tpu.memory_space<vmem>> -> memref<1x64xi32, #tpu.memory_space<vmem>>
        %dma_wait3A_180 = tpu.memref_squeeze %dma_wait3A_179 : memref<1x64xi32, #tpu.memory_space<vmem>> -> memref<64xi32, #tpu.memory_space<vmem>>
        %dma_wait3A_181 = arith.constant 0 : i32
        %dma_wait3A_182 = arith.constant 0 : i32
        %dma_wait3A_183 = tpu.memref_slice %arg2[%dma_wait3A_181, %dma_wait3A_182] : memref<10000x128xf32, #tpu.memory_space<hbm>> -> memref<10000x128xf32, #tpu.memory_space<hbm>>
        tpu.wait_indirect_dma semaphore(%arg14 : memref<!tpu.dma_semaphore, #tpu.memory_space<semaphore_mem>>) src(%dma_wait3A_183 : memref<10000x128xf32, #tpu.memory_space<hbm>>) dst(%arg10 : memref<64x128xf32, #tpu.memory_space<vmem>>)
        %dma_start3A_184 = arith.constant 0 : i32
        %dma_start3A_185 = tpu.memref_slice %arg7[%add3A_177, %dma_start3A_184] : memref<40x64xi32, #tpu.memory_space<vmem>> -> memref<1x64xi32, #tpu.memory_space<vmem>>
        %dma_start3A_186 = tpu.memref_squeeze %dma_start3A_185 : memref<1x64xi32, #tpu.memory_space<vmem>> -> memref<64xi32, #tpu.memory_space<vmem>>
        %dma_start3A_187 = arith.constant 0 : i32
        %dma_start3A_188 = arith.constant 0 : i32
        %dma_start3A_189 = tpu.memref_slice %arg13[%dma_start3A_187, %dma_start3A_188] : memref<10240x128xf32, #tpu.memory_space<vmem_shared>> -> memref<10240x128xf32, #tpu.memory_space<vmem_shared>>
        tpu.enqueue_indirect_dma source(%arg10 : memref<64x128xf32, #tpu.memory_space<vmem>>) target(%dma_start3A_189 : memref<10240x128xf32, #tpu.memory_space<vmem_shared>>) offsets(%dma_start3A_186 : memref<64xi32, #tpu.memory_space<vmem>>) semaphore(%arg15 : memref<!tpu.dma_semaphore, #tpu.memory_space<semaphore_mem>>) {add = true}
        %sub3A_190 = arith.constant 1 : i32
        %sub3A_191 = arith.subi %add3A_177, %sub3A_190 : i32
        %dma_wait3A_192 = arith.constant 0 : i32
        %dma_wait3A_193 = tpu.memref_slice %arg7[%sub3A_191, %dma_wait3A_192] : memref<40x64xi32, #tpu.memory_space<vmem>> -> memref<1x64xi32, #tpu.memory_space<vmem>>
        %dma_wait3A_194 = tpu.memref_squeeze %dma_wait3A_193 : memref<1x64xi32, #tpu.memory_space<vmem>> -> memref<64xi32, #tpu.memory_space<vmem>>
        %dma_wait3A_195 = arith.constant 0 : i32
        %dma_wait3A_196 = arith.constant 0 : i32
        %dma_wait3A_197 = tpu.memref_slice %arg13[%dma_wait3A_195, %dma_wait3A_196] : memref<10240x128xf32, #tpu.memory_space<vmem_shared>> -> memref<10240x128xf32, #tpu.memory_space<vmem_shared>>
        tpu.wait_indirect_dma semaphore(%arg15 : memref<!tpu.dma_semaphore, #tpu.memory_space<semaphore_mem>>) src(%arg9 : memref<64x128xf32, #tpu.memory_space<vmem>>) dst(%dma_wait3A_197 : memref<10240x128xf32, #tpu.memory_space<vmem_shared>>)
        %lt3A_198 = arith.constant 9 : i32
        %lt3A_199 = arith.cmpi slt, %scan3A_113, %lt3A_198 : i32
        %convert_element_type3A_200 = arith.extui %lt3A_199 : i1 to i32
        %cond3A_201 = arith.constant 0 : i32
        %cond3A_202 = arith.cmpi ne, %convert_element_type3A_200, %cond3A_201 : i32
        scf.if %cond3A_202 {
          %add3A_232 = arith.constant 4 : i32
          %add3A_233 = arith.addi %add3A_177, %add3A_232 : i32
          %sub3A_234 = arith.constant 1 : i32
          %sub3A_235 = arith.subi %add3A_233, %sub3A_234 : i32
          %eq3A_236 = arith.constant 0 : i32
          %eq3A_237 = arith.cmpi eq, %arg0, %eq3A_236 : i32
          %convert_element_type3A_238 = arith.extui %eq3A_237 : i1 to i32
          %cond3A_239 = arith.constant 0 : i32
          %cond3A_240 = arith.cmpi ne, %convert_element_type3A_238, %cond3A_239 : i32
          scf.if %cond3A_240 {
            %dma_start3A_246 = arith.constant 0 : i32
            %dma_start3A_247 = tpu.memref_slice %arg6[%sub3A_235, %dma_start3A_246] : memref<40x64xi32, #tpu.memory_space<vmem>> -> memref<1x64xi32, #tpu.memory_space<vmem>>
            %dma_start3A_248 = tpu.memref_squeeze %dma_start3A_247 : memref<1x64xi32, #tpu.memory_space<vmem>> -> memref<64xi32, #tpu.memory_space<vmem>>
            %dma_start3A_249 = arith.constant 0 : i32
            %dma_start3A_250 = arith.constant 0 : i32
            %dma_start3A_251 = tpu.memref_slice %arg2[%dma_start3A_249, %dma_start3A_250] : memref<10000x128xf32, #tpu.memory_space<hbm>> -> memref<10000x128xf32, #tpu.memory_space<hbm>>
            tpu.enqueue_indirect_dma source(%dma_start3A_251 : memref<10000x128xf32, #tpu.memory_space<hbm>>) target(%arg9 : memref<64x128xf32, #tpu.memory_space<vmem>>) offsets(%dma_start3A_248 : memref<64xi32, #tpu.memory_space<vmem>>) semaphore(%arg14 : memref<!tpu.dma_semaphore, #tpu.memory_space<semaphore_mem>>)
          } else {
          }
          %eq3A_241 = arith.constant 1 : i32
          %eq3A_242 = arith.cmpi eq, %arg0, %eq3A_241 : i32
          %convert_element_type3A_243 = arith.extui %eq3A_242 : i1 to i32
          %cond3A_244 = arith.constant 0 : i32
          %cond3A_245 = arith.cmpi ne, %convert_element_type3A_243, %cond3A_244 : i32
          scf.if %cond3A_245 {
            %dma_start3A_246 = arith.constant 0 : i32
            %dma_start3A_247 = tpu.memref_slice %arg6[%sub3A_235, %dma_start3A_246] : memref<40x64xi32, #tpu.memory_space<vmem>> -> memref<1x64xi32, #tpu.memory_space<vmem>>
            %dma_start3A_248 = tpu.memref_squeeze %dma_start3A_247 : memref<1x64xi32, #tpu.memory_space<vmem>> -> memref<64xi32, #tpu.memory_space<vmem>>
            %dma_start3A_249 = arith.constant 0 : i32
            %dma_start3A_250 = arith.constant 0 : i32
            %dma_start3A_251 = tpu.memref_slice %arg3[%dma_start3A_249, %dma_start3A_250] : memref<10000x128xf32, #tpu.memory_space<hbm>> -> memref<10000x128xf32, #tpu.memory_space<hbm>>
            tpu.enqueue_indirect_dma source(%dma_start3A_251 : memref<10000x128xf32, #tpu.memory_space<hbm>>) target(%arg9 : memref<64x128xf32, #tpu.memory_space<vmem>>) offsets(%dma_start3A_248 : memref<64xi32, #tpu.memory_space<vmem>>) semaphore(%arg14 : memref<!tpu.dma_semaphore, #tpu.memory_space<semaphore_mem>>)
          } else {
          }
        } else {
        }
        %mul3A_203 = arith.constant 4 : i32
        %mul3A_204 = arith.muli %scan3A_113, %mul3A_203 : i32
        %add3A_205 = arith.constant 3 : i32
        %add3A_206 = arith.addi %mul3A_204, %add3A_205 : i32
        %dma_wait3A_207 = arith.constant 0 : i32
        %dma_wait3A_208 = tpu.memref_slice %arg6[%add3A_206, %dma_wait3A_207] : memref<40x64xi32, #tpu.memory_space<vmem>> -> memref<1x64xi32, #tpu.memory_space<vmem>>
        %dma_wait3A_209 = tpu.memref_squeeze %dma_wait3A_208 : memref<1x64xi32, #tpu.memory_space<vmem>> -> memref<64xi32, #tpu.memory_space<vmem>>
        %dma_wait3A_210 = arith.constant 0 : i32
        %dma_wait3A_211 = arith.constant 0 : i32
        %dma_wait3A_212 = tpu.memref_slice %arg2[%dma_wait3A_210, %dma_wait3A_211] : memref<10000x128xf32, #tpu.memory_space<hbm>> -> memref<10000x128xf32, #tpu.memory_space<hbm>>
        tpu.wait_indirect_dma semaphore(%arg14 : memref<!tpu.dma_semaphore, #tpu.memory_space<semaphore_mem>>) src(%dma_wait3A_212 : memref<10000x128xf32, #tpu.memory_space<hbm>>) dst(%arg11 : memref<64x128xf32, #tpu.memory_space<vmem>>)
        %dma_start3A_213 = arith.constant 0 : i32
        %dma_start3A_214 = tpu.memref_slice %arg7[%add3A_206, %dma_start3A_213] : memref<40x64xi32, #tpu.memory_space<vmem>> -> memref<1x64xi32, #tpu.memory_space<vmem>>
        %dma_start3A_215 = tpu.memref_squeeze %dma_start3A_214 : memref<1x64xi32, #tpu.memory_space<vmem>> -> memref<64xi32, #tpu.memory_space<vmem>>
        %dma_start3A_216 = arith.constant 0 : i32
        %dma_start3A_217 = arith.constant 0 : i32
        %dma_start3A_218 = tpu.memref_slice %arg13[%dma_start3A_216, %dma_start3A_217] : memref<10240x128xf32, #tpu.memory_space<vmem_shared>> -> memref<10240x128xf32, #tpu.memory_space<vmem_shared>>
        tpu.enqueue_indirect_dma source(%arg11 : memref<64x128xf32, #tpu.memory_space<vmem>>) target(%dma_start3A_218 : memref<10240x128xf32, #tpu.memory_space<vmem_shared>>) offsets(%dma_start3A_215 : memref<64xi32, #tpu.memory_space<vmem>>) semaphore(%arg15 : memref<!tpu.dma_semaphore, #tpu.memory_space<semaphore_mem>>) {add = true}
        %sub3A_219 = arith.constant 1 : i32
        %sub3A_220 = arith.subi %add3A_206, %sub3A_219 : i32
        %dma_wait3A_221 = arith.constant 0 : i32
        %dma_wait3A_222 = tpu.memref_slice %arg7[%sub3A_220, %dma_wait3A_221] : memref<40x64xi32, #tpu.memory_space<vmem>> -> memref<1x64xi32, #tpu.memory_space<vmem>>
        %dma_wait3A_223 = tpu.memref_squeeze %dma_wait3A_222 : memref<1x64xi32, #tpu.memory_space<vmem>> -> memref<64xi32, #tpu.memory_space<vmem>>
        %dma_wait3A_224 = arith.constant 0 : i32
        %dma_wait3A_225 = arith.constant 0 : i32
        %dma_wait3A_226 = tpu.memref_slice %arg13[%dma_wait3A_224, %dma_wait3A_225] : memref<10240x128xf32, #tpu.memory_space<vmem_shared>> -> memref<10240x128xf32, #tpu.memory_space<vmem_shared>>
        tpu.wait_indirect_dma semaphore(%arg15 : memref<!tpu.dma_semaphore, #tpu.memory_space<semaphore_mem>>) src(%arg10 : memref<64x128xf32, #tpu.memory_space<vmem>>) dst(%dma_wait3A_226 : memref<10240x128xf32, #tpu.memory_space<vmem_shared>>)
        %lt3A_227 = arith.constant 9 : i32
        %lt3A_228 = arith.cmpi slt, %scan3A_113, %lt3A_227 : i32
        %convert_element_type3A_229 = arith.extui %lt3A_228 : i1 to i32
        %cond3A_230 = arith.constant 0 : i32
        %cond3A_231 = arith.cmpi ne, %convert_element_type3A_229, %cond3A_230 : i32
        scf.if %cond3A_231 {
          %add3A_232 = arith.constant 4 : i32
          %add3A_233 = arith.addi %add3A_206, %add3A_232 : i32
          %sub3A_234 = arith.constant 1 : i32
          %sub3A_235 = arith.subi %add3A_233, %sub3A_234 : i32
          %eq3A_236 = arith.constant 0 : i32
          %eq3A_237 = arith.cmpi eq, %arg0, %eq3A_236 : i32
          %convert_element_type3A_238 = arith.extui %eq3A_237 : i1 to i32
          %cond3A_239 = arith.constant 0 : i32
          %cond3A_240 = arith.cmpi ne, %convert_element_type3A_238, %cond3A_239 : i32
          scf.if %cond3A_240 {
            %dma_start3A_246 = arith.constant 0 : i32
            %dma_start3A_247 = tpu.memref_slice %arg6[%sub3A_235, %dma_start3A_246] : memref<40x64xi32, #tpu.memory_space<vmem>> -> memref<1x64xi32, #tpu.memory_space<vmem>>
            %dma_start3A_248 = tpu.memref_squeeze %dma_start3A_247 : memref<1x64xi32, #tpu.memory_space<vmem>> -> memref<64xi32, #tpu.memory_space<vmem>>
            %dma_start3A_249 = arith.constant 0 : i32
            %dma_start3A_250 = arith.constant 0 : i32
            %dma_start3A_251 = tpu.memref_slice %arg2[%dma_start3A_249, %dma_start3A_250] : memref<10000x128xf32, #tpu.memory_space<hbm>> -> memref<10000x128xf32, #tpu.memory_space<hbm>>
            tpu.enqueue_indirect_dma source(%dma_start3A_251 : memref<10000x128xf32, #tpu.memory_space<hbm>>) target(%arg10 : memref<64x128xf32, #tpu.memory_space<vmem>>) offsets(%dma_start3A_248 : memref<64xi32, #tpu.memory_space<vmem>>) semaphore(%arg14 : memref<!tpu.dma_semaphore, #tpu.memory_space<semaphore_mem>>)
          } else {
          }
          %eq3A_241 = arith.constant 1 : i32
          %eq3A_242 = arith.cmpi eq, %arg0, %eq3A_241 : i32
          %convert_element_type3A_243 = arith.extui %eq3A_242 : i1 to i32
          %cond3A_244 = arith.constant 0 : i32
          %cond3A_245 = arith.cmpi ne, %convert_element_type3A_243, %cond3A_244 : i32
          scf.if %cond3A_245 {
            %dma_start3A_246 = arith.constant 0 : i32
            %dma_start3A_247 = tpu.memref_slice %arg6[%sub3A_235, %dma_start3A_246] : memref<40x64xi32, #tpu.memory_space<vmem>> -> memref<1x64xi32, #tpu.memory_space<vmem>>
            %dma_start3A_248 = tpu.memref_squeeze %dma_start3A_247 : memref<1x64xi32, #tpu.memory_space<vmem>> -> memref<64xi32, #tpu.memory_space<vmem>>
            %dma_start3A_249 = arith.constant 0 : i32
            %dma_start3A_250 = arith.constant 0 : i32
            %dma_start3A_251 = tpu.memref_slice %arg3[%dma_start3A_249, %dma_start3A_250] : memref<10000x128xf32, #tpu.memory_space<hbm>> -> memref<10000x128xf32, #tpu.memory_space<hbm>>
            tpu.enqueue_indirect_dma source(%dma_start3A_251 : memref<10000x128xf32, #tpu.memory_space<hbm>>) target(%arg10 : memref<64x128xf32, #tpu.memory_space<vmem>>) offsets(%dma_start3A_248 : memref<64xi32, #tpu.memory_space<vmem>>) semaphore(%arg14 : memref<!tpu.dma_semaphore, #tpu.memory_space<semaphore_mem>>)
          } else {
          }
        } else {
        }
      }
      %scan3A_105 = arith.constant 10 : i32
      %dma_wait3A_106 = arith.constant 39 : i32
      %dma_wait3A_107 = arith.constant 0 : i32
      %dma_wait3A_108 = tpu.memref_slice %arg7[%dma_wait3A_106, %dma_wait3A_107] : memref<40x64xi32, #tpu.memory_space<vmem>> -> memref<1x64xi32, #tpu.memory_space<vmem>>
      %dma_wait3A_109 = tpu.memref_squeeze %dma_wait3A_108 : memref<1x64xi32, #tpu.memory_space<vmem>> -> memref<64xi32, #tpu.memory_space<vmem>>
      %dma_wait3A_110 = arith.constant 0 : i32
      %dma_wait3A_111 = arith.constant 0 : i32
      %dma_wait3A_112 = tpu.memref_slice %arg13[%dma_wait3A_110, %dma_wait3A_111] : memref<10240x128xf32, #tpu.memory_space<vmem_shared>> -> memref<10240x128xf32, #tpu.memory_space<vmem_shared>>
      tpu.wait_indirect_dma semaphore(%arg15 : memref<!tpu.dma_semaphore, #tpu.memory_space<semaphore_mem>>) src(%arg11 : memref<64x128xf32, #tpu.memory_space<vmem>>) dst(%dma_wait3A_112 : memref<10240x128xf32, #tpu.memory_space<vmem_shared>>)
    }
    %scan3A_58 = arith.constant 7 : i32
    %barrier3A_59 = arith.constant 0 : index
    tpu.barrier barrier_id(%barrier3A_59)
    %mul3A_60 = arith.constant 640 : i32
    %mul3A_61 = arith.muli %arg1, %mul3A_60 : i32
    %mul3A_62 = arith.constant 640 : i32
    %mul3A_63 = arith.muli %arg1, %mul3A_62 : i32
    "tpu.region"() ({
      %run_scoped3A_64 = tpu.sem_alloc : memref<!tpu.dma_semaphore, #tpu.memory_space<semaphore_mem>>
      %dma_start3A = arith.constant 0 : i32
      %dma_start3A_65 = tpu.memref_slice %arg5[%arg0, %mul3A_63, %dma_start3A] : memref<2x10240x128xf32, #tpu.memory_space<hbm>> -> memref<1x640x128xf32, #tpu.memory_space<hbm>>
      %dma_start3A_66 = tpu.memref_squeeze %dma_start3A_65 : memref<1x640x128xf32, #tpu.memory_space<hbm>> -> memref<640x128xf32, #tpu.memory_space<hbm>>
      %dma_start3A_67 = arith.constant 0 : i32
      %dma_start3A_68 = tpu.memref_slice %arg13[%mul3A_61, %dma_start3A_67] : memref<10240x128xf32, #tpu.memory_space<vmem_shared>> -> memref<640x128xf32, #tpu.memory_space<vmem_shared>>
      tpu.enqueue_dma source(%dma_start3A_68 : memref<640x128xf32, #tpu.memory_space<vmem_shared>>) target(%dma_start3A_66 : memref<640x128xf32, #tpu.memory_space<hbm>>) target_semaphore(%run_scoped3A_64 : memref<!tpu.dma_semaphore, #tpu.memory_space<semaphore_mem>>)
      %dma_wait3A_69 = arith.constant 0 : i32
      %dma_wait3A_70 = tpu.memref_slice %arg5[%arg0, %mul3A_63, %dma_wait3A_69] : memref<2x10240x128xf32, #tpu.memory_space<hbm>> -> memref<1x640x128xf32, #tpu.memory_space<hbm>>
      %dma_wait3A_71 = tpu.memref_squeeze %dma_wait3A_70 : memref<1x640x128xf32, #tpu.memory_space<hbm>> -> memref<640x128xf32, #tpu.memory_space<hbm>>
      %dma_wait3A_72 = arith.constant 0 : i32
      %dma_wait3A_73 = tpu.memref_slice %arg13[%mul3A_61, %dma_wait3A_72] : memref<10240x128xf32, #tpu.memory_space<vmem_shared>> -> memref<640x128xf32, #tpu.memory_space<vmem_shared>>
      tpu.wait_dma2 semaphore(%run_scoped3A_64 : memref<!tpu.dma_semaphore, #tpu.memory_space<semaphore_mem>>) src(%dma_wait3A_73 : memref<640x128xf32, #tpu.memory_space<vmem_shared>>) dst(%dma_wait3A_71 : memref<640x128xf32, #tpu.memory_space<hbm>>)
      tpu.yield
    }) : () -> ()
    return
  }
}

module attributes {stable_mosaic.version = 14 : i64} {
  func.func @_mlp1_body(%arg0: i32, %arg1: memref<1000x128xf32, #tpu.memory_space<vmem>>, %arg2: memref<1x1000x128xf32, #tpu.memory_space<vmem>>, %arg3: memref<1x1000x128xf32, #tpu.memory_space<vmem>>, %arg4: memref<128x256xf32, #tpu.memory_space<vmem>>, %arg5: memref<1x256xf32, #tpu.memory_space<vmem>>, %arg6: memref<256x256xf32, #tpu.memory_space<vmem>>, %arg7: memref<1x256xf32, #tpu.memory_space<vmem>>, %arg8: memref<1000x128xf32, #tpu.memory_space<vmem>>, %arg9: memref<1000x128xf32, #tpu.memory_space<vmem>>) attributes {dimension_semantics = [#tpu.dimension_semantics<arbitrary>], iteration_bounds = array<i64: 10>, scalar_prefetch = 0 : i64, scratch_operands = 0 : i64, tpu.core_type = #tpu.core_type<tc>, window_params = [{transform_indices = @transform_0, window_bounds = array<i64: 1000, 128>}, {transform_indices = @transform_1, window_bounds = array<i64: 1, 1000, 128>}, {transform_indices = @transform_2, window_bounds = array<i64: 1, 1000, 128>}, {pipeline_mode = #tpu.pipeline_mode<synchronous>, transform_indices = @transform_3, window_bounds = array<i64: 128, 256>}, {pipeline_mode = #tpu.pipeline_mode<synchronous>, transform_indices = @transform_4, window_bounds = array<i64: 1, 256>}, {pipeline_mode = #tpu.pipeline_mode<synchronous>, transform_indices = @transform_5, window_bounds = array<i64: 256, 256>}, {pipeline_mode = #tpu.pipeline_mode<synchronous>, transform_indices = @transform_6, window_bounds = array<i64: 1, 256>}, {transform_indices = @transform_7, window_bounds = array<i64: 1000, 128>}, {transform_indices = @transform_8, window_bounds = array<i64: 1000, 128>}]} {
    %get3A = arith.constant 0 : index
    %get3A_0 = arith.constant 0 : index
    %get3A_1 = vector.load %arg1[%get3A, %get3A_0] : memref<1000x128xf32, #tpu.memory_space<vmem>>, vector<1000x128xf32>
    %get3A_2 = arith.constant 0 : index
    %get3A_3 = arith.constant 0 : index
    %get3A_4 = arith.constant 0 : index
    %get3A_5 = vector.load %arg2[%get3A_2, %get3A_3, %get3A_4] : memref<1x1000x128xf32, #tpu.memory_space<vmem>>, vector<1x1000x128xf32>
    %get3A_6 = vector.shape_cast %get3A_5 : vector<1x1000x128xf32> to vector<1000x128xf32>
    %add3A = arith.addf %get3A_1, %get3A_6 : vector<1000x128xf32>
    %get3A_7 = arith.constant 0 : index
    %get3A_8 = arith.constant 0 : index
    %get3A_9 = arith.constant 0 : index
    %get3A_10 = vector.load %arg3[%get3A_7, %get3A_8, %get3A_9] : memref<1x1000x128xf32, #tpu.memory_space<vmem>>, vector<1x1000x128xf32>
    %get3A_11 = vector.shape_cast %get3A_10 : vector<1x1000x128xf32> to vector<1000x128xf32>
    %add3A_12 = arith.addf %add3A, %get3A_11 : vector<1000x128xf32>
    %get3A_13 = arith.constant 0 : index
    %get3A_14 = arith.constant 0 : index
    %get3A_15 = vector.load %arg4[%get3A_13, %get3A_14] : memref<128x256xf32, #tpu.memory_space<vmem>>, vector<128x256xf32>
    %dot_general3A = arith.constant dense<0.000000e+00> : vector<1000x256xf32>
    %dot_general3A_16 = tpu.matmul %add3A_12, %get3A_15, %dot_general3A {dimension_numbers = #tpu.dot_dimension_numbers<[1], [0], [0], [1], [0, 0, 1, 1], [], []>, transpose_lhs_hint = false} : vector<1000x128xf32>, vector<128x256xf32>, vector<1000x256xf32> -> vector<1000x256xf32>
    %get3A_17 = arith.constant 0 : index
    %get3A_18 = arith.constant 0 : index
    %get3A_19 = vector.load %arg5[%get3A_17, %get3A_18] : memref<1x256xf32, #tpu.memory_space<vmem>>, vector<1x256xf32>
    %add3A_20 = vector.broadcast %get3A_19 : vector<1x256xf32> to vector<1000x256xf32>
    %add3A_21 = arith.addf %dot_general3A_16, %add3A_20 : vector<1000x256xf32>
    %max3A = arith.constant 0.000000e+00 : f32
    %max3A_22 = vector.broadcast %max3A : f32 to vector<1000x256xf32>
    %max3A_23 = arith.maximumf %add3A_21, %max3A_22 : vector<1000x256xf32>
    %get3A_24 = arith.constant 0 : index
    %get3A_25 = arith.constant 0 : index
    %get3A_26 = vector.load %arg6[%get3A_24, %get3A_25] : memref<256x256xf32, #tpu.memory_space<vmem>>, vector<256x256xf32>
    %dot_general3A_27 = arith.constant dense<0.000000e+00> : vector<1000x256xf32>
    %dot_general3A_28 = tpu.matmul %max3A_23, %get3A_26, %dot_general3A_27 {dimension_numbers = #tpu.dot_dimension_numbers<[1], [0], [0], [1], [0, 0, 1, 1], [], []>, transpose_lhs_hint = false} : vector<1000x256xf32>, vector<256x256xf32>, vector<1000x256xf32> -> vector<1000x256xf32>
    %get3A_29 = arith.constant 0 : index
    %get3A_30 = arith.constant 0 : index
    %get3A_31 = vector.load %arg7[%get3A_29, %get3A_30] : memref<1x256xf32, #tpu.memory_space<vmem>>, vector<1x256xf32>
    %add3A_32 = vector.broadcast %get3A_31 : vector<1x256xf32> to vector<1000x256xf32>
    %add3A_33 = arith.addf %dot_general3A_28, %add3A_32 : vector<1000x256xf32>
    %max3A_34 = arith.constant 0.000000e+00 : f32
    %max3A_35 = vector.broadcast %max3A_34 : f32 to vector<1000x256xf32>
    %max3A_36 = arith.maximumf %add3A_33, %max3A_35 : vector<1000x256xf32>
    %slice3A = vector.extract_strided_slice %max3A_36 {offsets = [0, 0], sizes = [1000, 128], strides = [1, 1]} : vector<1000x256xf32> to vector<1000x128xf32>
    %swap3A = arith.constant 0 : index
    %swap3A_37 = arith.constant 0 : index
    %swap3A_38 = vector.load %arg8[%swap3A, %swap3A_37] : memref<1000x128xf32, #tpu.memory_space<vmem>>, vector<1000x128xf32>
    tpu.vector_store %arg8[%swap3A, %swap3A_37], %slice3A {strides = array<i32>} : memref<1000x128xf32, #tpu.memory_space<vmem>>, vector<1000x128xf32>,
    %slice3A_39 = vector.extract_strided_slice %max3A_36 {offsets = [0, 128], sizes = [1000, 128], strides = [1, 1]} : vector<1000x256xf32> to vector<1000x128xf32>
    %swap3A_40 = arith.constant 0 : index
    %swap3A_41 = arith.constant 0 : index
    %swap3A_42 = vector.load %arg9[%swap3A_40, %swap3A_41] : memref<1000x128xf32, #tpu.memory_space<vmem>>, vector<1000x128xf32>
    tpu.vector_store %arg9[%swap3A_40, %swap3A_41], %slice3A_39 {strides = array<i32>} : memref<1000x128xf32, #tpu.memory_space<vmem>>, vector<1000x128xf32>,
    return
  }
  func.func @transform_0(%arg0: i32) -> (i32, i32) {
    %c0_i32 = arith.constant 0 : i32
    %c0_i32_0 = arith.constant 0 : i32
    return %arg0, %c0_i32 : i32, i32
  }
  func.func @transform_1(%arg0: i32) -> (i32, i32, i32) {
    %c0_i32 = arith.constant 0 : i32
    %c0_i32_0 = arith.constant 0 : i32
    %c0_i32_1 = arith.constant 0 : i32
    return %c0_i32, %arg0, %c0_i32_0 : i32, i32, i32
  }
  func.func @transform_2(%arg0: i32) -> (i32, i32, i32) {
    %c1_i32 = arith.constant 1 : i32
    %c0_i32 = arith.constant 0 : i32
    %c0_i32_0 = arith.constant 0 : i32
    return %c1_i32, %arg0, %c0_i32 : i32, i32, i32
  }
  func.func @transform_3(%arg0: i32) -> (i32, i32) {
    %c0_i32 = arith.constant 0 : i32
    %c0_i32_0 = arith.constant 0 : i32
    %c0_i32_1 = arith.constant 0 : i32
    return %c0_i32, %c0_i32_0 : i32, i32
  }
  func.func @transform_4(%arg0: i32) -> (i32, i32) {
    %c0_i32 = arith.constant 0 : i32
    %c0_i32_0 = arith.constant 0 : i32
    %c0_i32_1 = arith.constant 0 : i32
    return %c0_i32, %c0_i32_0 : i32, i32
  }
  func.func @transform_5(%arg0: i32) -> (i32, i32) {
    %c0_i32 = arith.constant 0 : i32
    %c0_i32_0 = arith.constant 0 : i32
    %c0_i32_1 = arith.constant 0 : i32
    return %c0_i32, %c0_i32_0 : i32, i32
  }
  func.func @transform_6(%arg0: i32) -> (i32, i32) {
    %c0_i32 = arith.constant 0 : i32
    %c0_i32_0 = arith.constant 0 : i32
    %c0_i32_1 = arith.constant 0 : i32
    return %c0_i32, %c0_i32_0 : i32, i32
  }
  func.func @transform_7(%arg0: i32) -> (i32, i32) {
    %c0_i32 = arith.constant 0 : i32
    %c0_i32_0 = arith.constant 0 : i32
    return %arg0, %c0_i32 : i32, i32
  }
  func.func @transform_8(%arg0: i32) -> (i32, i32) {
    %c0_i32 = arith.constant 0 : i32
    %c0_i32_0 = arith.constant 0 : i32
    return %arg0, %c0_i32 : i32, i32
  }
}

module attributes {stable_mosaic.version = 14 : i64} {
  func.func @_mlp2_body(%arg0: i32, %arg1: memref<1000x128xf32, #tpu.memory_space<vmem>>, %arg2: memref<1000x128xf32, #tpu.memory_space<vmem>>, %arg3: memref<1x1000x128xf32, #tpu.memory_space<vmem>>, %arg4: memref<1x1000x128xf32, #tpu.memory_space<vmem>>, %arg5: memref<256x256xf32, #tpu.memory_space<vmem>>, %arg6: memref<1x256xf32, #tpu.memory_space<vmem>>, %arg7: memref<256x256xf32, #tpu.memory_space<vmem>>, %arg8: memref<1x256xf32, #tpu.memory_space<vmem>>, %arg9: memref<256x2xf32, #tpu.memory_space<vmem>>, %arg10: memref<1x2xf32, #tpu.memory_space<vmem>>, %arg11: memref<1000x2xf32, #tpu.memory_space<vmem>>) attributes {dimension_semantics = [#tpu.dimension_semantics<arbitrary>], iteration_bounds = array<i64: 10>, scalar_prefetch = 0 : i64, scratch_operands = 0 : i64, tpu.core_type = #tpu.core_type<tc>, window_params = [{transform_indices = @transform_0, window_bounds = array<i64: 1000, 128>}, {transform_indices = @transform_1, window_bounds = array<i64: 1000, 128>}, {transform_indices = @transform_2, window_bounds = array<i64: 1, 1000, 128>}, {transform_indices = @transform_3, window_bounds = array<i64: 1, 1000, 128>}, {pipeline_mode = #tpu.pipeline_mode<synchronous>, transform_indices = @transform_4, window_bounds = array<i64: 256, 256>}, {pipeline_mode = #tpu.pipeline_mode<synchronous>, transform_indices = @transform_5, window_bounds = array<i64: 1, 256>}, {pipeline_mode = #tpu.pipeline_mode<synchronous>, transform_indices = @transform_6, window_bounds = array<i64: 256, 256>}, {pipeline_mode = #tpu.pipeline_mode<synchronous>, transform_indices = @transform_7, window_bounds = array<i64: 1, 256>}, {pipeline_mode = #tpu.pipeline_mode<synchronous>, transform_indices = @transform_8, window_bounds = array<i64: 256, 2>}, {pipeline_mode = #tpu.pipeline_mode<synchronous>, transform_indices = @transform_9, window_bounds = array<i64: 1, 2>}, {transform_indices = @transform_10, window_bounds = array<i64: 1000, 2>}]} {
    %get3A = arith.constant 0 : index
    %get3A_0 = arith.constant 0 : index
    %get3A_1 = vector.load %arg1[%get3A, %get3A_0] : memref<1000x128xf32, #tpu.memory_space<vmem>>, vector<1000x128xf32>
    %get3A_2 = arith.constant 0 : index
    %get3A_3 = arith.constant 0 : index
    %get3A_4 = arith.constant 0 : index
    %get3A_5 = vector.load %arg3[%get3A_2, %get3A_3, %get3A_4] : memref<1x1000x128xf32, #tpu.memory_space<vmem>>, vector<1x1000x128xf32>
    %get3A_6 = vector.shape_cast %get3A_5 : vector<1x1000x128xf32> to vector<1000x128xf32>
    %add3A = arith.addf %get3A_1, %get3A_6 : vector<1000x128xf32>
    %get3A_7 = arith.constant 0 : index
    %get3A_8 = arith.constant 0 : index
    %get3A_9 = vector.load %arg2[%get3A_7, %get3A_8] : memref<1000x128xf32, #tpu.memory_space<vmem>>, vector<1000x128xf32>
    %get3A_10 = arith.constant 0 : index
    %get3A_11 = arith.constant 0 : index
    %get3A_12 = arith.constant 0 : index
    %get3A_13 = vector.load %arg4[%get3A_10, %get3A_11, %get3A_12] : memref<1x1000x128xf32, #tpu.memory_space<vmem>>, vector<1x1000x128xf32>
    %get3A_14 = vector.shape_cast %get3A_13 : vector<1x1000x128xf32> to vector<1000x128xf32>
    %add3A_15 = arith.addf %get3A_9, %get3A_14 : vector<1000x128xf32>
    %concatenate3A = tpu.concatenate %add3A, %add3A_15 in 1 : vector<1000x128xf32>, vector<1000x128xf32> -> vector<1000x256xf32>
    %get3A_16 = arith.constant 0 : index
    %get3A_17 = arith.constant 0 : index
    %get3A_18 = vector.load %arg5[%get3A_16, %get3A_17] : memref<256x256xf32, #tpu.memory_space<vmem>>, vector<256x256xf32>
    %dot_general3A = arith.constant dense<0.000000e+00> : vector<1000x256xf32>
    %dot_general3A_19 = tpu.matmul %concatenate3A, %get3A_18, %dot_general3A {dimension_numbers = #tpu.dot_dimension_numbers<[1], [0], [0], [1], [0, 0, 1, 1], [], []>, transpose_lhs_hint = false} : vector<1000x256xf32>, vector<256x256xf32>, vector<1000x256xf32> -> vector<1000x256xf32>
    %get3A_20 = arith.constant 0 : index
    %get3A_21 = arith.constant 0 : index
    %get3A_22 = vector.load %arg6[%get3A_20, %get3A_21] : memref<1x256xf32, #tpu.memory_space<vmem>>, vector<1x256xf32>
    %add3A_23 = vector.broadcast %get3A_22 : vector<1x256xf32> to vector<1000x256xf32>
    %add3A_24 = arith.addf %dot_general3A_19, %add3A_23 : vector<1000x256xf32>
    %max3A = arith.constant 0.000000e+00 : f32
    %max3A_25 = vector.broadcast %max3A : f32 to vector<1000x256xf32>
    %max3A_26 = arith.maximumf %add3A_24, %max3A_25 : vector<1000x256xf32>
    %get3A_27 = arith.constant 0 : index
    %get3A_28 = arith.constant 0 : index
    %get3A_29 = vector.load %arg7[%get3A_27, %get3A_28] : memref<256x256xf32, #tpu.memory_space<vmem>>, vector<256x256xf32>
    %dot_general3A_30 = arith.constant dense<0.000000e+00> : vector<1000x256xf32>
    %dot_general3A_31 = tpu.matmul %max3A_26, %get3A_29, %dot_general3A_30 {dimension_numbers = #tpu.dot_dimension_numbers<[1], [0], [0], [1], [0, 0, 1, 1], [], []>, transpose_lhs_hint = false} : vector<1000x256xf32>, vector<256x256xf32>, vector<1000x256xf32> -> vector<1000x256xf32>
    %get3A_32 = arith.constant 0 : index
    %get3A_33 = arith.constant 0 : index
    %get3A_34 = vector.load %arg8[%get3A_32, %get3A_33] : memref<1x256xf32, #tpu.memory_space<vmem>>, vector<1x256xf32>
    %add3A_35 = vector.broadcast %get3A_34 : vector<1x256xf32> to vector<1000x256xf32>
    %add3A_36 = arith.addf %dot_general3A_31, %add3A_35 : vector<1000x256xf32>
    %max3A_37 = arith.constant 0.000000e+00 : f32
    %max3A_38 = vector.broadcast %max3A_37 : f32 to vector<1000x256xf32>
    %max3A_39 = arith.maximumf %add3A_36, %max3A_38 : vector<1000x256xf32>
    %get3A_40 = arith.constant 0 : index
    %get3A_41 = arith.constant 0 : index
    %get3A_42 = vector.load %arg9[%get3A_40, %get3A_41] : memref<256x2xf32, #tpu.memory_space<vmem>>, vector<256x2xf32>
    %dot_general3A_43 = arith.constant dense<0.000000e+00> : vector<1000x2xf32>
    %dot_general3A_44 = tpu.matmul %max3A_39, %get3A_42, %dot_general3A_43 {dimension_numbers = #tpu.dot_dimension_numbers<[1], [0], [0], [1], [0, 0, 1, 1], [], []>, transpose_lhs_hint = false} : vector<1000x256xf32>, vector<256x2xf32>, vector<1000x2xf32> -> vector<1000x2xf32>
    %get3A_45 = arith.constant 0 : index
    %get3A_46 = arith.constant 0 : index
    %get3A_47 = vector.load %arg10[%get3A_45, %get3A_46] : memref<1x2xf32, #tpu.memory_space<vmem>>, vector<1x2xf32>
    %add3A_48 = vector.broadcast %get3A_47 : vector<1x2xf32> to vector<1000x2xf32>
    %add3A_49 = arith.addf %dot_general3A_44, %add3A_48 : vector<1000x2xf32>
    %swap3A = arith.constant 0 : index
    %swap3A_50 = arith.constant 0 : index
    %swap3A_51 = vector.load %arg11[%swap3A, %swap3A_50] : memref<1000x2xf32, #tpu.memory_space<vmem>>, vector<1000x2xf32>
    tpu.vector_store %arg11[%swap3A, %swap3A_50], %add3A_49 {strides = array<i32>} : memref<1000x2xf32, #tpu.memory_space<vmem>>, vector<1000x2xf32>,
    return
  }
  func.func @transform_0(%arg0: i32) -> (i32, i32) {
    %c0_i32 = arith.constant 0 : i32
    %c0_i32_0 = arith.constant 0 : i32
    return %arg0, %c0_i32 : i32, i32
  }
  func.func @transform_1(%arg0: i32) -> (i32, i32) {
    %c0_i32 = arith.constant 0 : i32
    %c0_i32_0 = arith.constant 0 : i32
    return %arg0, %c0_i32 : i32, i32
  }
  func.func @transform_2(%arg0: i32) -> (i32, i32, i32) {
    %c0_i32 = arith.constant 0 : i32
    %c0_i32_0 = arith.constant 0 : i32
    %c0_i32_1 = arith.constant 0 : i32
    return %c0_i32, %arg0, %c0_i32_0 : i32, i32, i32
  }
  func.func @transform_3(%arg0: i32) -> (i32, i32, i32) {
    %c1_i32 = arith.constant 1 : i32
    %c0_i32 = arith.constant 0 : i32
    %c0_i32_0 = arith.constant 0 : i32
    return %c1_i32, %arg0, %c0_i32 : i32, i32, i32
  }
  func.func @transform_4(%arg0: i32) -> (i32, i32) {
    %c0_i32 = arith.constant 0 : i32
    %c0_i32_0 = arith.constant 0 : i32
    %c0_i32_1 = arith.constant 0 : i32
    return %c0_i32, %c0_i32_0 : i32, i32
  }
  func.func @transform_5(%arg0: i32) -> (i32, i32) {
    %c0_i32 = arith.constant 0 : i32
    %c0_i32_0 = arith.constant 0 : i32
    %c0_i32_1 = arith.constant 0 : i32
    return %c0_i32, %c0_i32_0 : i32, i32
  }
  func.func @transform_6(%arg0: i32) -> (i32, i32) {
    %c0_i32 = arith.constant 0 : i32
    %c0_i32_0 = arith.constant 0 : i32
    %c0_i32_1 = arith.constant 0 : i32
    return %c0_i32, %c0_i32_0 : i32, i32
  }
  func.func @transform_7(%arg0: i32) -> (i32, i32) {
    %c0_i32 = arith.constant 0 : i32
    %c0_i32_0 = arith.constant 0 : i32
    %c0_i32_1 = arith.constant 0 : i32
    return %c0_i32, %c0_i32_0 : i32, i32
  }
  func.func @transform_8(%arg0: i32) -> (i32, i32) {
    %c0_i32 = arith.constant 0 : i32
    %c0_i32_0 = arith.constant 0 : i32
    %c0_i32_1 = arith.constant 0 : i32
    return %c0_i32, %c0_i32_0 : i32, i32
  }
  func.func @transform_9(%arg0: i32) -> (i32, i32) {
    %c0_i32 = arith.constant 0 : i32
    %c0_i32_0 = arith.constant 0 : i32
    %c0_i32_1 = arith.constant 0 : i32
    return %c0_i32, %c0_i32_0 : i32, i32
  }
  func.func @transform_10(%arg0: i32) -> (i32, i32) {
    %c0_i32 = arith.constant 0 : i32
    %c0_i32_0 = arith.constant 0 : i32
    return %arg0, %c0_i32 : i32, i32
  }
}

</mosaic_0001>

<sc_bundles>
// kernel: kernel.6.cloned.1.call-start
scs
__scs_entry_jumppad:
0x0: {  	(pc) =	sbr.rel $0x88, $3  }
0x1: {  	(tag) =	ssettag $0x0;
	lr =	simm.s32 $0x1  }
0x2: {  	[smem:$0x3F95] =	sst lr;
	_ =	strace $0xD0000000  }
0x3: {  	_ = 	snop  }
0x4: {  	_ = 	snop  }
0x5: {  	_ = 	snop  }
0x6: {  	_ = 	snop  }
0x7: {  	_ = 	snop  }
__scs_overlays_trampoline_lowered:
0x8: {  	[smem:$0x3FA4] =	sst s0  }
0x9: {  	[smem:$0x3FA5] =	sst s1  }
0xa: {  	[smem:$0x3FA6] =	sst s2  }
0xb: {  	[smem:$0x3FA7] =	sst s3  }
0xc: {  	[smem:$0x3FA8] =	sst s4  }
0xd: {  	[smem:$0x3FA9] =	sst s5  }
0xe: {  	[smem:$0x3FAA] =	sst s6  }
0xf: {  	[smem:$0x3FAB] =	sst s7  }
0x10: {  	[smem:$0x3FAC] =	sst s8  }
0x11: {  	[smem:$0x3FAD] =	sst s9;
	s0 =	simm.s32 @!p0 $0x0  }
0x12: {  	s1 =	sld [smem:$0x3F93];
	s0 =	simm.s32 @p0 $0x1  }
0x13: {  	[smem:$0x3FAE] =	sst s0;
	s0 =	simm.s32 @!p1 $0x0  }
0x14: {  	s2 =	sld [smem:$0x3F92];
	s0 =	simm.s32 @p1 $0x1  }
0x15: {  	[smem:$0x3FAF] =	sst s0;
	s0 =	simm.s32 @!p2 $0x0  }
0x16: {  	s3 =	sld [smem:$0x3FDB];
	s0 =	simm.s32 @p2 $0x1  }
0x17: {  	s4 =	simm.s32 $0x1BF5;
	[smem:$0x3FB1] =	sst s0  }
0x18: {  	s0 =	sld [smem:$0x3F94];
	_ =	swait.ge [sflag:s4], $0x0  }
0x19: {  	s7 =	sld [smem:$0x3F95]  }
0x1a: {  	s8 =	sadd.s32 $0xFFFFE003, lr  }
0x1b: {  	s9 =	sadd.s32 $0xFFFFFEF7, lr;
	s5 =	simm.s32 $0xFFFFFFFF;
	p2 =	slt.u32 s8, $0xFFFFF086  }
0x1c: {  	p1 =	slt.u32 s9, $0xF7A;
	s5 =	simm.s32 @!p2 $0x0  }
0x1d: {  	s5 =	simm.s32 @p1 $0x1;
	p0 =	seq.s32 s7, s2  }
0x1e: {  	s7 =	smul.u32 @!p0 $0xF7A, s2;
	p2 =	seq.s32 @!p0 s5, $0x0  }
0x1f: {  	s9 =	smul.u32 $0xF7A, s1;
	s8 =	simm.s32 @!p0 $0x1BF5;
	p2 =	por !p2, p0  }
0x20: {  	[sflag:s8] =	ssyncset.s32 @!p0 $0xFFFFF086;
	s6 =	sadd.s32 @!p0 s3, s7;
	s7 =	simm.s32 @!p0 $0x108  }
0x21: {  	s3 =	sadd.s32 s3, s9;
	s6 =	sadd.s32 @!p0 $0x88, s6;
	s7 =	simm.s32 @p2 $0x1082  }
0x22: {  	[simem:s7], [sflag:s8] =	dma.local @!p0 [hbm:s6], $0xF7A  }
0x23: {  	s9 =	sor.u32 $0xD0000000, s2;
	s6 =	simm.s32 $0x108;
	_ =	swait.ge @!p0 [sflag:s8], $0x0  }
0x24: {  	s3 =	sadd.s32 $0x88, s3;
	s6 =	simm.s32 @!p1 $0x1082;
	[sflag:s4] =	ssyncset.s32 $0xFFFFF086  }
0x25: {  	[simem:s6], [sflag:s4] =	dma.local [hbm:s3], $0xF7A  }
0x26: {  	[smem:$0x3F95] =	sst s1;
	(tag) =	ssettag s2;
	_ =	strace s9  }
0x27: {  	s1 =	sld [smem:$0x3FA5]  }
0x28: {  	s2 =	sld [smem:$0x3FA6]  }
0x29: {  	s4 =	sld [smem:$0x3FA8]  }
0x2a: {  	p0 =	seq.s32 s5, $0x0;
	s5 =	sld [smem:$0x3FA9]  }
0x2b: {  	s6 =	sld [smem:$0x3FAA]  }
0x2c: {  	s7 =	sld [smem:$0x3FAB]  }
0x2d: {  	s3 =	simm.s32 $0x108;
	s8 =	sld [smem:$0x3FAC]  }
0x2e: {  	s3 =	simm.s32 @!p0 $0x1082;
	s9 =	sld [smem:$0x3FAD]  }
0x2f: {  	lr =	sadd.s32 s0, s3;
	s0 =	sld [smem:$0x3FA4]  }
0x30: {  	s3 =	sld [smem:$0x3FA7]  }
0x31: {  	[smem:$0x3FB0] =	sst s10  }
0x32: {  	s10 =	sld [smem:$0x3FAE];
	_ =	sdelay $0x3  }
0x33: {  	p0 =	seq.s32 s10, $0x1;
	s10 =	sld [smem:$0x3FB0];
	_ =	sdelay $0x3  }
0x34: {  	[smem:$0x3FB0] =	sst s10  }
0x35: {  	s10 =	sld [smem:$0x3FAF];
	_ =	sdelay $0x3  }
0x36: {  	p1 =	seq.s32 s10, $0x1;
	s10 =	sld [smem:$0x3FB0];
	_ =	sdelay $0x3  }
0x37: {  	[smem:$0x3FB0] =	sst s10  }
0x38: {  	s10 =	sld [smem:$0x3FB1]  }
0x39: {  	_ = 	snop;
	(pc) =	sbr.ind lr, $3  }
0x3a: {  	_ = 	snop  }
0x3b: {  	_ = 	snop  }
0x3c: {  	p2 =	seq.s32 s10, $0x1;
	s10 =	sld [smem:$0x3FB0]  }
0x3d: {  	_ =	shalt  }
0x3e: {  	_ =	shalt  }
0x3f: {  	_ =	shalt  }
0x40: {  	_ =	shalt  }
0x41: {  	_ =	shalt  }
0x42: {  	_ =	shalt  }
0x43: {  	_ =	shalt  }
0x44: {  	_ =	shalt  }
0x45: {  	_ =	shalt  }
0x46: {  	_ =	shalt  }
0x47: {  	_ =	shalt  }
0x48: {  	_ =	shalt  }
0x49: {  	_ =	shalt  }
0x4a: {  	_ =	shalt  }
0x4b: {  	_ =	shalt  }
0x4c: {  	_ =	shalt  }
0x4d: {  	_ =	shalt  }
0x4e: {  	_ =	shalt  }
0x4f: {  	_ =	shalt  }
0x50: {  	_ =	shalt  }
0x51: {  	_ =	shalt  }
0x52: {  	_ =	shalt  }
0x53: {  	_ =	shalt  }
0x54: {  	_ =	shalt  }
0x55: {  	_ =	shalt  }
0x56: {  	_ =	shalt  }
0x57: {  	_ =	shalt  }
0x58: {  	_ =	shalt  }
0x59: {  	_ =	shalt  }
0x5a: {  	_ =	shalt  }
0x5b: {  	_ =	shalt  }
0x5c: {  	_ =	shalt  }
0x5d: {  	_ =	shalt  }
0x5e: {  	_ =	shalt  }
0x5f: {  	_ =	shalt  }
0x60: {  	_ =	shalt  }
0x61: {  	_ =	shalt  }
0x62: {  	_ =	shalt  }
0x63: {  	_ =	shalt  }
0x64: {  	_ =	shalt  }
0x65: {  	_ =	shalt  }
0x66: {  	_ =	shalt  }
0x67: {  	_ =	shalt  }
0x68: {  	_ =	shalt  }
0x69: {  	_ =	shalt  }
0x6a: {  	_ =	shalt  }
0x6b: {  	_ =	shalt  }
0x6c: {  	_ =	shalt  }
0x6d: {  	_ =	shalt  }
0x6e: {  	_ =	shalt  }
0x6f: {  	_ =	shalt  }
0x70: {  	_ =	shalt  }
0x71: {  	_ =	shalt  }
0x72: {  	_ =	shalt  }
0x73: {  	_ =	shalt  }
0x74: {  	_ =	shalt  }
0x75: {  	_ =	shalt  }
0x76: {  	_ =	shalt  }
0x77: {  	_ =	shalt  }
0x78: {  	_ =	shalt  }
0x79: {  	_ =	shalt  }
0x7a: {  	_ =	shalt  }
0x7b: {  	_ =	shalt  }
0x7c: {  	_ =	shalt  }
0x7d: {  	_ =	shalt  }
0x7e: {  	_ =	shalt  }
0x7f: {  	_ =	shalt  }
0x80: {  	_ =	shalt  }
0x81: {  	_ =	shalt  }
0x82: {  	_ =	shalt  }
0x83: {  	_ =	shalt  }
0x84: {  	_ =	shalt  }
0x85: {  	_ =	shalt  }
0x86: {  	_ =	shalt  }
0x87: {  	_ =	shalt  }
.Lfunc_end0:
.L_simem_size_0:
called_computation_lowered:
.L_overlay_start_0:
0x88: {  	s2 =	sld [smem:$0x3FD9]  }
0x89: {  	s3 =	sld [smem:$0x3FFE];
	_ =	sdelay $0x1  }
0x8a: {  	s1 =	srdreg.scid  }
0x8b: {  	s0 =	sand.u32 $0x1, s1  }
0x8c: {  	s17 =	sshll.u32 s0, $0xA;
	s2 =	sadd.s32 s3, s2  }
0x8d: {  	s2 =	sadd.s32 s2, s17  }
0x8e: {  	[smem:$0x3FBC] =	sst s2  }
0x8f: {  	_ = 	snop  }
0x90: {  	s2 =	sld [smem:$0x3FC9];
	(tm) =	ssettm $0x1  }
0x91: {  	s18 =	sld [smem:$0x3FFB];
	_ =	sdelay $0x3  }
0x92: {  	_ =	strace s18  }
0x93: {  	s3 =	sld [smem:$0x3FFC];
	_ =	sdelay $0x3  }
0x94: {  	_ =	strace s3  }
0x95: {  	s3 =	sld [smem:$0x3FFD];
	_ =	sdelay $0x3  }
0x96: {  	_ =	strace s3  }
0x97: {  	_ =	strace $0x8FFFFFFF  }
0x98: {  	s19 =	sld [smem:$0x3FDB];
	_ =	sdelay $0x1  }
0x99: {  	s4 =	simm.s32 $_scs_section_size  }
0x9a: {  	s5 =	simm.s32 $_size__tile_overlayer_lowered;
	s6 =	simm.s32 $_tile_overlayer_lowered  }
0x9b: {  	s22 =	simm.s32 $0x1BFF;
	s21 =	sshll.u32 s6, $0x1;
	s3 =	sadd.s32 s4, s19  }
0x9c: {  	s7 =	simm.s32 $0x0;
	s20 =	sshll.u32 s5, $0x1;
	s5 =	sadd.s32 s21, s3  }
0x9d: {  	[timem:s7], [sflag:s22] =	dma.local [hbm:s5], s20  }
0x9e: {  	_ =	swait.ge [sflag:s22], s20  }
0x9f: {  	s4 =	ssub.s32 $0x0, s20;
	[sflag:s22] =	ssyncset.done $0x0  }
0xa0: {  	[sflag:s22] =	ssyncadd.s32 s4;
	_ =	sdelay $0x1  }
0xa1: {  	s23 =	simm.s32 $0x1B8B  }
0xa2: {  	_ =	swait.ge [sflag:s23], $0x1  }
0xa3: {  	[sflag:s23] =	ssyncset.done $0x0  }
0xa4: {  	s25 =	simm.s32 $0x1B8E;
	s24 =	sld [smem:$0x3FFE];
	[sflag:s23] =	ssyncadd.s32 $0xFFFFFFFF  }
0xa5: {  	s26 =	simm.s32 $execute0_lowered;
	[smem:$0x3FD2] =	sst s25  }
0xa6: {  	s5 =	sshll.u32 s26, $0x1;
	_ =	strace $0x80000046;
	[dreg:$0x1] =	wrdreg $0xFFFFFFFF  }
0xa7: {  	s28 =	simm.s32 $_size_execute0_lowered;
	s3 =	sadd.s32 s3, s5;
	[dreg:$0x0] =	wrdreg $0x0  }
0xa8: {  	s5 =	sshll.u32 s28, $0x1;
	[dreg:$0x2] =	wrdreg s3  }
0xa9: {  	[dreg:$0x3] =	wrdreg s5  }
0xaa: {  	[dreg:$0x4] =	wrdreg $0xC0  }
0xab: {  	_ =	task [dreg:s7], $0x5FFFF  }
0xac: {  	[dreg:$0x1] =	wrdreg $0xFFFFFFFF  }
0xad: {  	[dreg:$0x0] =	wrdreg $0x60  }
0xae: {  	[dreg:$0x2] =	wrdreg s2  }
0xaf: {  	[dreg:$0x3] =	wrdreg s24  }
0xb0: {  	[dreg:$0x4] =	wrdreg $0xB8000  }
0xb1: {  	[dreg:$0x5] =	wrdreg $0x9  }
0xb2: {  	_ =	task.clear_ibuf [dreg:s7], $0x6FFFF;
	_ =	strace $0x90000046  }
0xb3: {  	s29 =	simm.s32 $0x9;
	_ =	strace $0x80000048  }
0xb4: {  	_ =	swait.ge [sflag:s29], $0x1  }
0xb5: {  	[sflag:s29] =	ssyncadd.s32 $0xFFFFFFFF  }
0xb6: {  	_ =	strace $0x90000048  }
0xb7: {  	_ =	sfence  }
0xb8: {  	s30 =	sld [smem:$0x0];
	_ =	sdelay $0x2  }
0xb9: {  	s31 =	sshll.u32 s1, $0xD;
	s1 =	sshrl.u32 s1, $0x2  }
0xba: {  	s3 =	sand.u32 $0x4000, s31;
	s1 =	sadd.s32 s1, s30  }
0xbb: {  	s0 =	sor.u32 s3, s0;
	s1 =	sshll.u32 s1, $0x11  }
0xbc: {  	s0 =	sor.u32 s1, s0  }
0xbd: {  	s0 =	sadd.s32 $0x8F2B, s0  }
0xbe: {  	[sflag:s0] =	ssyncadd.remote.s32 $0x1  }
0xbf: {  	_ =	sfence.sel $0xFFFF  }
0xc0: {  	[dreg:$0x0] =	wrdreg $0xFFFFFFFF;
	(pc) =	sbr.abs _section_cstart, $3  }
0xc1: {  	[dreg:$0x1] =	wrdreg $0xFFFFFFFF  }
0xc2: {  	_ =	task.clear_ibuf [dreg:s7], $0x2FFFF;
	_ =	strace $0x9FFFFFFF  }
0xc3: {  	(tm) =	ssettm $0x7FFFFFFF  }
tec
execute0_lowered:
.L_overlay_start_1:
0x0: {  	(tag) =	ssettag $0x1  }
0x1: {  	s4 =	stileid.u32  }
0x2: {  	s1 =	rddreg [dreg:$0x0];
	s6 =	smul.u32 $0x14000, s4  }
0x3: {  	s0 =	srdreg.scid;
	s8 =	smul.u32 $0xA0, s4  }
0x4: {  	s2 =	rddreg [dreg:$0x1];
	s0 =	sand.u32 $0x1, s0;
	s30 =	smul.u32 $0x50000, s4  }
0x5: {  	s3 =	rddreg [dreg:$0x2];
	s7 =	simm.s32 $0x0;
	s5 =	smul.u32 $0x140000, s0  }
0x6: {  	[smem:$0x7FF] =	sst s7;
	s26 =	smul.u32 $0xA00, s0;
	s0 =	ssub.s32 $0x2, s0  }
0x7: {  	s7 =	sadd.s32 $0x17A00, s2;
	s29 =	sshrl.u32 s0, $0x1;
	s5 =	sadd.s32 s6, s5  }
0x8: {  	s6 =	sadd.s32 s8, s26;
	s0 =	ssub.s32 s0, s29;
	s28 =	sshrl.u32 s5, $0x3  }
0x9: {  	s5 =	sadd.s32 $0x3A00, s2;
	s10 =	sshll.u32 s6, $0x4;
	s0 =	smax.u32 s0, $0x1  }
0xa: {  	_ =	strace $0x80000047;
	s31 =	sadd.s32 s5, s10;
	[dreg:$0x8] =	wrdreg s0  }
0xb: {  	s9 =	sadd.s32 s28, s2;
	s4 =	sadd.s32 s10, s7;
	[dreg:$0x4] =	wrdreg s31  }
0xc: {  	s10 =	sshrl.u32 s30, $0x2;
	[dreg:$0x5] =	wrdreg s4;
	s11 =	sadd.s32 $0x2BA00, s9  }
0xd: {  	s10 =	sadd.s32 s10, s3;
	[dreg:$0x7] =	wrdreg s11  }
0xe: {  	s12 =	sadd.s32 $0x1000, s10;
	[dreg:$0x6] =	wrdreg s10  }
0xf: {  	s13 =	sadd.s32 $0x2000, s10;
	[dreg:$0x9] =	wrdreg s12  }
0x10: {  	s14 =	sadd.s32 $0x3000, s10;
	[dreg:$0xa] =	wrdreg s13  }
0x11: {  	s15 =	sadd.s32 $0x4000, s10;
	[dreg:$0xb] =	wrdreg s14  }
0x12: {  	s16 =	sadd.s32 $0x5000, s10;
	[dreg:$0xc] =	wrdreg s15  }
0x13: {  	s17 =	sadd.s32 $0x6000, s10;
	[dreg:$0xd] =	wrdreg s16  }
0x14: {  	s18 =	sadd.s32 $0x7000, s10;
	[dreg:$0xe] =	wrdreg s17  }
0x15: {  	s19 =	sadd.s32 $0x8000, s10;
	[dreg:$0xf] =	wrdreg s18  }
0x16: {  	s20 =	sadd.s32 $0x9000, s10;
	[dreg:$0x10] =	wrdreg s19  }
0x17: {  	s21 =	sadd.s32 $0xA000, s10;
	[dreg:$0x11] =	wrdreg s20  }
0x18: {  	s22 =	sadd.s32 $0xB000, s10;
	[dreg:$0x12] =	wrdreg s21  }
0x19: {  	s23 =	sadd.s32 $0xC000, s10;
	[dreg:$0x13] =	wrdreg s22  }
0x1a: {  	s24 =	sadd.s32 $0xD000, s10;
	[dreg:$0x14] =	wrdreg s23  }
0x1b: {  	s25 =	sadd.s32 $0xE000, s10;
	[dreg:$0x15] =	wrdreg s24  }
0x1c: {  	s26 =	sadd.s32 $0xF000, s10;
	[dreg:$0x16] =	wrdreg s25  }
0x1d: {  	s8 =	simm.s32 $0x1400;
	s28 =	sadd.s32 $0x10000, s10;
	[dreg:$0x17] =	wrdreg s26  }
0x1e: {  	s0 =	simm.s32 $0x3;
	s29 =	sadd.s32 $0x11000, s10;
	[dreg:$0x18] =	wrdreg s28  }
0x1f: {  	s9 =	simm.s32 $0x40;
	s30 =	sadd.s32 $0x12000, s10;
	[dreg:$0x19] =	wrdreg s29  }
0x20: {  	s4 =	simm.s32 $0x0;
	s31 =	sadd.s32 $0x13000, s10;
	[dreg:$0x1a] =	wrdreg s30  }
0x21: {  	s11 =	simm.s32 $0x2800;
	[dreg:$0x1b] =	wrdreg s31;
	s12 =	simm.s32 $0x80  }
.Ltmp0:
0x22: {  	s13 =	simm.s32 $0x4800;
	s14 =	simm.s32 $0x100;
	(pc) =	sbr.rel .LBB2_1-.Ltmp0, $4  }
0x23: {  	s15 =	simm.s32 $0x6800;
	s16 =	simm.s32 $0xA800;
	s17 =	simm.s32 $0x1  }
0x24: {  	s18 =	simm.s32 $0x180;
	s19 =	simm.s32 $0x8800;
	s20 =	simm.s32 $0x1480  }
0x25: {  	s21 =	simm.s32 $0x2;
	s22 =	simm.s32 $0x200;
	s23 =	simm.s32 $0x1500  }
0x26: {  	v0 =	vimm.f32 $0.0e+00;
	s24 =	simm.s32 $0x280;
	s25 =	simm.s32 $0x1580;
	s26 =	simm.s32 $0x300  }
.LBB2_11:
0x27: {  	s2 =	stileid.u32;
	[bflag:$0x0] =	sbarrier.arrive $0xFFFF  }
0x28: {  	s2 =	sshll.u32 s2, $0x6;
	s10 =	rddreg [dreg:$0x6]  }
0x29: {  	s28 =	rddreg [dreg:$0x7];
	s2 =	sor.u32 $0x1C03, s2;
	s4 =	sshrl.u32 s10, $0x3  }
0x2a: {  	[hbm:s28], [sflag:s2] =	dma.local [spmem:s4], $0x2800  }
0x2b: {  	_ =	swait.ge [sflag:s0], $0x2800  }
0x2c: {  	s30 =	rddreg [dreg:$0x1c]  }
0x2d: {  	s31 =	rddreg [dreg:$0x8];
	s4 =	sadd.s32 $0x1, s30  }
0x2e: {  	p0 =	sne.s32 s4, s31  }
.Ltmp1:
0x2f: {  	_ = 	snop;
	(pc) =	sbr.rel @!p0 .LBB2_12-.Ltmp1, $3  }
0x30: {  	_ =	sdelay $0x1  }
0x31: {  	[sflag:s0] =	ssyncset.done $0x0  }
0x32: {  	[sflag:s0] =	ssyncadd.s32 $0xFFFFD800  }
.LBB2_1:
0x33: {  	[dreg:$0x1c] =	wrdreg s4  }
0x34: {  	s2 =	simm.s32 $0x0;
	s28 =	rddreg [dreg:$0x4]  }
0x35: {  	[tilespmem:s2], [sflag:$0x3] =	stream.linear.gather [hbm4b:s28+s2], $0x1400, $0x38;
	[tilespmem:$0x1F800] =	vst v63  }
0x36: {  	_ =	swait.ge [sflag:s0], $0x1400  }
0x37: {  	[sflag:s0] =	ssyncset.done $0x0  }
0x38: {  	s28 =	rddreg [dreg:$0x5];
	[sflag:s0] =	ssyncadd.s32 $0xFFFFEC00  }
0x39: {  	[tilespmem:s8], [sflag:$0x3] =	stream.linear.gather [hbm4b:s28+s2], $0x1400, $0x38;
	[tilespmem:$0x1F800] =	vst v63  }
0x3a: {  	_ =	swait.ge [sflag:s0], $0x1400  }
0x3b: {  	[sflag:s0] =	ssyncset.done $0x0  }
0x3c: {  	s29 =	sand.u32 $0x3E00, s2;
	[sflag:s0] =	ssyncadd.s32 $0xFFFFEC00  }
0x3d: {  	[tilespmem:s11], [sflag:$0x1] =	stream.indirect.gather [hbm4b:s1+s9], $0x80, s2, s9, $0xb8;
	[tilespmem:$0x1F800] =	vst v63  }
0x3e: {  	s30 =	sand.u32 $0x70, s2;
	s31 =	sshrl.u32 s29, $0x2  }
0x3f: {  	[tilespmem:s13], [sflag:$0x1] =	stream.indirect.gather [hbm4b:s1+s9], $0x80, s12, s9, $0xb8;
	[tilespmem:$0x1F800] =	vst v63  }
0x40: {  	s29 =	simm.s32 $0x40;
	s31 =	sor.u32 s30, s31;
	s30 =	simm.s32 $0x0  }
0x41: {  	[tilespmem:s15], [sflag:$0x1] =	stream.indirect.gather [hbm4b:s1+s9], $0x80, s14, s9, $0xb8;
	[tilespmem:$0x1F800] =	vst v63  }
.LBB2_2:
0x42: {  	p0 =	sne.s32 s29, $0x3FC0  }
0x43: {  	[tilespmem:s31+$0xA800] =	vst v0;
	s30 =	sadd.s32 $0x10, s30;
	s31 =	smov.u32 s29;
	s29 =	sadd.s32 $0x40, s29  }
.Ltmp2:
0x44: {  	(pc) =	sbr.rel @p0 .LBB2_2-.Ltmp2, $4  }
0x45: {  	_ = 	snop  }
0x46: {  	s31 =	sand.u32 $0x3E00, s31  }
0x47: {  	s2 =	sand.u32 $0x70, s30;
	s31 =	sshrl.u32 s31, $0x2  }
0x48: {  	s31 =	sor.u32 s2, s31  }
0x49: {  	[tilespmem:s31+$0xA800] =	vst v0  }
0x4a: {  	[spmem:s10] =	stream.linear.scatter [tilespmem:s16], [sflag:$0x3], $0x1000, $0x38;
	[tilespmem:$0x1F800] =	vst v63  }
0x4b: {  	_ =	swait.ge [sflag:s0], $0x1000  }
0x4c: {  	[sflag:s0] =	ssyncset.done $0x0  }
0x4d: {  	s2 =	rddreg [dreg:$0x9];
	[sflag:s0] =	ssyncadd.s32 $0xFFFFF000  }
0x4e: {  	[spmem:s2] =	stream.linear.scatter [tilespmem:s16], [sflag:$0x3], $0x1000, $0x38;
	[tilespmem:$0x1F800] =	vst v63  }
0x4f: {  	_ =	swait.ge [sflag:s0], $0x1000  }
0x50: {  	[sflag:s0] =	ssyncset.done $0x0  }
0x51: {  	s28 =	rddreg [dreg:$0xa];
	[sflag:s0] =	ssyncadd.s32 $0xFFFFF000  }
0x52: {  	[spmem:s28] =	stream.linear.scatter [tilespmem:s16], [sflag:$0x3], $0x1000, $0x38;
	[tilespmem:$0x1F800] =	vst v63  }
0x53: {  	_ =	swait.ge [sflag:s0], $0x1000  }
0x54: {  	[sflag:s0] =	ssyncset.done $0x0  }
0x55: {  	s30 =	rddreg [dreg:$0xb];
	[sflag:s0] =	ssyncadd.s32 $0xFFFFF000  }
0x56: {  	[spmem:s30] =	stream.linear.scatter [tilespmem:s16], [sflag:$0x3], $0x1000, $0x38;
	[tilespmem:$0x1F800] =	vst v63  }
0x57: {  	_ =	swait.ge [sflag:s0], $0x1000  }
0x58: {  	[sflag:s0] =	ssyncset.done $0x0  }
0x59: {  	s31 =	rddreg [dreg:$0xc];
	[sflag:s0] =	ssyncadd.s32 $0xFFFFF000  }
0x5a: {  	[spmem:s31] =	stream.linear.scatter [tilespmem:s16], [sflag:$0x3], $0x1000, $0x38;
	[tilespmem:$0x1F800] =	vst v63  }
0x5b: {  	_ =	swait.ge [sflag:s0], $0x1000  }
0x5c: {  	[sflag:s0] =	ssyncset.done $0x0  }
0x5d: {  	s4 =	rddreg [dreg:$0xd];
	[sflag:s0] =	ssyncadd.s32 $0xFFFFF000  }
0x5e: {  	[spmem:s4] =	stream.linear.scatter [tilespmem:s16], [sflag:$0x3], $0x1000, $0x38;
	[tilespmem:$0x1F800] =	vst v63  }
0x5f: {  	_ =	swait.ge [sflag:s0], $0x1000  }
0x60: {  	[sflag:s0] =	ssyncset.done $0x0  }
0x61: {  	s10 =	rddreg [dreg:$0xe];
	[sflag:s0] =	ssyncadd.s32 $0xFFFFF000  }
0x62: {  	[spmem:s10] =	stream.linear.scatter [tilespmem:s16], [sflag:$0x3], $0x1000, $0x38;
	[tilespmem:$0x1F800] =	vst v63  }
0x63: {  	_ =	swait.ge [sflag:s0], $0x1000  }
0x64: {  	[sflag:s0] =	ssyncset.done $0x0  }
0x65: {  	s28 =	rddreg [dreg:$0xf];
	[sflag:s0] =	ssyncadd.s32 $0xFFFFF000  }
0x66: {  	[spmem:s28] =	stream.linear.scatter [tilespmem:s16], [sflag:$0x3], $0x1000, $0x38;
	[tilespmem:$0x1F800] =	vst v63  }
0x67: {  	_ =	swait.ge [sflag:s0], $0x1000  }
0x68: {  	[sflag:s0] =	ssyncset.done $0x0  }
0x69: {  	s30 =	rddreg [dreg:$0x10];
	[sflag:s0] =	ssyncadd.s32 $0xFFFFF000  }
0x6a: {  	[spmem:s30] =	stream.linear.scatter [tilespmem:s16], [sflag:$0x3], $0x1000, $0x38;
	[tilespmem:$0x1F800] =	vst v63  }
0x6b: {  	_ =	swait.ge [sflag:s0], $0x1000  }
0x6c: {  	[sflag:s0] =	ssyncset.done $0x0  }
0x6d: {  	s31 =	rddreg [dreg:$0x11];
	[sflag:s0] =	ssyncadd.s32 $0xFFFFF000  }
0x6e: {  	[spmem:s31] =	stream.linear.scatter [tilespmem:s16], [sflag:$0x3], $0x1000, $0x38;
	[tilespmem:$0x1F800] =	vst v63  }
0x6f: {  	_ =	swait.ge [sflag:s0], $0x1000  }
0x70: {  	[sflag:s0] =	ssyncset.done $0x0  }
0x71: {  	s4 =	rddreg [dreg:$0x12];
	[sflag:s0] =	ssyncadd.s32 $0xFFFFF000  }
0x72: {  	[spmem:s4] =	stream.linear.scatter [tilespmem:s16], [sflag:$0x3], $0x1000, $0x38;
	[tilespmem:$0x1F800] =	vst v63  }
0x73: {  	_ =	swait.ge [sflag:s0], $0x1000  }
0x74: {  	[sflag:s0] =	ssyncset.done $0x0  }
0x75: {  	s10 =	rddreg [dreg:$0x13];
	[sflag:s0] =	ssyncadd.s32 $0xFFFFF000  }
0x76: {  	[spmem:s10] =	stream.linear.scatter [tilespmem:s16], [sflag:$0x3], $0x1000, $0x38;
	[tilespmem:$0x1F800] =	vst v63  }
0x77: {  	_ =	swait.ge [sflag:s0], $0x1000  }
0x78: {  	[sflag:s0] =	ssyncset.done $0x0  }
0x79: {  	s28 =	rddreg [dreg:$0x14];
	[sflag:s0] =	ssyncadd.s32 $0xFFFFF000  }
0x7a: {  	[spmem:s28] =	stream.linear.scatter [tilespmem:s16], [sflag:$0x3], $0x1000, $0x38;
	[tilespmem:$0x1F800] =	vst v63  }
0x7b: {  	_ =	swait.ge [sflag:s0], $0x1000  }
0x7c: {  	[sflag:s0] =	ssyncset.done $0x0  }
0x7d: {  	s30 =	rddreg [dreg:$0x15];
	[sflag:s0] =	ssyncadd.s32 $0xFFFFF000  }
0x7e: {  	[spmem:s30] =	stream.linear.scatter [tilespmem:s16], [sflag:$0x3], $0x1000, $0x38;
	[tilespmem:$0x1F800] =	vst v63  }
0x7f: {  	_ =	swait.ge [sflag:s0], $0x1000  }
0x80: {  	[sflag:s0] =	ssyncset.done $0x0  }
0x81: {  	s31 =	rddreg [dreg:$0x16];
	[sflag:s0] =	ssyncadd.s32 $0xFFFFF000  }
0x82: {  	[spmem:s31] =	stream.linear.scatter [tilespmem:s16], [sflag:$0x3], $0x1000, $0x38;
	[tilespmem:$0x1F800] =	vst v63  }
0x83: {  	_ =	swait.ge [sflag:s0], $0x1000  }
0x84: {  	[sflag:s0] =	ssyncset.done $0x0  }
0x85: {  	s4 =	rddreg [dreg:$0x17];
	[sflag:s0] =	ssyncadd.s32 $0xFFFFF000  }
0x86: {  	[spmem:s4] =	stream.linear.scatter [tilespmem:s16], [sflag:$0x3], $0x1000, $0x38;
	[tilespmem:$0x1F800] =	vst v63  }
0x87: {  	_ =	swait.ge [sflag:s0], $0x1000  }
0x88: {  	[sflag:s0] =	ssyncset.done $0x0  }
0x89: {  	s10 =	rddreg [dreg:$0x18];
	[sflag:s0] =	ssyncadd.s32 $0xFFFFF000  }
0x8a: {  	[spmem:s10] =	stream.linear.scatter [tilespmem:s16], [sflag:$0x3], $0x1000, $0x38;
	[tilespmem:$0x1F800] =	vst v63  }
0x8b: {  	_ =	swait.ge [sflag:s0], $0x1000  }
0x8c: {  	[sflag:s0] =	ssyncset.done $0x0  }
0x8d: {  	s28 =	rddreg [dreg:$0x19];
	[sflag:s0] =	ssyncadd.s32 $0xFFFFF000  }
0x8e: {  	[spmem:s28] =	stream.linear.scatter [tilespmem:s16], [sflag:$0x3], $0x1000, $0x38;
	[tilespmem:$0x1F800] =	vst v63  }
0x8f: {  	_ =	swait.ge [sflag:s0], $0x1000  }
0x90: {  	[sflag:s0] =	ssyncset.done $0x0  }
0x91: {  	s30 =	rddreg [dreg:$0x1a];
	[sflag:s0] =	ssyncadd.s32 $0xFFFFF000  }
0x92: {  	[spmem:s30] =	stream.linear.scatter [tilespmem:s16], [sflag:$0x3], $0x1000, $0x38;
	[tilespmem:$0x1F800] =	vst v63  }
0x93: {  	_ =	swait.ge [sflag:s0], $0x1000  }
0x94: {  	[sflag:s0] =	ssyncset.done $0x0  }
0x95: {  	s31 =	rddreg [dreg:$0x1b];
	[sflag:s0] =	ssyncadd.s32 $0xFFFFF000  }
0x96: {  	[spmem:s31] =	stream.linear.scatter [tilespmem:s16], [sflag:$0x3], $0x1000, $0x38;
	[tilespmem:$0x1F800] =	vst v63  }
0x97: {  	_ =	swait.ge [sflag:s0], $0x1000  }
0x98: {  	[sflag:s0] =	ssyncset.done $0x0  }
0x99: {  	[sflag:s0] =	ssyncadd.s32 $0xFFFFF000  }
0x9a: {  	[bflag:$0x0] =	sbarrier.arrive $0xFFFF  }
0x9b: {  	_ =	swait.ge [sflag:s17], $0x2000  }
0x9c: {  	[sflag:s17] =	ssyncset.done $0x0  }
0x9d: {  	[sflag:s17] =	ssyncadd.s32 $0xFFFFE000  }
0x9e: {  	[spmem:s3] =	stream.indirect.scatter.add.f32 [tilespmem:s11], [sflag:$0x2], $0x80, s8, s9, $0xb8;
	[tilespmem:$0x1F800] =	vst v63  }
0x9f: {  	_ = 	snop  }
0xa0: {  	[tilespmem:s19], [sflag:$0x1] =	stream.indirect.gather [hbm4b:s1+s9], $0x80, s18, s9, $0xb8;
	[tilespmem:$0x1F800] =	vst v63  }
0xa1: {  	_ =	swait.ge [sflag:s17], $0x2000  }
0xa2: {  	[sflag:s17] =	ssyncset.done $0x0  }
0xa3: {  	[sflag:s17] =	ssyncadd.s32 $0xFFFFE000  }
0xa4: {  	[spmem:s3] =	stream.indirect.scatter.add.f32 [tilespmem:s13], [sflag:$0x2], $0x80, s20, s9, $0xb8;
	[tilespmem:$0x1F800] =	vst v63  }
0xa5: {  	_ =	swait.ge [sflag:s21], $0x2000  }
0xa6: {  	[sflag:s21] =	ssyncset.done $0x0  }
0xa7: {  	[sflag:s21] =	ssyncadd.s32 $0xFFFFE000  }
0xa8: {  	[tilespmem:s11], [sflag:$0x1] =	stream.indirect.gather [hbm4b:s1+s9], $0x80, s22, s9, $0xb8;
	[tilespmem:$0x1F800] =	vst v63  }
0xa9: {  	_ =	swait.ge [sflag:s17], $0x2000  }
0xaa: {  	[sflag:s17] =	ssyncset.done $0x0  }
0xab: {  	[sflag:s17] =	ssyncadd.s32 $0xFFFFE000  }
0xac: {  	[spmem:s3] =	stream.indirect.scatter.add.f32 [tilespmem:s15], [sflag:$0x2], $0x80, s23, s9, $0xb8;
	[tilespmem:$0x1F800] =	vst v63  }
0xad: {  	_ =	swait.ge [sflag:s21], $0x2000  }
0xae: {  	[sflag:s21] =	ssyncset.done $0x0  }
0xaf: {  	[sflag:s21] =	ssyncadd.s32 $0xFFFFE000  }
0xb0: {  	[tilespmem:s13], [sflag:$0x1] =	stream.indirect.gather [hbm4b:s1+s9], $0x80, s24, s9, $0xb8;
	[tilespmem:$0x1F800] =	vst v63  }
0xb1: {  	_ =	swait.ge [sflag:s17], $0x2000  }
0xb2: {  	[sflag:s17] =	ssyncset.done $0x0  }
0xb3: {  	[sflag:s17] =	ssyncadd.s32 $0xFFFFE000  }
0xb4: {  	[spmem:s3] =	stream.indirect.scatter.add.f32 [tilespmem:s19], [sflag:$0x2], $0x80, s25, s9, $0xb8;
	[tilespmem:$0x1F800] =	vst v63  }
0xb5: {  	_ =	swait.ge [sflag:s21], $0x2000  }
0xb6: {  	[sflag:s21] =	ssyncset.done $0x0  }
0xb7: {  	s29 =	simm.s32 $0x0;
	[sflag:s21] =	ssyncadd.s32 $0xFFFFE000  }
0xb8: {  	[tilespmem:s15], [sflag:$0x1] =	stream.indirect.gather [hbm4b:s1+s9], $0x80, s26, s9, $0xb8;
	[tilespmem:$0x1F800] =	vst v63  }
.LBB2_4:
0xb9: {  	_ =	swait.ge [sflag:s17], $0x2000  }
0xba: {  	s30 =	sshra.s32 s29, $0x2;
	[sflag:s17] =	ssyncset.done $0x0  }
0xbb: {  	s2 =	sadd.s32 $0x1600, s30;
	[sflag:s17] =	ssyncadd.s32 $0xFFFFE000  }
0xbc: {  	[spmem:s3] =	stream.indirect.scatter.add.f32 [tilespmem:s11], [sflag:$0x2], $0x80, s2, s9, $0xb8;
	[tilespmem:$0x1F800] =	vst v63  }
0xbd: {  	_ =	swait.ge [sflag:s21], $0x2000  }
0xbe: {  	[sflag:s21] =	ssyncset.done $0x0  }
0xbf: {  	s10 =	sadd.s32 $0x380, s30;
	[sflag:s21] =	ssyncadd.s32 $0xFFFFE000  }
0xc0: {  	[tilespmem:s19], [sflag:$0x1] =	stream.indirect.gather [hbm4b:s1+s9], $0x80, s10, s9, $0xb8;
	[tilespmem:$0x1F800] =	vst v63  }
0xc1: {  	_ =	swait.ge [sflag:s17], $0x2000  }
0xc2: {  	[sflag:s17] =	ssyncset.done $0x0  }
0xc3: {  	s28 =	sadd.s32 $0x1680, s30;
	[sflag:s17] =	ssyncadd.s32 $0xFFFFE000  }
0xc4: {  	[spmem:s3] =	stream.indirect.scatter.add.f32 [tilespmem:s13], [sflag:$0x2], $0x80, s28, s9, $0xb8;
	[tilespmem:$0x1F800] =	vst v63  }
0xc5: {  	_ =	swait.ge [sflag:s21], $0x2000  }
0xc6: {  	p0 =	seq.s32 s29, $0x4000;
	[sflag:s21] =	ssyncset.done $0x0  }
0xc7: {  	s2 =	simm.s32 @p0 $0x1;
	[sflag:s21] =	ssyncadd.s32 $0xFFFFE000  }
0xc8: {  	_ =	swait.ge @p0 [sflag:s2], $0x2000  }
0xc9: {  	[sflag:s2] =	ssyncset.done @p0 $0x0  }
0xca: {  	[sflag:s2] =	ssyncadd.s32 @p0 $0xFFFFE000;
	s2 =	sshra.s32 @p0 s29, $0x2  }
0xcb: {  	s31 =	simm.s32 @p0 $0x40;
	s4 =	simm.s32 @p0 $0x6800;
	s2 =	sadd.s32 @p0 $0x1700, s2  }
0xcc: {  	[spmem:s3] =	stream.indirect.scatter.add.f32 @p0 [tilespmem:s4], [sflag:$0x2], $0x80, s2, s31, $0xb8;
	[tilespmem:$0x1F800] =	vst v63  }
0xcd: {  	s2 =	simm.s32 @p0 $0x2  }
0xce: {  	_ =	swait.ge @p0 [sflag:s2], $0x2000  }
0xcf: {  	[sflag:s2] =	ssyncset.done @p0 $0x0  }
0xd0: {  	[sflag:s2] =	ssyncadd.s32 @p0 $0xFFFFE000;
	s2 =	sshra.s32 @!p0 s29, $0x2  }
0xd1: {  	s10 =	simm.s32 @!p0 $0x2800;
	s31 =	simm.s32 @!p0 $0x40;
	s4 =	sadd.s32 @!p0 $0x400, s2  }
0xd2: {  	[tilespmem:s10], [sflag:$0x1] =	stream.indirect.gather @!p0 [hbm4b:s1+s31], $0x80, s4, s31, $0xb8;
	[tilespmem:$0x1F800] =	vst v63  }
0xd3: {  	s4 =	simm.s32 @!p0 $0x1  }
0xd4: {  	_ =	swait.ge @!p0 [sflag:s4], $0x2000  }
0xd5: {  	[sflag:s4] =	ssyncset.done @!p0 $0x0  }
0xd6: {  	s10 =	simm.s32 @!p0 $0x6800;
	[sflag:s4] =	ssyncadd.s32 @!p0 $0xFFFFE000;
	s4 =	sadd.s32 @!p0 $0x1700, s2  }
0xd7: {  	[spmem:s3] =	stream.indirect.scatter.add.f32 @!p0 [tilespmem:s10], [sflag:$0x2], $0x80, s4, s31, $0xb8;
	[tilespmem:$0x1F800] =	vst v63  }
0xd8: {  	s4 =	simm.s32 @!p0 $0x2  }
0xd9: {  	_ =	swait.ge @!p0 [sflag:s4], $0x2000  }
0xda: {  	[sflag:s4] =	ssyncset.done @!p0 $0x0  }
0xdb: {  	s2 =	sadd.s32 @!p0 $0x480, s2;
	[sflag:s4] =	ssyncadd.s32 @!p0 $0xFFFFE000;
	s4 =	simm.s32 @!p0 $0x4800  }
0xdc: {  	[tilespmem:s4], [sflag:$0x1] =	stream.indirect.gather @!p0 [hbm4b:s1+s31], $0x80, s2, s31, $0xb8;
	[tilespmem:$0x1F800] =	vst v63  }
0xdd: {  	_ =	swait.ge [sflag:s17], $0x2000  }
0xde: {  	[sflag:s17] =	ssyncset.done $0x0  }
.Ltmp3:
0xdf: {  	s31 =	sadd.s32 $0x1780, s30;
	[sflag:s17] =	ssyncadd.s32 $0xFFFFE000;
	(pc) =	sbr.rel @p0 .LBB2_6-.Ltmp3, $4  }
0xe0: {  	[spmem:s3] =	stream.indirect.scatter.add.f32 [tilespmem:s19], [sflag:$0x2], $0x80, s31, s9, $0xb8;
	[tilespmem:$0x1F800] =	vst v63  }
0xe1: {  	_ =	swait.ge [sflag:s21], $0x2000  }
0xe2: {  	[sflag:s21] =	ssyncset.done $0x0  }
0xe3: {  	[sflag:s21] =	ssyncadd.s32 $0xFFFFE000  }
.Ltmp4:
0xe4: {  	(pc) =	sbr.rel .LBB2_4-.Ltmp4, $3  }
0xe5: {  	_ =	sdelay $0x1  }
0xe6: {  	s2 =	sadd.s32 $0x500, s30;
	s29 =	sadd.s32 $0x800, s29  }
0xe7: {  	[tilespmem:s15], [sflag:$0x1] =	stream.indirect.gather [hbm4b:s1+s9], $0x80, s2, s9, $0xb8;
	[tilespmem:$0x1F800] =	vst v63  }
.LBB2_6:
.Ltmp5:
0xe8: {  	(pc) =	sbr.rel .LBB2_7-.Ltmp5, $4  }
0xe9: {  	_ = 	snop  }
0xea: {  	_ =	swait.ge [sflag:s21], $0x2000  }
0xeb: {  	[sflag:s21] =	ssyncset.done $0x0  }
0xec: {  	s29 =	simm.s32 $0x1;
	[sflag:s21] =	ssyncadd.s32 $0xFFFFE000  }
.LBB2_10:
0xed: {  	s29 =	sadd.s32 $0x1, s29  }
0xee: {  	p0 =	sne.s32 s29, $0x4  }
.Ltmp6:
0xef: {  	_ = 	snop;
	(pc) =	sbr.rel @!p0 .LBB2_11-.Ltmp6, $4  }
0xf0: {  	_ = 	snop  }
0xf1: {  	_ =	swait.ge [sflag:s21], $0x2000  }
0xf2: {  	[sflag:s21] =	ssyncset.done $0x0  }
0xf3: {  	[sflag:s21] =	ssyncadd.s32 $0xFFFFE000  }
.LBB2_7:
0xf4: {  	s2 =	smul.u32 $0x28, s29;
	_ =	sdelay $0x1  }
0xf5: {  	s2 =	sadd.s32 s6, s2  }
0xf6: {  	s2 =	sshll.u32 s2, $0x4  }
0xf7: {  	s30 =	simm.s32 $0x0;
	s4 =	sadd.s32 s5, s2  }
0xf8: {  	[tilespmem:s30], [sflag:$0x3] =	stream.linear.gather [hbm4b:s4+s30], $0x1400, $0x38;
	[tilespmem:$0x1F800] =	vst v63  }
0xf9: {  	_ =	swait.ge [sflag:s0], $0x1400  }
0xfa: {  	[sflag:s0] =	ssyncset.done $0x0  }
0xfb: {  	s2 =	sadd.s32 s2, s7;
	[sflag:s0] =	ssyncadd.s32 $0xFFFFEC00  }
0xfc: {  	[tilespmem:s8], [sflag:$0x3] =	stream.linear.gather [hbm4b:s2+s30], $0x1400, $0x38;
	[tilespmem:$0x1F800] =	vst v63  }
0xfd: {  	_ =	swait.ge [sflag:s0], $0x1400  }
0xfe: {  	[sflag:s0] =	ssyncset.done $0x0  }
0xff: {  	[sflag:s0] =	ssyncadd.s32 $0xFFFFEC00  }
0x100: {  	[tilespmem:s11], [sflag:$0x1] =	stream.indirect.gather [hbm4b:s1+s9], $0x80, s30, s9, $0xb8;
	[tilespmem:$0x1F800] =	vst v63  }
0x101: {  	_ = 	snop  }
0x102: {  	[tilespmem:s13], [sflag:$0x1] =	stream.indirect.gather [hbm4b:s1+s9], $0x80, s12, s9, $0xb8;
	[tilespmem:$0x1F800] =	vst v63  }
0x103: {  	_ = 	snop  }
0x104: {  	[tilespmem:s15], [sflag:$0x1] =	stream.indirect.gather [hbm4b:s1+s9], $0x80, s14, s9, $0xb8;
	[tilespmem:$0x1F800] =	vst v63  }
0x105: {  	_ =	swait.ge [sflag:s17], $0x2000  }
0x106: {  	[sflag:s17] =	ssyncset.done $0x0  }
0x107: {  	[sflag:s17] =	ssyncadd.s32 $0xFFFFE000  }
0x108: {  	[spmem:s3] =	stream.indirect.scatter.add.f32 [tilespmem:s11], [sflag:$0x2], $0x80, s8, s9, $0xb8;
	[tilespmem:$0x1F800] =	vst v63  }
0x109: {  	_ = 	snop  }
0x10a: {  	[tilespmem:s19], [sflag:$0x1] =	stream.indirect.gather [hbm4b:s1+s9], $0x80, s18, s9, $0xb8;
	[tilespmem:$0x1F800] =	vst v63  }
0x10b: {  	_ =	swait.ge [sflag:s17], $0x2000  }
0x10c: {  	[sflag:s17] =	ssyncset.done $0x0  }
0x10d: {  	[sflag:s17] =	ssyncadd.s32 $0xFFFFE000  }
0x10e: {  	[spmem:s3] =	stream.indirect.scatter.add.f32 [tilespmem:s13], [sflag:$0x2], $0x80, s20, s9, $0xb8;
	[tilespmem:$0x1F800] =	vst v63  }
0x10f: {  	_ =	swait.ge [sflag:s21], $0x2000  }
0x110: {  	[sflag:s21] =	ssyncset.done $0x0  }
0x111: {  	[sflag:s21] =	ssyncadd.s32 $0xFFFFE000  }
0x112: {  	[tilespmem:s11], [sflag:$0x1] =	stream.indirect.gather [hbm4b:s1+s9], $0x80, s22, s9, $0xb8;
	[tilespmem:$0x1F800] =	vst v63  }
0x113: {  	_ =	swait.ge [sflag:s17], $0x2000  }
0x114: {  	[sflag:s17] =	ssyncset.done $0x0  }
0x115: {  	[sflag:s17] =	ssyncadd.s32 $0xFFFFE000  }
0x116: {  	[spmem:s3] =	stream.indirect.scatter.add.f32 [tilespmem:s15], [sflag:$0x2], $0x80, s23, s9, $0xb8;
	[tilespmem:$0x1F800] =	vst v63  }
0x117: {  	_ =	swait.ge [sflag:s21], $0x2000  }
0x118: {  	[sflag:s21] =	ssyncset.done $0x0  }
0x119: {  	[sflag:s21] =	ssyncadd.s32 $0xFFFFE000  }
0x11a: {  	[tilespmem:s13], [sflag:$0x1] =	stream.indirect.gather [hbm4b:s1+s9], $0x80, s24, s9, $0xb8;
	[tilespmem:$0x1F800] =	vst v63  }
0x11b: {  	_ =	swait.ge [sflag:s17], $0x2000  }
0x11c: {  	[sflag:s17] =	ssyncset.done $0x0  }
0x11d: {  	[sflag:s17] =	ssyncadd.s32 $0xFFFFE000  }
0x11e: {  	[spmem:s3] =	stream.indirect.scatter.add.f32 [tilespmem:s19], [sflag:$0x2], $0x80, s25, s9, $0xb8;
	[tilespmem:$0x1F800] =	vst v63  }
0x11f: {  	_ =	swait.ge [sflag:s21], $0x2000  }
0x120: {  	[sflag:s21] =	ssyncset.done $0x0  }
0x121: {  	[sflag:s21] =	ssyncadd.s32 $0xFFFFE000  }
0x122: {  	[tilespmem:s15], [sflag:$0x1] =	stream.indirect.gather [hbm4b:s1+s9], $0x80, s26, s9, $0xb8;
	[tilespmem:$0x1F800] =	vst v63  }
.LBB2_8:
0x123: {  	_ =	swait.ge [sflag:s17], $0x2000  }
0x124: {  	s31 =	sshra.s32 s30, $0x2;
	[sflag:s17] =	ssyncset.done $0x0  }
0x125: {  	s2 =	sadd.s32 $0x1600, s31;
	[sflag:s17] =	ssyncadd.s32 $0xFFFFE000  }
0x126: {  	[spmem:s3] =	stream.indirect.scatter.add.f32 [tilespmem:s11], [sflag:$0x2], $0x80, s2, s9, $0xb8;
	[tilespmem:$0x1F800] =	vst v63  }
0x127: {  	_ =	swait.ge [sflag:s21], $0x2000  }
0x128: {  	[sflag:s21] =	ssyncset.done $0x0  }
0x129: {  	s4 =	sadd.s32 $0x380, s31;
	[sflag:s21] =	ssyncadd.s32 $0xFFFFE000  }
0x12a: {  	[tilespmem:s19], [sflag:$0x1] =	stream.indirect.gather [hbm4b:s1+s9], $0x80, s4, s9, $0xb8;
	[tilespmem:$0x1F800] =	vst v63  }
0x12b: {  	_ =	swait.ge [sflag:s17], $0x2000  }
0x12c: {  	[sflag:s17] =	ssyncset.done $0x0  }
0x12d: {  	s10 =	sadd.s32 $0x1680, s31;
	[sflag:s17] =	ssyncadd.s32 $0xFFFFE000  }
0x12e: {  	[spmem:s3] =	stream.indirect.scatter.add.f32 [tilespmem:s13], [sflag:$0x2], $0x80, s10, s9, $0xb8;
	[tilespmem:$0x1F800] =	vst v63  }
0x12f: {  	_ =	swait.ge [sflag:s21], $0x2000  }
0x130: {  	p0 =	seq.s32 s30, $0x4000;
	[sflag:s21] =	ssyncset.done $0x0  }
0x131: {  	s2 =	simm.s32 @p0 $0x1;
	[sflag:s21] =	ssyncadd.s32 $0xFFFFE000  }
0x132: {  	_ =	swait.ge @p0 [sflag:s2], $0x2000  }
0x133: {  	[sflag:s2] =	ssyncset.done @p0 $0x0  }
0x134: {  	[sflag:s2] =	ssyncadd.s32 @p0 $0xFFFFE000;
	s2 =	sshra.s32 @p0 s30, $0x2  }
0x135: {  	s4 =	simm.s32 @p0 $0x40;
	s10 =	simm.s32 @p0 $0x6800;
	s2 =	sadd.s32 @p0 $0x1700, s2  }
0x136: {  	[spmem:s3] =	stream.indirect.scatter.add.f32 @p0 [tilespmem:s10], [sflag:$0x2], $0x80, s2, s4, $0xb8;
	[tilespmem:$0x1F800] =	vst v63  }
0x137: {  	s2 =	simm.s32 @p0 $0x2  }
0x138: {  	_ =	swait.ge @p0 [sflag:s2], $0x2000  }
0x139: {  	[sflag:s2] =	ssyncset.done @p0 $0x0  }
0x13a: {  	[sflag:s2] =	ssyncadd.s32 @p0 $0xFFFFE000;
	s2 =	sshra.s32 @!p0 s30, $0x2  }
0x13b: {  	s28 =	simm.s32 @!p0 $0x2800;
	s10 =	simm.s32 @!p0 $0x40;
	s4 =	sadd.s32 @!p0 $0x400, s2  }
0x13c: {  	[tilespmem:s28], [sflag:$0x1] =	stream.indirect.gather @!p0 [hbm4b:s1+s10], $0x80, s4, s10, $0xb8;
	[tilespmem:$0x1F800] =	vst v63  }
0x13d: {  	s4 =	simm.s32 @!p0 $0x1  }
0x13e: {  	_ =	swait.ge @!p0 [sflag:s4], $0x2000  }
0x13f: {  	[sflag:s4] =	ssyncset.done @!p0 $0x0  }
0x140: {  	s28 =	simm.s32 @!p0 $0x6800;
	[sflag:s4] =	ssyncadd.s32 @!p0 $0xFFFFE000;
	s4 =	sadd.s32 @!p0 $0x1700, s2  }
0x141: {  	[spmem:s3] =	stream.indirect.scatter.add.f32 @!p0 [tilespmem:s28], [sflag:$0x2], $0x80, s4, s10, $0xb8;
	[tilespmem:$0x1F800] =	vst v63  }
0x142: {  	s4 =	simm.s32 @!p0 $0x2  }
0x143: {  	_ =	swait.ge @!p0 [sflag:s4], $0x2000  }
0x144: {  	[sflag:s4] =	ssyncset.done @!p0 $0x0  }
0x145: {  	s2 =	sadd.s32 @!p0 $0x480, s2;
	[sflag:s4] =	ssyncadd.s32 @!p0 $0xFFFFE000;
	s4 =	simm.s32 @!p0 $0x4800  }
0x146: {  	[tilespmem:s4], [sflag:$0x1] =	stream.indirect.gather @!p0 [hbm4b:s1+s10], $0x80, s2, s10, $0xb8;
	[tilespmem:$0x1F800] =	vst v63  }
0x147: {  	_ =	swait.ge [sflag:s17], $0x2000  }
0x148: {  	[sflag:s17] =	ssyncset.done $0x0  }
.Ltmp7:
0x149: {  	s28 =	sadd.s32 $0x1780, s31;
	[sflag:s17] =	ssyncadd.s32 $0xFFFFE000;
	(pc) =	sbr.rel @p0 .LBB2_10-.Ltmp7, $4  }
0x14a: {  	[spmem:s3] =	stream.indirect.scatter.add.f32 [tilespmem:s19], [sflag:$0x2], $0x80, s28, s9, $0xb8;
	[tilespmem:$0x1F800] =	vst v63  }
0x14b: {  	_ =	swait.ge [sflag:s21], $0x2000  }
0x14c: {  	[sflag:s21] =	ssyncset.done $0x0  }
0x14d: {  	[sflag:s21] =	ssyncadd.s32 $0xFFFFE000  }
.Ltmp8:
0x14e: {  	(pc) =	sbr.rel .LBB2_8-.Ltmp8, $3  }
0x14f: {  	_ =	sdelay $0x1  }
0x150: {  	s2 =	sadd.s32 $0x500, s31;
	s30 =	sadd.s32 $0x800, s30  }
0x151: {  	[tilespmem:s15], [sflag:$0x1] =	stream.indirect.gather [hbm4b:s1+s9], $0x80, s2, s9, $0xb8;
	[tilespmem:$0x1F800] =	vst v63  }
.LBB2_12:
0x152: {  	_ =	sfence.sel $0x180000  }
0x153: {  	[bflag:$0x0] =	sbarrier.arrive $0xFFFF  }
0x154: {  	_ =	strace $0x90000047  }
0x155: {  	s0 =	stileid.u32;
	[bflag:$0x2] =	sbarrier.arrive $0xFFFF  }
0x156: {  	p0 =	sne.s32 s0, $0x0;
	s0 =	rddreg [dreg:$0x3]  }
0x157: {  	s0 =	sadd.s32 @!p0 $0x100000, s0  }
0x158: {  	[sflag:s0] =	ssyncadd.tile.s32 @!p0 $0x1;
	_ =	shalt  }
.Lfunc_end2:
_tile_overlayer_lowered:
.L_overlay_start_2:
0x159: {  	(tag) =	ssettag $0x2  }
0x15a: {  	s0 =	rddreg [dreg:$0x0];
	s2 =	stileid.u32  }
0x15b: {  	s1 =	rddreg [dreg:$0x1];
	p0 =	sne.s32 s2, $0x0  }
0x15c: {  	s3 =	rddreg [dreg:$0x2];
	[bflag:$0x3] =	sbarrier.arrive $0xFFFF;
	s2 =	simm.s32 @!p0 $0x1C03  }
0x15d: {  	[timem:s3], [sflag:s2] =	dma.local @!p0 [hbm:s0], s1  }
0x15e: {  	s0 =	simm.s32 @!p0 $0x3  }
0x15f: {  	_ =	swait.ge @!p0 [sflag:s0], s1  }
0x160: {  	s1 =	ssub.s32 @!p0 $0x0, s1;
	[sflag:s0] =	ssyncset.done @!p0 $0x0  }
0x161: {  	[sflag:s0] =	ssyncadd.s32 @!p0 s1  }
0x162: {  	[bflag:$0x3] =	sbarrier.arrive $0xFFFF  }
0x163: {  	_ =	shalt  }

// kernel: kernel.9.cloned.1.call-start
scs
__scs_entry_jumppad:
0x0: {  	(pc) =	sbr.rel $0x88, $3  }
0x1: {  	(tag) =	ssettag $0x0;
	lr =	simm.s32 $0x1  }
0x2: {  	[smem:$0x3F95] =	sst lr;
	_ =	strace $0xD0000000  }
0x3: {  	_ = 	snop  }
0x4: {  	_ = 	snop  }
0x5: {  	_ = 	snop  }
0x6: {  	_ = 	snop  }
0x7: {  	_ = 	snop  }
__scs_overlays_trampoline_lowered:
0x8: {  	[smem:$0x3FA4] =	sst s0  }
0x9: {  	[smem:$0x3FA5] =	sst s1  }
0xa: {  	[smem:$0x3FA6] =	sst s2  }
0xb: {  	[smem:$0x3FA7] =	sst s3  }
0xc: {  	[smem:$0x3FA8] =	sst s4  }
0xd: {  	[smem:$0x3FA9] =	sst s5  }
0xe: {  	[smem:$0x3FAA] =	sst s6  }
0xf: {  	[smem:$0x3FAB] =	sst s7  }
0x10: {  	[smem:$0x3FAC] =	sst s8  }
0x11: {  	[smem:$0x3FAD] =	sst s9;
	s0 =	simm.s32 @!p0 $0x0  }
0x12: {  	s1 =	sld [smem:$0x3F93];
	s0 =	simm.s32 @p0 $0x1  }
0x13: {  	[smem:$0x3FAE] =	sst s0;
	s0 =	simm.s32 @!p1 $0x0  }
0x14: {  	s2 =	sld [smem:$0x3F92];
	s0 =	simm.s32 @p1 $0x1  }
0x15: {  	[smem:$0x3FAF] =	sst s0;
	s0 =	simm.s32 @!p2 $0x0  }
0x16: {  	s3 =	sld [smem:$0x3FDB];
	s0 =	simm.s32 @p2 $0x1  }
0x17: {  	s4 =	simm.s32 $0x1BF5;
	[smem:$0x3FB1] =	sst s0  }
0x18: {  	s0 =	sld [smem:$0x3F94];
	_ =	swait.ge [sflag:s4], $0x0  }
0x19: {  	s7 =	sld [smem:$0x3F95]  }
0x1a: {  	s8 =	sadd.s32 $0xFFFFE003, lr  }
0x1b: {  	s9 =	sadd.s32 $0xFFFFFEF7, lr;
	s5 =	simm.s32 $0xFFFFFFFF;
	p2 =	slt.u32 s8, $0xFFFFF086  }
0x1c: {  	p1 =	slt.u32 s9, $0xF7A;
	s5 =	simm.s32 @!p2 $0x0  }
0x1d: {  	s5 =	simm.s32 @p1 $0x1;
	p0 =	seq.s32 s7, s2  }
0x1e: {  	s7 =	smul.u32 @!p0 $0xF7A, s2;
	p2 =	seq.s32 @!p0 s5, $0x0  }
0x1f: {  	s9 =	smul.u32 $0xF7A, s1;
	s8 =	simm.s32 @!p0 $0x1BF5;
	p2 =	por !p2, p0  }
0x20: {  	[sflag:s8] =	ssyncset.s32 @!p0 $0xFFFFF086;
	s6 =	sadd.s32 @!p0 s3, s7;
	s7 =	simm.s32 @!p0 $0x108  }
0x21: {  	s3 =	sadd.s32 s3, s9;
	s6 =	sadd.s32 @!p0 $0x88, s6;
	s7 =	simm.s32 @p2 $0x1082  }
0x22: {  	[simem:s7], [sflag:s8] =	dma.local @!p0 [hbm:s6], $0xF7A  }
0x23: {  	s9 =	sor.u32 $0xD0000000, s2;
	s6 =	simm.s32 $0x108;
	_ =	swait.ge @!p0 [sflag:s8], $0x0  }
0x24: {  	s3 =	sadd.s32 $0x88, s3;
	s6 =	simm.s32 @!p1 $0x1082;
	[sflag:s4] =	ssyncset.s32 $0xFFFFF086  }
0x25: {  	[simem:s6], [sflag:s4] =	dma.local [hbm:s3], $0xF7A  }
0x26: {  	[smem:$0x3F95] =	sst s1;
	(tag) =	ssettag s2;
	_ =	strace s9  }
0x27: {  	s1 =	sld [smem:$0x3FA5]  }
0x28: {  	s2 =	sld [smem:$0x3FA6]  }
0x29: {  	s4 =	sld [smem:$0x3FA8]  }
0x2a: {  	p0 =	seq.s32 s5, $0x0;
	s5 =	sld [smem:$0x3FA9]  }
0x2b: {  	s6 =	sld [smem:$0x3FAA]  }
0x2c: {  	s7 =	sld [smem:$0x3FAB]  }
0x2d: {  	s3 =	simm.s32 $0x108;
	s8 =	sld [smem:$0x3FAC]  }
0x2e: {  	s3 =	simm.s32 @!p0 $0x1082;
	s9 =	sld [smem:$0x3FAD]  }
0x2f: {  	lr =	sadd.s32 s0, s3;
	s0 =	sld [smem:$0x3FA4]  }
0x30: {  	s3 =	sld [smem:$0x3FA7]  }
0x31: {  	[smem:$0x3FB0] =	sst s10  }
0x32: {  	s10 =	sld [smem:$0x3FAE];
	_ =	sdelay $0x3  }
0x33: {  	p0 =	seq.s32 s10, $0x1;
	s10 =	sld [smem:$0x3FB0];
	_ =	sdelay $0x3  }
0x34: {  	[smem:$0x3FB0] =	sst s10  }
0x35: {  	s10 =	sld [smem:$0x3FAF];
	_ =	sdelay $0x3  }
0x36: {  	p1 =	seq.s32 s10, $0x1;
	s10 =	sld [smem:$0x3FB0];
	_ =	sdelay $0x3  }
0x37: {  	[smem:$0x3FB0] =	sst s10  }
0x38: {  	s10 =	sld [smem:$0x3FB1]  }
0x39: {  	_ = 	snop;
	(pc) =	sbr.ind lr, $3  }
0x3a: {  	_ = 	snop  }
0x3b: {  	_ = 	snop  }
0x3c: {  	p2 =	seq.s32 s10, $0x1;
	s10 =	sld [smem:$0x3FB0]  }
0x3d: {  	_ =	shalt  }
0x3e: {  	_ =	shalt  }
0x3f: {  	_ =	shalt  }
0x40: {  	_ =	shalt  }
0x41: {  	_ =	shalt  }
0x42: {  	_ =	shalt  }
0x43: {  	_ =	shalt  }
0x44: {  	_ =	shalt  }
0x45: {  	_ =	shalt  }
0x46: {  	_ =	shalt  }
0x47: {  	_ =	shalt  }
0x48: {  	_ =	shalt  }
0x49: {  	_ =	shalt  }
0x4a: {  	_ =	shalt  }
0x4b: {  	_ =	shalt  }
0x4c: {  	_ =	shalt  }
0x4d: {  	_ =	shalt  }
0x4e: {  	_ =	shalt  }
0x4f: {  	_ =	shalt  }
0x50: {  	_ =	shalt  }
0x51: {  	_ =	shalt  }
0x52: {  	_ =	shalt  }
0x53: {  	_ =	shalt  }
0x54: {  	_ =	shalt  }
0x55: {  	_ =	shalt  }
0x56: {  	_ =	shalt  }
0x57: {  	_ =	shalt  }
0x58: {  	_ =	shalt  }
0x59: {  	_ =	shalt  }
0x5a: {  	_ =	shalt  }
0x5b: {  	_ =	shalt  }
0x5c: {  	_ =	shalt  }
0x5d: {  	_ =	shalt  }
0x5e: {  	_ =	shalt  }
0x5f: {  	_ =	shalt  }
0x60: {  	_ =	shalt  }
0x61: {  	_ =	shalt  }
0x62: {  	_ =	shalt  }
0x63: {  	_ =	shalt  }
0x64: {  	_ =	shalt  }
0x65: {  	_ =	shalt  }
0x66: {  	_ =	shalt  }
0x67: {  	_ =	shalt  }
0x68: {  	_ =	shalt  }
0x69: {  	_ =	shalt  }
0x6a: {  	_ =	shalt  }
0x6b: {  	_ =	shalt  }
0x6c: {  	_ =	shalt  }
0x6d: {  	_ =	shalt  }
0x6e: {  	_ =	shalt  }
0x6f: {  	_ =	shalt  }
0x70: {  	_ =	shalt  }
0x71: {  	_ =	shalt  }
0x72: {  	_ =	shalt  }
0x73: {  	_ =	shalt  }
0x74: {  	_ =	shalt  }
0x75: {  	_ =	shalt  }
0x76: {  	_ =	shalt  }
0x77: {  	_ =	shalt  }
0x78: {  	_ =	shalt  }
0x79: {  	_ =	shalt  }
0x7a: {  	_ =	shalt  }
0x7b: {  	_ =	shalt  }
0x7c: {  	_ =	shalt  }
0x7d: {  	_ =	shalt  }
0x7e: {  	_ =	shalt  }
0x7f: {  	_ =	shalt  }
0x80: {  	_ =	shalt  }
0x81: {  	_ =	shalt  }
0x82: {  	_ =	shalt  }
0x83: {  	_ =	shalt  }
0x84: {  	_ =	shalt  }
0x85: {  	_ =	shalt  }
0x86: {  	_ =	shalt  }
0x87: {  	_ =	shalt  }
.Lfunc_end0:
.L_simem_size_0:
called_computation.1_lowered:
.L_overlay_start_0:
0x88: {  	s2 =	sld [smem:$0x3FD9]  }
0x89: {  	s3 =	sld [smem:$0x3FFE];
	_ =	sdelay $0x1  }
0x8a: {  	s1 =	srdreg.scid  }
0x8b: {  	s0 =	sand.u32 $0x1, s1  }
0x8c: {  	s16 =	sshll.u32 s0, $0xA;
	s2 =	sadd.s32 s3, s2  }
0x8d: {  	s2 =	sadd.s32 s2, s16  }
0x8e: {  	[smem:$0x3FBC] =	sst s2  }
0x8f: {  	_ = 	snop  }
0x90: {  	(tm) =	ssettm $0x1  }
0x91: {  	s17 =	sld [smem:$0x3FFB];
	_ =	sdelay $0x3  }
0x92: {  	_ =	strace s17  }
0x93: {  	s2 =	sld [smem:$0x3FFC];
	_ =	sdelay $0x3  }
0x94: {  	_ =	strace s2  }
0x95: {  	s2 =	sld [smem:$0x3FFD];
	_ =	sdelay $0x3  }
0x96: {  	_ =	strace s2  }
0x97: {  	_ =	strace $0x8FFFFFFF  }
0x98: {  	s18 =	sld [smem:$0x3FDB];
	_ =	sdelay $0x1  }
0x99: {  	s19 =	simm.s32 $_scs_section_size  }
0x9a: {  	s4 =	simm.s32 $_size__tile_overlayer_lowered;
	s5 =	simm.s32 $_tile_overlayer_lowered  }
0x9b: {  	s22 =	simm.s32 $0x1BFF;
	s21 =	sshll.u32 s5, $0x1;
	s2 =	sadd.s32 s19, s18  }
0x9c: {  	s6 =	simm.s32 $0x0;
	s20 =	sshll.u32 s4, $0x1;
	s4 =	sadd.s32 s21, s2  }
0x9d: {  	[timem:s6], [sflag:s22] =	dma.local [hbm:s4], s20  }
0x9e: {  	_ =	swait.ge [sflag:s22], s20  }
0x9f: {  	s3 =	ssub.s32 $0x0, s20;
	[sflag:s22] =	ssyncset.done $0x0  }
0xa0: {  	[sflag:s22] =	ssyncadd.s32 s3;
	_ =	sdelay $0x1  }
0xa1: {  	s23 =	simm.s32 $0x1B8B  }
0xa2: {  	_ =	swait.ge [sflag:s23], $0x1  }
0xa3: {  	[sflag:s23] =	ssyncset.done $0x0  }
0xa4: {  	s25 =	simm.s32 $0x1B8E;
	s24 =	sld [smem:$0x3FFE];
	[sflag:s23] =	ssyncadd.s32 $0xFFFFFFFF  }
0xa5: {  	s26 =	simm.s32 $execute0_lowered;
	[smem:$0x3FD2] =	sst s25  }
0xa6: {  	s4 =	sshll.u32 s26, $0x1;
	_ =	strace $0x80000049;
	[dreg:$0x1] =	wrdreg $0xFFFFFFFF  }
0xa7: {  	s28 =	simm.s32 $_size_execute0_lowered;
	s2 =	sadd.s32 s2, s4;
	[dreg:$0x0] =	wrdreg $0x0  }
0xa8: {  	s4 =	sshll.u32 s28, $0x1;
	[dreg:$0x2] =	wrdreg s2  }
0xa9: {  	[dreg:$0x3] =	wrdreg s4  }
0xaa: {  	[dreg:$0x4] =	wrdreg $0xC0  }
0xab: {  	_ =	task [dreg:s6], $0x5FFFF  }
0xac: {  	[dreg:$0x1] =	wrdreg $0xFFFFFFFF  }
0xad: {  	[dreg:$0x0] =	wrdreg $0x60  }
0xae: {  	[dreg:$0x2] =	wrdreg s24  }
0xaf: {  	[dreg:$0x3] =	wrdreg $0xB8000  }
0xb0: {  	[dreg:$0x4] =	wrdreg $0x9  }
0xb1: {  	_ =	task.clear_ibuf [dreg:s6], $0x5FFFF;
	_ =	strace $0x90000049  }
0xb2: {  	s29 =	simm.s32 $0x9;
	_ =	strace $0x8000004B  }
0xb3: {  	_ =	swait.ge [sflag:s29], $0x1  }
0xb4: {  	[sflag:s29] =	ssyncadd.s32 $0xFFFFFFFF  }
0xb5: {  	_ =	strace $0x9000004B  }
0xb6: {  	_ =	sfence  }
0xb7: {  	s30 =	sld [smem:$0x0];
	_ =	sdelay $0x2  }
0xb8: {  	s31 =	sshll.u32 s1, $0xD;
	s1 =	sshrl.u32 s1, $0x2  }
0xb9: {  	s3 =	sand.u32 $0x4000, s31;
	s1 =	sadd.s32 s1, s30  }
0xba: {  	s0 =	sor.u32 s3, s0;
	s1 =	sshll.u32 s1, $0x11  }
0xbb: {  	s0 =	sor.u32 s1, s0  }
0xbc: {  	s0 =	sadd.s32 $0x8F2B, s0  }
0xbd: {  	[sflag:s0] =	ssyncadd.remote.s32 $0x1  }
0xbe: {  	_ =	sfence.sel $0xFFFF  }
0xbf: {  	[dreg:$0x0] =	wrdreg $0xFFFFFFFF;
	(pc) =	sbr.abs _section_cstart, $3  }
0xc0: {  	[dreg:$0x1] =	wrdreg $0xFFFFFFFF  }
0xc1: {  	_ =	task.clear_ibuf [dreg:s6], $0x2FFFF;
	_ =	strace $0x9FFFFFFF  }
0xc2: {  	(tm) =	ssettm $0x7FFFFFFF  }
0xc3: {  	_ =	shalt  }
tec
execute0_lowered:
.L_overlay_start_1:
0x0: {  	(tag) =	ssettag $0x1  }
0x1: {  	s0 =	rddreg [dreg:$0x0]  }
0x2: {  	s1 =	rddreg [dreg:$0x1]  }
0x3: {  	s3 =	simm.s32 $0x0;
	s2 =	srdreg.scid;
	s12 =	stileid.u32  }
0x4: {  	[smem:$0x7FF] =	sst s3;
	s9 =	smul.u32 $0xA000, s12  }
0x5: {  	s4 =	sand.u32 $0x1, s2;
	s7 =	sadd.s32 $0x3A00, s0;
	s11 =	smul.u32 $0x50000, s12  }
0x6: {  	_ =	strace $0x8000004A;
	s18 =	ssub.s32 $0x2, s4;
	s9 =	sshrl.u32 s9, $0x3  }
0x7: {  	s10 =	sshrl.u32 s18, $0x1;
	s20 =	sshrl.u32 s11, $0x2;
	s19 =	sadd.s32 s7, s9  }
0x8: {  	s10 =	ssub.s32 s18, s10;
	s18 =	sadd.s32 s20, s1;
	[dreg:$0x3] =	wrdreg s19  }
0x9: {  	s21 =	sadd.s32 $0x14000, s19;
	[dreg:$0x5] =	wrdreg s18  }
0xa: {  	s28 =	simm.s32 $0x2;
	s23 =	smax.u32 s10, $0x1;
	[dreg:$0x4] =	wrdreg s21  }
0xb: {  	s29 =	simm.s32 $0x200;
	s24 =	sadd.s32 $0x1000, s18;
	[dreg:$0x7] =	wrdreg s23  }
0xc: {  	s30 =	simm.s32 $0x1500;
	s25 =	sadd.s32 $0x2000, s18;
	[dreg:$0x8] =	wrdreg s24  }
0xd: {  	s31 =	simm.s32 $0x1580;
	s26 =	sadd.s32 $0x3000, s18;
	[dreg:$0x9] =	wrdreg s25  }
0xe: {  	s8 =	smul.u32 $0x14000, s12;
	s9 =	sadd.s32 $0x5000, s18;
	[dreg:$0xa] =	wrdreg s26  }
0xf: {  	s5 =	sadd.s32 $0x2BA00, s0;
	s10 =	sadd.s32 $0x6000, s18;
	[dreg:$0xc] =	wrdreg s9  }
0x10: {  	s6 =	sadd.s32 $0x52C00, s0;
	s11 =	sadd.s32 $0x7000, s18;
	[dreg:$0xd] =	wrdreg s10  }
0x11: {  	s2 =	smul.u32 $0x140000, s4;
	s13 =	sadd.s32 $0x8000, s18;
	[dreg:$0xe] =	wrdreg s11  }
0x12: {  	p0 =	seq.s32 s4, $0x0;
	s14 =	sadd.s32 $0x9000, s18;
	[dreg:$0xf] =	wrdreg s13  }
0x13: {  	s2 =	sadd.s32 s8, s2;
	s15 =	sadd.s32 $0xA000, s18;
	[dreg:$0x10] =	wrdreg s14  }
0x14: {  	s8 =	smul.u32 $0x140, s12;
	s16 =	sadd.s32 $0xB000, s18;
	[dreg:$0x11] =	wrdreg s15  }
0x15: {  	s12 =	sadd.s32 $0x17A00, s0;
	s17 =	sadd.s32 $0xC000, s18;
	[dreg:$0x12] =	wrdreg s16  }
0x16: {  	s2 =	sshrl.u32 s2, $0x3;
	s19 =	sadd.s32 $0xD000, s18;
	[dreg:$0x13] =	wrdreg s17  }
0x17: {  	s20 =	sadd.s32 $0xE000, s18;
	s2 =	sadd.s32 s2, s0;
	[dreg:$0x14] =	wrdreg s19  }
0x18: {  	s24 =	smov.u32 s6;
	[dreg:$0x15] =	wrdreg s20;
	s21 =	sadd.s32 $0xF000, s18  }
0x19: {  	s23 =	sadd.s32 $0x11000, s18;
	s25 =	sadd.s32 $0x12000, s18;
	s26 =	sadd.s32 $0x13000, s18  }
0x1a: {  	s14 =	simm.s32 $0x3;
	s15 =	simm.s32 $0x1400;
	s16 =	simm.s32 $0x40  }
0x1b: {  	s17 =	simm.s32 $0x2800;
	s19 =	simm.s32 $0x4800;
	[dreg:$0x16] =	wrdreg s21  }
0x1c: {  	s9 =	simm.s32 $0x6800;
	s0 =	simm.s32 $0x300;
	[dreg:$0x18] =	wrdreg s23  }
.Ltmp0:
0x1d: {  	s10 =	simm.s32 $0x0;
	[dreg:$0x19] =	wrdreg s25;
	(pc) =	sbr.rel .LBB2_1-.Ltmp0, $4  }
0x1e: {  	s22 =	sadd.s32 $0x79E00, s2;
	s2 =	sadd.s32 $0x4000, s18;
	[dreg:$0x1a] =	wrdreg s26  }
0x1f: {  	s24 =	smov.u32 @p0 s5;
	s23 =	simm.s32 $0x180;
	[dreg:$0x6] =	wrdreg s22  }
0x20: {  	s25 =	simm.s32 $0x8800;
	[dreg:$0xb] =	wrdreg s2;
	s22 =	sadd.s32 $0x10000, s18  }
0x21: {  	v0 =	vimm.f32 $0.0e+00;
	s26 =	simm.s32 $0x1480;
	[dreg:$0x17] =	wrdreg s22;
	s22 =	simm.s32 $0x1  }
.LBB2_11:
0x22: {  	s2 =	stileid.u32;
	[bflag:$0x0] =	sbarrier.arrive $0xFFFF  }
0x23: {  	s2 =	sshll.u32 s2, $0x6;
	s18 =	rddreg [dreg:$0x5]  }
0x24: {  	s11 =	rddreg [dreg:$0x6];
	s2 =	sor.u32 $0x1C03, s2;
	s10 =	sshrl.u32 s18, $0x3  }
0x25: {  	[hbm:s11], [sflag:s2] =	dma.local [spmem:s10], $0x2800  }
0x26: {  	_ =	swait.ge [sflag:s14], $0x2800  }
0x27: {  	s20 =	rddreg [dreg:$0x1b]  }
0x28: {  	s21 =	rddreg [dreg:$0x7];
	s10 =	sadd.s32 $0x1, s20  }
0x29: {  	p1 =	sne.s32 s10, s21  }
.Ltmp1:
0x2a: {  	_ = 	snop;
	(pc) =	sbr.rel @!p1 .LBB2_12-.Ltmp1, $3  }
0x2b: {  	_ =	sdelay $0x1  }
0x2c: {  	[sflag:s14] =	ssyncset.done $0x0  }
0x2d: {  	[sflag:s14] =	ssyncadd.s32 $0xFFFFD800  }
.LBB2_1:
0x2e: {  	[dreg:$0x1b] =	wrdreg s10  }
0x2f: {  	s2 =	rddreg [dreg:$0x3]  }
0x30: {  	[tilespmem:s3], [sflag:$0x3] =	stream.linear.gather [hbm4b:s2+s3], $0x1400, $0x38;
	[tilespmem:$0x1F800] =	vst v63  }
0x31: {  	_ =	swait.ge [sflag:s14], $0x1400  }
0x32: {  	[sflag:s14] =	ssyncset.done $0x0  }
0x33: {  	s11 =	rddreg [dreg:$0x4];
	[sflag:s14] =	ssyncadd.s32 $0xFFFFEC00  }
0x34: {  	[tilespmem:s15], [sflag:$0x3] =	stream.linear.gather [hbm4b:s11+s3], $0x1400, $0x38;
	[tilespmem:$0x1F800] =	vst v63  }
0x35: {  	_ =	swait.ge [sflag:s14], $0x1400  }
0x36: {  	[sflag:s14] =	ssyncset.done $0x0  }
0x37: {  	[sflag:s14] =	ssyncadd.s32 $0xFFFFEC00  }
0x38: {  	[tilespmem:s17], [sflag:$0x1] =	stream.indirect.gather [hbm4b:s24+s16], $0x80, s3, s16, $0xb8;
	[tilespmem:$0x1F800] =	vst v63  }
0x39: {  	s13 =	simm.s32 $0x80;
	s21 =	sand.u32 $0x3E00, s3  }
0x3a: {  	[tilespmem:s19], [sflag:$0x1] =	stream.indirect.gather [hbm4b:s24+s16], $0x80, s13, s16, $0xb8;
	[tilespmem:$0x1F800] =	vst v63  }
0x3b: {  	s20 =	simm.s32 $0x100;
	s11 =	sand.u32 $0x70, s3;
	s13 =	sshrl.u32 s21, $0x2  }
0x3c: {  	s10 =	simm.s32 $0x40;
	s13 =	sor.u32 s11, s13;
	s11 =	simm.s32 $0x0  }
0x3d: {  	[tilespmem:s9], [sflag:$0x1] =	stream.indirect.gather [hbm4b:s24+s16], $0x80, s20, s16, $0xb8;
	[tilespmem:$0x1F800] =	vst v63  }
.LBB2_2:
0x3e: {  	p1 =	sne.s32 s10, $0x3FC0  }
0x3f: {  	[tilespmem:s13+$0xA800] =	vst v0;
	s11 =	sadd.s32 $0x10, s11;
	s13 =	smov.u32 s10;
	s10 =	sadd.s32 $0x40, s10  }
.Ltmp2:
0x40: {  	(pc) =	sbr.rel @p1 .LBB2_2-.Ltmp2, $4  }
0x41: {  	_ = 	snop  }
0x42: {  	s13 =	sand.u32 $0x3E00, s13  }
0x43: {  	s2 =	sand.u32 $0x70, s11;
	s13 =	sshrl.u32 s13, $0x2  }
0x44: {  	s13 =	sor.u32 s2, s13  }
0x45: {  	[tilespmem:s13+$0xA800] =	vst v0;
	s10 =	simm.s32 $0xA800  }
0x46: {  	[spmem:s18] =	stream.linear.scatter [tilespmem:s10], [sflag:$0x3], $0x1000, $0x38;
	[tilespmem:$0x1F800] =	vst v63  }
0x47: {  	_ =	swait.ge [sflag:s14], $0x1000  }
0x48: {  	[sflag:s14] =	ssyncset.done $0x0  }
0x49: {  	s2 =	rddreg [dreg:$0x8];
	[sflag:s14] =	ssyncadd.s32 $0xFFFFF000  }
0x4a: {  	[spmem:s2] =	stream.linear.scatter [tilespmem:s10], [sflag:$0x3], $0x1000, $0x38;
	[tilespmem:$0x1F800] =	vst v63  }
0x4b: {  	_ =	swait.ge [sflag:s14], $0x1000  }
0x4c: {  	[sflag:s14] =	ssyncset.done $0x0  }
0x4d: {  	s18 =	rddreg [dreg:$0x9];
	[sflag:s14] =	ssyncadd.s32 $0xFFFFF000  }
0x4e: {  	[spmem:s18] =	stream.linear.scatter [tilespmem:s10], [sflag:$0x3], $0x1000, $0x38;
	[tilespmem:$0x1F800] =	vst v63  }
0x4f: {  	_ =	swait.ge [sflag:s14], $0x1000  }
0x50: {  	[sflag:s14] =	ssyncset.done $0x0  }
0x51: {  	s20 =	rddreg [dreg:$0xa];
	[sflag:s14] =	ssyncadd.s32 $0xFFFFF000  }
0x52: {  	[spmem:s20] =	stream.linear.scatter [tilespmem:s10], [sflag:$0x3], $0x1000, $0x38;
	[tilespmem:$0x1F800] =	vst v63  }
0x53: {  	_ =	swait.ge [sflag:s14], $0x1000  }
0x54: {  	[sflag:s14] =	ssyncset.done $0x0  }
0x55: {  	s21 =	rddreg [dreg:$0xb];
	[sflag:s14] =	ssyncadd.s32 $0xFFFFF000  }
0x56: {  	[spmem:s21] =	stream.linear.scatter [tilespmem:s10], [sflag:$0x3], $0x1000, $0x38;
	[tilespmem:$0x1F800] =	vst v63  }
0x57: {  	_ =	swait.ge [sflag:s14], $0x1000  }
0x58: {  	[sflag:s14] =	ssyncset.done $0x0  }
0x59: {  	s11 =	rddreg [dreg:$0xc];
	[sflag:s14] =	ssyncadd.s32 $0xFFFFF000  }
0x5a: {  	[spmem:s11] =	stream.linear.scatter [tilespmem:s10], [sflag:$0x3], $0x1000, $0x38;
	[tilespmem:$0x1F800] =	vst v63  }
0x5b: {  	_ =	swait.ge [sflag:s14], $0x1000  }
0x5c: {  	[sflag:s14] =	ssyncset.done $0x0  }
0x5d: {  	s13 =	rddreg [dreg:$0xd];
	[sflag:s14] =	ssyncadd.s32 $0xFFFFF000  }
0x5e: {  	[spmem:s13] =	stream.linear.scatter [tilespmem:s10], [sflag:$0x3], $0x1000, $0x38;
	[tilespmem:$0x1F800] =	vst v63  }
0x5f: {  	_ =	swait.ge [sflag:s14], $0x1000  }
0x60: {  	[sflag:s14] =	ssyncset.done $0x0  }
0x61: {  	s18 =	rddreg [dreg:$0xe];
	[sflag:s14] =	ssyncadd.s32 $0xFFFFF000  }
0x62: {  	[spmem:s18] =	stream.linear.scatter [tilespmem:s10], [sflag:$0x3], $0x1000, $0x38;
	[tilespmem:$0x1F800] =	vst v63  }
0x63: {  	_ =	swait.ge [sflag:s14], $0x1000  }
0x64: {  	[sflag:s14] =	ssyncset.done $0x0  }
0x65: {  	s20 =	rddreg [dreg:$0xf];
	[sflag:s14] =	ssyncadd.s32 $0xFFFFF000  }
0x66: {  	[spmem:s20] =	stream.linear.scatter [tilespmem:s10], [sflag:$0x3], $0x1000, $0x38;
	[tilespmem:$0x1F800] =	vst v63  }
0x67: {  	_ =	swait.ge [sflag:s14], $0x1000  }
0x68: {  	[sflag:s14] =	ssyncset.done $0x0  }
0x69: {  	s21 =	rddreg [dreg:$0x10];
	[sflag:s14] =	ssyncadd.s32 $0xFFFFF000  }
0x6a: {  	[spmem:s21] =	stream.linear.scatter [tilespmem:s10], [sflag:$0x3], $0x1000, $0x38;
	[tilespmem:$0x1F800] =	vst v63  }
0x6b: {  	_ =	swait.ge [sflag:s14], $0x1000  }
0x6c: {  	[sflag:s14] =	ssyncset.done $0x0  }
0x6d: {  	s11 =	rddreg [dreg:$0x11];
	[sflag:s14] =	ssyncadd.s32 $0xFFFFF000  }
0x6e: {  	[spmem:s11] =	stream.linear.scatter [tilespmem:s10], [sflag:$0x3], $0x1000, $0x38;
	[tilespmem:$0x1F800] =	vst v63  }
0x6f: {  	_ =	swait.ge [sflag:s14], $0x1000  }
0x70: {  	[sflag:s14] =	ssyncset.done $0x0  }
0x71: {  	s13 =	rddreg [dreg:$0x12];
	[sflag:s14] =	ssyncadd.s32 $0xFFFFF000  }
0x72: {  	[spmem:s13] =	stream.linear.scatter [tilespmem:s10], [sflag:$0x3], $0x1000, $0x38;
	[tilespmem:$0x1F800] =	vst v63  }
0x73: {  	_ =	swait.ge [sflag:s14], $0x1000  }
0x74: {  	[sflag:s14] =	ssyncset.done $0x0  }
0x75: {  	s18 =	rddreg [dreg:$0x13];
	[sflag:s14] =	ssyncadd.s32 $0xFFFFF000  }
0x76: {  	[spmem:s18] =	stream.linear.scatter [tilespmem:s10], [sflag:$0x3], $0x1000, $0x38;
	[tilespmem:$0x1F800] =	vst v63  }
0x77: {  	_ =	swait.ge [sflag:s14], $0x1000  }
0x78: {  	[sflag:s14] =	ssyncset.done $0x0  }
0x79: {  	s20 =	rddreg [dreg:$0x14];
	[sflag:s14] =	ssyncadd.s32 $0xFFFFF000  }
0x7a: {  	[spmem:s20] =	stream.linear.scatter [tilespmem:s10], [sflag:$0x3], $0x1000, $0x38;
	[tilespmem:$0x1F800] =	vst v63  }
0x7b: {  	_ =	swait.ge [sflag:s14], $0x1000  }
0x7c: {  	[sflag:s14] =	ssyncset.done $0x0  }
0x7d: {  	s21 =	rddreg [dreg:$0x15];
	[sflag:s14] =	ssyncadd.s32 $0xFFFFF000  }
0x7e: {  	[spmem:s21] =	stream.linear.scatter [tilespmem:s10], [sflag:$0x3], $0x1000, $0x38;
	[tilespmem:$0x1F800] =	vst v63  }
0x7f: {  	_ =	swait.ge [sflag:s14], $0x1000  }
0x80: {  	[sflag:s14] =	ssyncset.done $0x0  }
0x81: {  	s11 =	rddreg [dreg:$0x16];
	[sflag:s14] =	ssyncadd.s32 $0xFFFFF000  }
0x82: {  	[spmem:s11] =	stream.linear.scatter [tilespmem:s10], [sflag:$0x3], $0x1000, $0x38;
	[tilespmem:$0x1F800] =	vst v63  }
0x83: {  	_ =	swait.ge [sflag:s14], $0x1000  }
0x84: {  	[sflag:s14] =	ssyncset.done $0x0  }
0x85: {  	s13 =	rddreg [dreg:$0x17];
	[sflag:s14] =	ssyncadd.s32 $0xFFFFF000  }
0x86: {  	[spmem:s13] =	stream.linear.scatter [tilespmem:s10], [sflag:$0x3], $0x1000, $0x38;
	[tilespmem:$0x1F800] =	vst v63  }
0x87: {  	_ =	swait.ge [sflag:s14], $0x1000  }
0x88: {  	[sflag:s14] =	ssyncset.done $0x0  }
0x89: {  	s18 =	rddreg [dreg:$0x18];
	[sflag:s14] =	ssyncadd.s32 $0xFFFFF000  }
0x8a: {  	[spmem:s18] =	stream.linear.scatter [tilespmem:s10], [sflag:$0x3], $0x1000, $0x38;
	[tilespmem:$0x1F800] =	vst v63  }
0x8b: {  	_ =	swait.ge [sflag:s14], $0x1000  }
0x8c: {  	[sflag:s14] =	ssyncset.done $0x0  }
0x8d: {  	s20 =	rddreg [dreg:$0x19];
	[sflag:s14] =	ssyncadd.s32 $0xFFFFF000  }
0x8e: {  	[spmem:s20] =	stream.linear.scatter [tilespmem:s10], [sflag:$0x3], $0x1000, $0x38;
	[tilespmem:$0x1F800] =	vst v63  }
0x8f: {  	_ =	swait.ge [sflag:s14], $0x1000  }
0x90: {  	[sflag:s14] =	ssyncset.done $0x0  }
0x91: {  	s21 =	rddreg [dreg:$0x1a];
	[sflag:s14] =	ssyncadd.s32 $0xFFFFF000  }
0x92: {  	[spmem:s21] =	stream.linear.scatter [tilespmem:s10], [sflag:$0x3], $0x1000, $0x38;
	[tilespmem:$0x1F800] =	vst v63  }
0x93: {  	_ =	swait.ge [sflag:s14], $0x1000  }
0x94: {  	[sflag:s14] =	ssyncset.done $0x0  }
0x95: {  	[sflag:s14] =	ssyncadd.s32 $0xFFFFF000  }
0x96: {  	[bflag:$0x0] =	sbarrier.arrive $0xFFFF  }
0x97: {  	_ =	swait.ge [sflag:s22], $0x2000  }
0x98: {  	[sflag:s22] =	ssyncset.done $0x0  }
0x99: {  	[sflag:s22] =	ssyncadd.s32 $0xFFFFE000  }
0x9a: {  	[spmem:s1] =	stream.indirect.scatter.add.f32 [tilespmem:s17], [sflag:$0x2], $0x80, s15, s16, $0xb8;
	[tilespmem:$0x1F800] =	vst v63  }
0x9b: {  	_ = 	snop  }
0x9c: {  	[tilespmem:s25], [sflag:$0x1] =	stream.indirect.gather [hbm4b:s24+s16], $0x80, s23, s16, $0xb8;
	[tilespmem:$0x1F800] =	vst v63  }
0x9d: {  	_ =	swait.ge [sflag:s22], $0x2000  }
0x9e: {  	[sflag:s22] =	ssyncset.done $0x0  }
0x9f: {  	[sflag:s22] =	ssyncadd.s32 $0xFFFFE000  }
0xa0: {  	[spmem:s1] =	stream.indirect.scatter.add.f32 [tilespmem:s19], [sflag:$0x2], $0x80, s26, s16, $0xb8;
	[tilespmem:$0x1F800] =	vst v63  }
0xa1: {  	_ =	swait.ge [sflag:s28], $0x2000  }
0xa2: {  	[sflag:s28] =	ssyncset.done $0x0  }
0xa3: {  	[sflag:s28] =	ssyncadd.s32 $0xFFFFE000  }
0xa4: {  	[tilespmem:s17], [sflag:$0x1] =	stream.indirect.gather [hbm4b:s24+s16], $0x80, s29, s16, $0xb8;
	[tilespmem:$0x1F800] =	vst v63  }
0xa5: {  	_ =	swait.ge [sflag:s22], $0x2000  }
0xa6: {  	[sflag:s22] =	ssyncset.done $0x0  }
0xa7: {  	[sflag:s22] =	ssyncadd.s32 $0xFFFFE000  }
0xa8: {  	[spmem:s1] =	stream.indirect.scatter.add.f32 [tilespmem:s9], [sflag:$0x2], $0x80, s30, s16, $0xb8;
	[tilespmem:$0x1F800] =	vst v63  }
0xa9: {  	_ =	swait.ge [sflag:s28], $0x2000  }
0xaa: {  	s2 =	simm.s32 @p0 $0x40;
	[sflag:s28] =	ssyncset.done $0x0  }
0xab: {  	s11 =	simm.s32 @p0 $0x4800;
	s10 =	simm.s32 @p0 $0x280;
	[sflag:s28] =	ssyncadd.s32 $0xFFFFE000  }
0xac: {  	[tilespmem:s11], [sflag:$0x1] =	stream.indirect.gather @p0 [hbm4b:s5+s2], $0x80, s10, s2, $0xb8;
	[tilespmem:$0x1F800] =	vst v63  }
0xad: {  	s2 =	simm.s32 @!p0 $0x40;
	s10 =	simm.s32 @!p0 $0x280;
	s11 =	simm.s32 @!p0 $0x4800  }
0xae: {  	[tilespmem:s11], [sflag:$0x1] =	stream.indirect.gather @!p0 [hbm4b:s6+s2], $0x80, s10, s2, $0xb8;
	[tilespmem:$0x1F800] =	vst v63  }
0xaf: {  	_ =	swait.ge [sflag:s22], $0x2000  }
0xb0: {  	[sflag:s22] =	ssyncset.done $0x0  }
0xb1: {  	[sflag:s22] =	ssyncadd.s32 $0xFFFFE000  }
0xb2: {  	[spmem:s1] =	stream.indirect.scatter.add.f32 [tilespmem:s25], [sflag:$0x2], $0x80, s31, s16, $0xb8;
	[tilespmem:$0x1F800] =	vst v63  }
0xb3: {  	_ =	swait.ge [sflag:s28], $0x2000  }
0xb4: {  	[sflag:s28] =	ssyncset.done $0x0  }
0xb5: {  	s10 =	simm.s32 $0x0;
	[sflag:s28] =	ssyncadd.s32 $0xFFFFE000  }
0xb6: {  	[tilespmem:s9], [sflag:$0x1] =	stream.indirect.gather [hbm4b:s24+s16], $0x80, s0, s16, $0xb8;
	[tilespmem:$0x1F800] =	vst v63  }
.LBB2_4:
0xb7: {  	_ =	swait.ge [sflag:s22], $0x2000  }
0xb8: {  	s13 =	sshra.s32 s10, $0x2;
	[sflag:s22] =	ssyncset.done $0x0  }
0xb9: {  	s2 =	sadd.s32 $0x1600, s13;
	[sflag:s22] =	ssyncadd.s32 $0xFFFFE000  }
0xba: {  	[spmem:s1] =	stream.indirect.scatter.add.f32 [tilespmem:s17], [sflag:$0x2], $0x80, s2, s16, $0xb8;
	[tilespmem:$0x1F800] =	vst v63  }
0xbb: {  	_ =	swait.ge [sflag:s28], $0x2000  }
0xbc: {  	[sflag:s28] =	ssyncset.done $0x0  }
0xbd: {  	s18 =	sadd.s32 $0x380, s13;
	[sflag:s28] =	ssyncadd.s32 $0xFFFFE000  }
0xbe: {  	[tilespmem:s25], [sflag:$0x1] =	stream.indirect.gather [hbm4b:s24+s16], $0x80, s18, s16, $0xb8;
	[tilespmem:$0x1F800] =	vst v63  }
0xbf: {  	_ =	swait.ge [sflag:s22], $0x2000  }
0xc0: {  	[sflag:s22] =	ssyncset.done $0x0  }
0xc1: {  	s20 =	sadd.s32 $0x1680, s13;
	[sflag:s22] =	ssyncadd.s32 $0xFFFFE000  }
0xc2: {  	[spmem:s1] =	stream.indirect.scatter.add.f32 [tilespmem:s19], [sflag:$0x2], $0x80, s20, s16, $0xb8;
	[tilespmem:$0x1F800] =	vst v63  }
0xc3: {  	_ =	swait.ge [sflag:s28], $0x2000  }
0xc4: {  	p1 =	seq.s32 s10, $0x4000;
	[sflag:s28] =	ssyncset.done $0x0  }
0xc5: {  	s2 =	simm.s32 @p1 $0x1;
	[sflag:s28] =	ssyncadd.s32 $0xFFFFE000  }
0xc6: {  	_ =	swait.ge @p1 [sflag:s2], $0x2000  }
0xc7: {  	[sflag:s2] =	ssyncset.done @p1 $0x0  }
0xc8: {  	[sflag:s2] =	ssyncadd.s32 @p1 $0xFFFFE000;
	s2 =	sshra.s32 @p1 s10, $0x2  }
0xc9: {  	s11 =	simm.s32 @p1 $0x40;
	s21 =	simm.s32 @p1 $0x6800;
	s2 =	sadd.s32 @p1 $0x1700, s2  }
0xca: {  	[spmem:s1] =	stream.indirect.scatter.add.f32 @p1 [tilespmem:s21], [sflag:$0x2], $0x80, s2, s11, $0xb8;
	[tilespmem:$0x1F800] =	vst v63  }
0xcb: {  	s2 =	simm.s32 @p1 $0x2  }
0xcc: {  	_ =	swait.ge @p1 [sflag:s2], $0x2000  }
0xcd: {  	[sflag:s2] =	ssyncset.done @p1 $0x0  }
0xce: {  	[sflag:s2] =	ssyncadd.s32 @p1 $0xFFFFE000;
	s2 =	sshra.s32 @!p1 s10, $0x2  }
0xcf: {  	s18 =	simm.s32 @!p1 $0x2800;
	s21 =	simm.s32 @!p1 $0x40;
	s11 =	sadd.s32 @!p1 $0x400, s2  }
0xd0: {  	[tilespmem:s18], [sflag:$0x1] =	stream.indirect.gather @!p1 [hbm4b:s24+s21], $0x80, s11, s21, $0xb8;
	[tilespmem:$0x1F800] =	vst v63  }
0xd1: {  	s11 =	simm.s32 @!p1 $0x1  }
0xd2: {  	_ =	swait.ge @!p1 [sflag:s11], $0x2000  }
0xd3: {  	[sflag:s11] =	ssyncset.done @!p1 $0x0  }
0xd4: {  	s18 =	simm.s32 @!p1 $0x6800;
	[sflag:s11] =	ssyncadd.s32 @!p1 $0xFFFFE000;
	s11 =	sadd.s32 @!p1 $0x1700, s2  }
0xd5: {  	[spmem:s1] =	stream.indirect.scatter.add.f32 @!p1 [tilespmem:s18], [sflag:$0x2], $0x80, s11, s21, $0xb8;
	[tilespmem:$0x1F800] =	vst v63  }
0xd6: {  	p2 =	sne.s32 @!p1 s4, $0x0;
	s11 =	simm.s32 @!p1 $0x2  }
0xd7: {  	p3 =	por !p2, p1;
	_ =	swait.ge @!p1 [sflag:s11], $0x2000  }
0xd8: {  	p2 =	por p2, p1;
	s2 =	sadd.s32 @!p1 $0x480, s2;
	[sflag:s11] =	ssyncset.done @!p1 $0x0  }
0xd9: {  	s18 =	simm.s32 @!p3 $0x4800;
	[sflag:s11] =	ssyncadd.s32 @!p1 $0xFFFFE000;
	s11 =	simm.s32 @!p3 $0x40  }
0xda: {  	[tilespmem:s18], [sflag:$0x1] =	stream.indirect.gather @!p3 [hbm4b:s6+s11], $0x80, s2, s11, $0xb8;
	[tilespmem:$0x1F800] =	vst v63  }
0xdb: {  	s11 =	simm.s32 @!p2 $0x40;
	s18 =	simm.s32 @!p2 $0x4800  }
0xdc: {  	[tilespmem:s18], [sflag:$0x1] =	stream.indirect.gather @!p2 [hbm4b:s5+s11], $0x80, s2, s11, $0xb8;
	[tilespmem:$0x1F800] =	vst v63  }
0xdd: {  	_ =	swait.ge [sflag:s22], $0x2000  }
0xde: {  	[sflag:s22] =	ssyncset.done $0x0  }
.Ltmp3:
0xdf: {  	s21 =	sadd.s32 $0x1780, s13;
	[sflag:s22] =	ssyncadd.s32 $0xFFFFE000;
	(pc) =	sbr.rel @p1 .LBB2_6-.Ltmp3, $4  }
0xe0: {  	[spmem:s1] =	stream.indirect.scatter.add.f32 [tilespmem:s25], [sflag:$0x2], $0x80, s21, s16, $0xb8;
	[tilespmem:$0x1F800] =	vst v63  }
0xe1: {  	_ =	swait.ge [sflag:s28], $0x2000  }
0xe2: {  	[sflag:s28] =	ssyncset.done $0x0  }
0xe3: {  	[sflag:s28] =	ssyncadd.s32 $0xFFFFE000  }
.Ltmp4:
0xe4: {  	(pc) =	sbr.rel .LBB2_4-.Ltmp4, $3  }
0xe5: {  	_ =	sdelay $0x1  }
0xe6: {  	s2 =	sadd.s32 $0x500, s13;
	s10 =	sadd.s32 $0x800, s10  }
0xe7: {  	[tilespmem:s9], [sflag:$0x1] =	stream.indirect.gather [hbm4b:s24+s16], $0x80, s2, s16, $0xb8;
	[tilespmem:$0x1F800] =	vst v63  }
.LBB2_6:
.Ltmp5:
0xe8: {  	(pc) =	sbr.rel .LBB2_7-.Ltmp5, $4  }
0xe9: {  	_ = 	snop  }
0xea: {  	_ =	swait.ge [sflag:s28], $0x2000  }
0xeb: {  	[sflag:s28] =	ssyncset.done $0x0  }
0xec: {  	s10 =	simm.s32 $0x1;
	[sflag:s28] =	ssyncadd.s32 $0xFFFFE000  }
.LBB2_10:
0xed: {  	s10 =	sadd.s32 $0x1, s10  }
0xee: {  	p1 =	sne.s32 s10, $0x8  }
.Ltmp6:
0xef: {  	_ = 	snop;
	(pc) =	sbr.rel @!p1 .LBB2_11-.Ltmp6, $4  }
0xf0: {  	_ = 	snop  }
0xf1: {  	_ =	swait.ge [sflag:s28], $0x2000  }
0xf2: {  	[sflag:s28] =	ssyncset.done $0x0  }
0xf3: {  	[sflag:s28] =	ssyncadd.s32 $0xFFFFE000  }
.LBB2_7:
0xf4: {  	s2 =	smul.u32 $0x28, s10;
	_ =	sdelay $0x1  }
0xf5: {  	s2 =	sadd.s32 s8, s2  }
0xf6: {  	s2 =	sshll.u32 s2, $0x4  }
0xf7: {  	s11 =	sadd.s32 s7, s2  }
0xf8: {  	[tilespmem:s3], [sflag:$0x3] =	stream.linear.gather [hbm4b:s11+s3], $0x1400, $0x38;
	[tilespmem:$0x1F800] =	vst v63  }
0xf9: {  	_ =	swait.ge [sflag:s14], $0x1400  }
0xfa: {  	[sflag:s14] =	ssyncset.done $0x0  }
0xfb: {  	s2 =	sadd.s32 s2, s12;
	[sflag:s14] =	ssyncadd.s32 $0xFFFFEC00  }
0xfc: {  	[tilespmem:s15], [sflag:$0x3] =	stream.linear.gather [hbm4b:s2+s3], $0x1400, $0x38;
	[tilespmem:$0x1F800] =	vst v63  }
0xfd: {  	_ =	swait.ge [sflag:s14], $0x1400  }
0xfe: {  	[sflag:s14] =	ssyncset.done $0x0  }
0xff: {  	[sflag:s14] =	ssyncadd.s32 $0xFFFFEC00  }
0x100: {  	[tilespmem:s17], [sflag:$0x1] =	stream.indirect.gather [hbm4b:s24+s16], $0x80, s3, s16, $0xb8;
	[tilespmem:$0x1F800] =	vst v63  }
0x101: {  	s20 =	simm.s32 $0x80  }
0x102: {  	[tilespmem:s19], [sflag:$0x1] =	stream.indirect.gather [hbm4b:s24+s16], $0x80, s20, s16, $0xb8;
	[tilespmem:$0x1F800] =	vst v63  }
0x103: {  	s21 =	simm.s32 $0x100  }
0x104: {  	[tilespmem:s9], [sflag:$0x1] =	stream.indirect.gather [hbm4b:s24+s16], $0x80, s21, s16, $0xb8;
	[tilespmem:$0x1F800] =	vst v63  }
0x105: {  	_ =	swait.ge [sflag:s22], $0x2000  }
0x106: {  	[sflag:s22] =	ssyncset.done $0x0  }
0x107: {  	[sflag:s22] =	ssyncadd.s32 $0xFFFFE000  }
0x108: {  	[spmem:s1] =	stream.indirect.scatter.add.f32 [tilespmem:s17], [sflag:$0x2], $0x80, s15, s16, $0xb8;
	[tilespmem:$0x1F800] =	vst v63  }
0x109: {  	_ = 	snop  }
0x10a: {  	[tilespmem:s25], [sflag:$0x1] =	stream.indirect.gather [hbm4b:s24+s16], $0x80, s23, s16, $0xb8;
	[tilespmem:$0x1F800] =	vst v63  }
0x10b: {  	_ =	swait.ge [sflag:s22], $0x2000  }
0x10c: {  	[sflag:s22] =	ssyncset.done $0x0  }
0x10d: {  	[sflag:s22] =	ssyncadd.s32 $0xFFFFE000  }
0x10e: {  	[spmem:s1] =	stream.indirect.scatter.add.f32 [tilespmem:s19], [sflag:$0x2], $0x80, s26, s16, $0xb8;
	[tilespmem:$0x1F800] =	vst v63  }
0x10f: {  	_ =	swait.ge [sflag:s28], $0x2000  }
0x110: {  	[sflag:s28] =	ssyncset.done $0x0  }
0x111: {  	[sflag:s28] =	ssyncadd.s32 $0xFFFFE000  }
0x112: {  	[tilespmem:s17], [sflag:$0x1] =	stream.indirect.gather [hbm4b:s24+s16], $0x80, s29, s16, $0xb8;
	[tilespmem:$0x1F800] =	vst v63  }
0x113: {  	_ =	swait.ge [sflag:s22], $0x2000  }
0x114: {  	[sflag:s22] =	ssyncset.done $0x0  }
0x115: {  	[sflag:s22] =	ssyncadd.s32 $0xFFFFE000  }
0x116: {  	[spmem:s1] =	stream.indirect.scatter.add.f32 [tilespmem:s9], [sflag:$0x2], $0x80, s30, s16, $0xb8;
	[tilespmem:$0x1F800] =	vst v63  }
0x117: {  	_ =	swait.ge [sflag:s28], $0x2000  }
0x118: {  	s13 =	simm.s32 @p0 $0x4800;
	[sflag:s28] =	ssyncset.done $0x0  }
0x119: {  	s11 =	simm.s32 @p0 $0x280;
	s2 =	simm.s32 @p0 $0x40;
	[sflag:s28] =	ssyncadd.s32 $0xFFFFE000  }
0x11a: {  	[tilespmem:s13], [sflag:$0x1] =	stream.indirect.gather @p0 [hbm4b:s5+s2], $0x80, s11, s2, $0xb8;
	[tilespmem:$0x1F800] =	vst v63  }
0x11b: {  	s2 =	simm.s32 @!p0 $0x40;
	s11 =	simm.s32 @!p0 $0x280;
	s13 =	simm.s32 @!p0 $0x4800  }
0x11c: {  	[tilespmem:s13], [sflag:$0x1] =	stream.indirect.gather @!p0 [hbm4b:s6+s2], $0x80, s11, s2, $0xb8;
	[tilespmem:$0x1F800] =	vst v63  }
0x11d: {  	_ =	swait.ge [sflag:s22], $0x2000  }
0x11e: {  	[sflag:s22] =	ssyncset.done $0x0  }
0x11f: {  	[sflag:s22] =	ssyncadd.s32 $0xFFFFE000  }
0x120: {  	[spmem:s1] =	stream.indirect.scatter.add.f32 [tilespmem:s25], [sflag:$0x2], $0x80, s31, s16, $0xb8;
	[tilespmem:$0x1F800] =	vst v63  }
0x121: {  	_ =	swait.ge [sflag:s28], $0x2000  }
0x122: {  	[sflag:s28] =	ssyncset.done $0x0  }
0x123: {  	s13 =	simm.s32 $0x0;
	[sflag:s28] =	ssyncadd.s32 $0xFFFFE000  }
0x124: {  	[tilespmem:s9], [sflag:$0x1] =	stream.indirect.gather [hbm4b:s24+s16], $0x80, s0, s16, $0xb8;
	[tilespmem:$0x1F800] =	vst v63  }
.LBB2_8:
0x125: {  	_ =	swait.ge [sflag:s22], $0x2000  }
0x126: {  	s11 =	sshra.s32 s13, $0x2;
	[sflag:s22] =	ssyncset.done $0x0  }
0x127: {  	s2 =	sadd.s32 $0x1600, s11;
	[sflag:s22] =	ssyncadd.s32 $0xFFFFE000  }
0x128: {  	[spmem:s1] =	stream.indirect.scatter.add.f32 [tilespmem:s17], [sflag:$0x2], $0x80, s2, s16, $0xb8;
	[tilespmem:$0x1F800] =	vst v63  }
0x129: {  	_ =	swait.ge [sflag:s28], $0x2000  }
0x12a: {  	[sflag:s28] =	ssyncset.done $0x0  }
0x12b: {  	s18 =	sadd.s32 $0x380, s11;
	[sflag:s28] =	ssyncadd.s32 $0xFFFFE000  }
0x12c: {  	[tilespmem:s25], [sflag:$0x1] =	stream.indirect.gather [hbm4b:s24+s16], $0x80, s18, s16, $0xb8;
	[tilespmem:$0x1F800] =	vst v63  }
0x12d: {  	_ =	swait.ge [sflag:s22], $0x2000  }
0x12e: {  	[sflag:s22] =	ssyncset.done $0x0  }
0x12f: {  	s20 =	sadd.s32 $0x1680, s11;
	[sflag:s22] =	ssyncadd.s32 $0xFFFFE000  }
0x130: {  	[spmem:s1] =	stream.indirect.scatter.add.f32 [tilespmem:s19], [sflag:$0x2], $0x80, s20, s16, $0xb8;
	[tilespmem:$0x1F800] =	vst v63  }
0x131: {  	_ =	swait.ge [sflag:s28], $0x2000  }
0x132: {  	p1 =	seq.s32 s13, $0x4000;
	[sflag:s28] =	ssyncset.done $0x0  }
0x133: {  	s2 =	simm.s32 @p1 $0x1;
	[sflag:s28] =	ssyncadd.s32 $0xFFFFE000  }
0x134: {  	_ =	swait.ge @p1 [sflag:s2], $0x2000  }
0x135: {  	[sflag:s2] =	ssyncset.done @p1 $0x0  }
0x136: {  	[sflag:s2] =	ssyncadd.s32 @p1 $0xFFFFE000;
	s2 =	sshra.s32 @p1 s13, $0x2  }
0x137: {  	s21 =	simm.s32 @p1 $0x6800;
	s18 =	simm.s32 @p1 $0x40;
	s2 =	sadd.s32 @p1 $0x1700, s2  }
0x138: {  	[spmem:s1] =	stream.indirect.scatter.add.f32 @p1 [tilespmem:s21], [sflag:$0x2], $0x80, s2, s18, $0xb8;
	[tilespmem:$0x1F800] =	vst v63  }
0x139: {  	s2 =	simm.s32 @p1 $0x2  }
0x13a: {  	_ =	swait.ge @p1 [sflag:s2], $0x2000  }
0x13b: {  	[sflag:s2] =	ssyncset.done @p1 $0x0  }
0x13c: {  	[sflag:s2] =	ssyncadd.s32 @p1 $0xFFFFE000;
	s2 =	sshra.s32 @!p1 s13, $0x2  }
0x13d: {  	s20 =	simm.s32 @!p1 $0x2800;
	s21 =	simm.s32 @!p1 $0x40;
	s18 =	sadd.s32 @!p1 $0x400, s2  }
0x13e: {  	[tilespmem:s20], [sflag:$0x1] =	stream.indirect.gather @!p1 [hbm4b:s24+s21], $0x80, s18, s21, $0xb8;
	[tilespmem:$0x1F800] =	vst v63  }
0x13f: {  	s18 =	simm.s32 @!p1 $0x1  }
0x140: {  	_ =	swait.ge @!p1 [sflag:s18], $0x2000  }
0x141: {  	[sflag:s18] =	ssyncset.done @!p1 $0x0  }
0x142: {  	s20 =	simm.s32 @!p1 $0x6800;
	[sflag:s18] =	ssyncadd.s32 @!p1 $0xFFFFE000;
	s18 =	sadd.s32 @!p1 $0x1700, s2  }
0x143: {  	[spmem:s1] =	stream.indirect.scatter.add.f32 @!p1 [tilespmem:s20], [sflag:$0x2], $0x80, s18, s21, $0xb8;
	[tilespmem:$0x1F800] =	vst v63  }
0x144: {  	p2 =	sne.s32 @!p1 s4, $0x0;
	s18 =	simm.s32 @!p1 $0x2  }
0x145: {  	p3 =	por !p2, p1;
	_ =	swait.ge @!p1 [sflag:s18], $0x2000  }
0x146: {  	p2 =	por p2, p1;
	s2 =	sadd.s32 @!p1 $0x480, s2;
	[sflag:s18] =	ssyncset.done @!p1 $0x0  }
0x147: {  	s20 =	simm.s32 @!p3 $0x4800;
	[sflag:s18] =	ssyncadd.s32 @!p1 $0xFFFFE000;
	s18 =	simm.s32 @!p3 $0x40  }
0x148: {  	[tilespmem:s20], [sflag:$0x1] =	stream.indirect.gather @!p3 [hbm4b:s6+s18], $0x80, s2, s18, $0xb8;
	[tilespmem:$0x1F800] =	vst v63  }
0x149: {  	s18 =	simm.s32 @!p2 $0x40;
	s20 =	simm.s32 @!p2 $0x4800  }
0x14a: {  	[tilespmem:s20], [sflag:$0x1] =	stream.indirect.gather @!p2 [hbm4b:s5+s18], $0x80, s2, s18, $0xb8;
	[tilespmem:$0x1F800] =	vst v63  }
0x14b: {  	_ =	swait.ge [sflag:s22], $0x2000  }
0x14c: {  	[sflag:s22] =	ssyncset.done $0x0  }
.Ltmp7:
0x14d: {  	s21 =	sadd.s32 $0x1780, s11;
	[sflag:s22] =	ssyncadd.s32 $0xFFFFE000;
	(pc) =	sbr.rel @p1 .LBB2_10-.Ltmp7, $4  }
0x14e: {  	[spmem:s1] =	stream.indirect.scatter.add.f32 [tilespmem:s25], [sflag:$0x2], $0x80, s21, s16, $0xb8;
	[tilespmem:$0x1F800] =	vst v63  }
0x14f: {  	_ =	swait.ge [sflag:s28], $0x2000  }
0x150: {  	[sflag:s28] =	ssyncset.done $0x0  }
0x151: {  	[sflag:s28] =	ssyncadd.s32 $0xFFFFE000  }
.Ltmp8:
0x152: {  	(pc) =	sbr.rel .LBB2_8-.Ltmp8, $3  }
0x153: {  	_ =	sdelay $0x1  }
0x154: {  	s2 =	sadd.s32 $0x500, s11;
	s13 =	sadd.s32 $0x800, s13  }
0x155: {  	[tilespmem:s9], [sflag:$0x1] =	stream.indirect.gather [hbm4b:s24+s16], $0x80, s2, s16, $0xb8;
	[tilespmem:$0x1F800] =	vst v63  }
.LBB2_12:
0x156: {  	_ =	sfence.sel $0x180000  }
0x157: {  	[bflag:$0x0] =	sbarrier.arrive $0xFFFF  }
0x158: {  	_ =	strace $0x9000004A  }
0x159: {  	s0 =	stileid.u32;
	[bflag:$0x2] =	sbarrier.arrive $0xFFFF  }
0x15a: {  	p0 =	sne.s32 s0, $0x0;
	s0 =	rddreg [dreg:$0x2]  }
0x15b: {  	s0 =	sadd.s32 @!p0 $0x100000, s0  }
0x15c: {  	[sflag:s0] =	ssyncadd.tile.s32 @!p0 $0x1;
	_ =	shalt  }
.Lfunc_end2:
_tile_overlayer_lowered:
.L_overlay_start_2:
0x15d: {  	(tag) =	ssettag $0x2  }
0x15e: {  	s0 =	rddreg [dreg:$0x0];
	s2 =	stileid.u32  }
0x15f: {  	s1 =	rddreg [dreg:$0x1];
	p0 =	sne.s32 s2, $0x0  }
0x160: {  	s3 =	rddreg [dreg:$0x2];
	[bflag:$0x3] =	sbarrier.arrive $0xFFFF;
	s2 =	simm.s32 @!p0 $0x1C03  }
0x161: {  	[timem:s3], [sflag:s2] =	dma.local @!p0 [hbm:s0], s1  }
0x162: {  	s0 =	simm.s32 @!p0 $0x3  }
0x163: {  	_ =	swait.ge @!p0 [sflag:s0], s1  }
0x164: {  	s1 =	ssub.s32 @!p0 $0x0, s1;
	[sflag:s0] =	ssyncset.done @!p0 $0x0  }
0x165: {  	[sflag:s0] =	ssyncadd.s32 @!p0 s1  }
0x166: {  	[bflag:$0x3] =	sbarrier.arrive $0xFFFF  }
0x167: {  	_ =	shalt  }

</sc_bundles>
